<compile_context>
chip_gen: v7x
topology: tpu7x:2x2x1
jax: 0.10.2.dev20260603
libtpu: 0.0.44.dev20260713+nightly
codegen_flags: <defaults>
</compile_context>

<pallas_src>
import jax
import jax.numpy as jnp
from jax import lax
from jax.experimental import pallas as pl
from jax.experimental.pallas import tpu as pltpu
from jax.experimental.pallas import tpu_sc as plsc

B = 16384
TWO_B = 2 * B
N = 100000
D = 64
TD = 32
NC = 2
NS = 16
NW = NC * NS

_MESH = plsc.VectorSubcoreMesh(core_axis_name="c", subcore_axis_name="s")
_SC_PARAMS = pltpu.CompilerParams(use_tc_tiling_on_sc=False)


def _mm(a, b):
  return lax.dot_general(a, b, (((1,), (0,)), ((), ())),
                         preferred_element_type=jnp.float32)


def _outer(a, b):
  return lax.dot_general(a, b, (((0,), (0,)), ((), ())),
                         precision=lax.Precision.HIGHEST,
                         preferred_element_type=jnp.float32)


def _k1_body(ids1d, mem_tbl, last_update, mem_rows, lu3, idx_v, rbuf, lubuf):
  c = lax.axis_index("c")
  s = lax.axis_index("s")
  w = c * NS + s
  pltpu.sync_copy(ids1d.at[pl.ds(w * 1024, 1024)], idx_v)
  pltpu.sync_copy(mem_tbl.at[idx_v], rbuf)
  pltpu.sync_copy(last_update.at[idx_v], lubuf)
  pltpu.sync_copy(rbuf, mem_rows.at[pl.ds(w * 1024, 1024), :])
  pltpu.sync_copy(lubuf, lu3.at[w // 4, 0, pl.ds((w % 4) * 1024, 1024)])


_k1 = pl.kernel(
    _k1_body,
    out_type=(
        jax.ShapeDtypeStruct((TWO_B, D), jnp.float32),
        jax.ShapeDtypeStruct((TWO_B // 4096, 1, 4096), jnp.int32),
    ),
    mesh=_MESH,
    compiler_params=_SC_PARAMS,
    scratch_types=[
        pltpu.VMEM((1024,), jnp.int32),
        pltpu.VMEM((1024, D), jnp.float32),
        pltpu.VMEM((1024,), jnp.int32),
    ],
)


def _k2_body(m1, m2, raw, t3, lu3, wrow, btime, wt, p_out):
  trel = (t3[0] - lu3[0]).astype(jnp.float32)
  tenc = jnp.cos(_outer(trel, wrow[...]) + btime[...])
  x = jnp.concatenate([m1[...], m2[...], raw[...], tenc], axis=1)
  p_out[...] = _mm(x, wt[...])


def _k2(mem_rows, raw_msg, t3, lu3, wrow, btime, wt):
  RB = 4096
  nb = B // RB
  grid = (nb, 2)
  return pl.pallas_call(
      _k2_body,
      grid=grid,
      in_specs=[
          pl.BlockSpec((RB, D), lambda i, h: (h * nb + i, 0)),
          pl.BlockSpec((RB, D), lambda i, h: ((1 - h) * nb + i, 0)),
          pl.BlockSpec((RB, D), lambda i, h: (i, 0)),
          pl.BlockSpec((1, 1, RB), lambda i, h: (i, 0, 0)),
          pl.BlockSpec((1, 1, RB), lambda i, h: (h * nb + i, 0, 0)),
          pl.BlockSpec((1, TD), lambda i, h: (0, 0)),
          pl.BlockSpec((1, TD), lambda i, h: (0, 0)),
          pl.BlockSpec((224, 192), lambda i, h: (0, 0)),
      ],
      out_specs=pl.BlockSpec((RB, 192), lambda i, h: (h * nb + i, 0)),
      out_shape=jax.ShapeDtypeStruct((TWO_B, 192), jnp.float32),
  )(mem_rows, mem_rows, raw_msg, t3, lu3, wrow, btime, wt)


def _k3_body(ids1d, p_parts, ones8_in, zblk, s_out, cnt8,
             table, ids_v, pbuf_a, pbuf_b, obuf, zscat, sem_in, sem_out):
  c = lax.axis_index("c")
  s = lax.axis_index("s")
  r0 = s * 2048
  pltpu.sync_copy(ids1d.at[pl.ds(r0, 2048)], ids_v)
  pltpu.sync_copy(zblk, zscat)
  pltpu.sync_copy(ones8_in, pbuf_b)

  bufs = [pbuf_a, pbuf_b]
  d_in = pltpu.async_copy(
      p_parts.at[pl.ds(r0, 2048), pl.ds(c * 96, 8)], pbuf_a, sem_in)

  @pl.when(c == 0)
  def _counts():
    pltpu.sync_copy(zscat, table.at[ids_v])
    plsc.subcore_barrier()
    pltpu.sync_copy(pbuf_b, table.at[ids_v], add=True)
    plsc.subcore_barrier()
    pltpu.sync_copy(table.at[ids_v], obuf)
    pltpu.sync_copy(obuf, cnt8.at[pl.ds(r0, 2048), :])
    plsc.subcore_barrier()

  d_out = None
  for q in range(12):
    pb = bufs[q % 2]
    pltpu.sync_copy(zscat, table.at[ids_v])
    d_in.wait()
    if d_out is not None:
      d_out.wait()
    plsc.subcore_barrier()
    pltpu.sync_copy(pb, table.at[ids_v], add=True)
    if q + 1 < 12:
      d_in = pltpu.async_copy(
          p_parts.at[pl.ds(r0, 2048), pl.ds(c * 96 + (q + 1) * 8, 8)],
          bufs[(q + 1) % 2], sem_in)
    plsc.subcore_barrier()
    pltpu.sync_copy(table.at[ids_v], obuf)
    plsc.subcore_barrier()
    d_out = pltpu.async_copy(
        obuf, s_out.at[pl.ds(r0, 2048), pl.ds(c * 96 + q * 8, 8)], sem_out)
  d_out.wait()


_k3 = pl.kernel(
    _k3_body,
    out_type=(
        jax.ShapeDtypeStruct((TWO_B, 192), jnp.float32),
        jax.ShapeDtypeStruct((TWO_B, 8), jnp.float32),
    ),
    mesh=_MESH,
    compiler_params=_SC_PARAMS,
    scratch_types=[
        pltpu.VMEM_SHARED((N, 8), jnp.float32),
        pltpu.VMEM((2048,), jnp.int32),
        pltpu.VMEM((2048, 8), jnp.float32),
        pltpu.VMEM((2048, 8), jnp.float32),
        pltpu.VMEM((2048, 8), jnp.float32),
        pltpu.VMEM((2048, 8), jnp.float32),
        pltpu.SemaphoreType.DMA,
        pltpu.SemaphoreType.DMA,
    ],
)


def _k4_body(s_blk, cnt8, mem_blk, wh, bi, bh, h_out):
  inv = 1.0 / cnt8[:, 0:1]
  h = mem_blk[...]
  gi = s_blk[...] * inv + bi[...]
  gh = _mm(h, wh[...]) + bh[...]
  x = gi + gh
  r = 1.0 / (1.0 + jnp.exp(-x[:, 0:64]))
  z = 1.0 / (1.0 + jnp.exp(-x[:, 64:128]))
  n = jnp.tanh(gi[:, 128:192] + r * gh[:, 128:192])
  h_out[...] = (1.0 - z) * n + z * h


def _k4(s_flat, cnt8, mem_rows, wh, bi, bh):
  RB = 4096
  return pl.pallas_call(
      _k4_body,
      grid=(TWO_B // RB,),
      in_specs=[
          pl.BlockSpec((RB, 192), lambda i: (i, 0)),
          pl.BlockSpec((RB, 8), lambda i: (i, 0)),
          pl.BlockSpec((RB, D), lambda i: (i, 0)),
          pl.BlockSpec((D, 192), lambda i: (0, 0)),
          pl.BlockSpec((1, 192), lambda i: (0, 0)),
          pl.BlockSpec((1, 192), lambda i: (0, 0)),
      ],
      out_specs=pl.BlockSpec((RB, D), lambda i: (i, 0)),
      out_shape=jax.ShapeDtypeStruct((TWO_B, D), jnp.float32),
  )(s_flat, cnt8, mem_rows, wh, bi, bh)


def _k5_body(ids1d, h_new, out_tbl, idx_v, hbuf):
  c = lax.axis_index("c")
  s = lax.axis_index("s")
  w = c * NS + s
  pltpu.sync_copy(ids1d.at[pl.ds(w * 1024, 1024)], idx_v)
  pltpu.sync_copy(h_new.at[pl.ds(w * 1024, 1024), :], hbuf)
  pltpu.sync_copy(hbuf, out_tbl.at[idx_v])


_k5 = pl.kernel(
    _k5_body,
    out_type=(),
    mesh=_MESH,
    compiler_params=_SC_PARAMS,
    scratch_types=[
        pltpu.VMEM((1024,), jnp.int32),
        pltpu.VMEM((1024, D), jnp.float32),
    ],
)


def kernel(src, pos_dst, neg_dst, t, raw_msg, memory, last_update,
           W_time, b_time, W_ih, W_hh, b_ih, b_hh):
  del neg_dst
  ids = jnp.concatenate([src, pos_dst]).astype(jnp.int32)
  mem_ref = jax.new_ref(memory)

  mem_rows, lu3 = _k1(ids, mem_ref, last_update.astype(jnp.int32))

  t3 = t.astype(jnp.int32).reshape(B // 4096, 1, 4096)
  wrow = W_time[:, 0].reshape(1, TD)
  btime = b_time.reshape(1, TD)
  WT = W_ih.T
  p_parts = _k2(mem_rows, raw_msg, t3, lu3, wrow, btime, WT)

  ones8 = jnp.ones((2048, 8), jnp.float32)
  zblk = jnp.zeros((2048, 8), jnp.float32)
  s_parts, cnt8 = _k3(ids, p_parts, ones8, zblk)

  WHT = W_hh.T
  h_new = _k4(s_parts, cnt8, mem_rows, WHT,
              b_ih.reshape(1, 192), b_hh.reshape(1, 192))

  _k5(ids, h_new, mem_ref)
  return mem_ref[...]

# --- scband reference (transcript-rebuilt; emitter-appended) ---
"""Pipeline reference for scband-tgn-58119497450033 (READ-ONLY COPY).

The authoritative reference and input builder live on the scoring server;
editing this copy changes nothing except your own understanding.
"""

import jax, jax.numpy as jnp
import numpy as np

NUM_NODES = 100000
MEM_DIM = 64
TIME_DIM = 32
MSG_DIM = 64
B = 16384
GRU_IN = 2 * MEM_DIM + MSG_DIM + TIME_DIM  # identity message module: concat(mem_src, mem_dst, raw_msg, t_enc)


def gru_cell(x, h, W_ih, W_hh, b_ih, b_hh):
    gi = x @ W_ih.T + b_ih
    gh = h @ W_hh.T + b_hh
    i_r, i_z, i_n = jnp.split(gi, 3, axis=-1)
    h_r, h_z, h_n = jnp.split(gh, 3, axis=-1)
    r = jax.nn.sigmoid(i_r + h_r)
    z = jax.nn.sigmoid(i_z + h_z)
    n = jnp.tanh(i_n + r * h_n)
    return (1.0 - z) * n + z * h


def setup_inputs(seed: int = 0) -> dict:
    key = jax.random.key(seed)
    ks = jax.random.split(key, 12)
    src = jax.random.randint(ks[0], (B,), 0, NUM_NODES, dtype=jnp.int64) if jax.config.jax_enable_x64 else jax.random.randint(ks[0], (B,), 0, NUM_NODES, dtype=jnp.int32)
    pos_dst = jax.random.randint(ks[1], (B,), 0, NUM_NODES, dtype=src.dtype)
    neg_dst = jax.random.randint(ks[2], (B,), 0, NUM_NODES, dtype=src.dtype)
    t = jnp.sort(jax.random.randint(ks[3], (B,), 0, 100000, dtype=src.dtype))
    raw_msg = jax.random.normal(ks[4], (B, MSG_DIM), dtype=jnp.float32)
    # learned / stateful parameters
    memory = jax.random.normal(ks[5], (NUM_NODES, MEM_DIM), dtype=jnp.float32) * 0.1
    last_update = jnp.zeros((NUM_NODES,), dtype=src.dtype)
    W_time = jax.random.normal(ks[6], (TIME_DIM, 1), dtype=jnp.float32) * 0.1
    b_time = jnp.zeros((TIME_DIM,), dtype=jnp.float32)
    W_ih = jax.random.normal(ks[7], (3 * MEM_DIM, GRU_IN), dtype=jnp.float32) * (1.0 / np.sqrt(GRU_IN))
    W_hh = jax.random.normal(ks[8], (3 * MEM_DIM, MEM_DIM), dtype=jnp.float32) * (1.0 / np.sqrt(MEM_DIM))
    b_ih = jnp.zeros((3 * MEM_DIM,), dtype=jnp.float32)
    b_hh = jnp.zeros((3 * MEM_DIM,), dtype=jnp.float32)
    return {"src": src, "pos_dst": pos_dst, "neg_dst": neg_dst, "t": t, "raw_msg": raw_msg,
            "memory": memory, "last_update": last_update, "W_time": W_time, "b_time": b_time,
            "W_ih": W_ih, "W_hh": W_hh, "b_ih": b_ih, "b_hh": b_hh}


def reference(src, pos_dst, neg_dst, t, raw_msg, memory, last_update, W_time, b_time, W_ih, W_hh, b_ih, b_hh):
    dst = pos_dst
    # time encoding (Linear(1, time_dim) followed by cos, as in TGN.update_memory)
    t_rel_src = (t - last_update[src]).astype(raw_msg.dtype)[:, None]
    t_src_enc = jnp.cos(t_rel_src @ W_time.T + b_time)
    t_rel_dst = (t - last_update[dst]).astype(raw_msg.dtype)[:, None]
    t_dst_enc = jnp.cos(t_rel_dst @ W_time.T + b_time)
    # identity message modules (concat of gathered memory rows, raw message, time enc)
    mem_src = memory[src]
    mem_dst = memory[dst]
    msg_src = jnp.concatenate([mem_src, mem_dst, raw_msg, t_src_enc], axis=-1)
    msg_dst = jnp.concatenate([mem_dst, mem_src, raw_msg, t_dst_enc], axis=-1)
    ids = jnp.concatenate([src, dst], axis=0)
    msgs = jnp.concatenate([msg_src, msg_dst], axis=0)
    # mean aggregation per destination node (scatter-add + count)
    sums = jax.ops.segment_sum(msgs, ids, num_segments=NUM_NODES)
    cnts = jax.ops.segment_sum(jnp.ones((ids.shape[0],), dtype=msgs.dtype), ids, num_segments=NUM_NODES)
    agg = sums[ids] / jnp.maximum(cnts[ids], 1.0)[:, None]
    # GRU memory update on touched rows, scattered back into the memory table
    h = memory[ids]
    h_new = gru_cell(agg, h, W_ih, W_hh, b_ih, b_hh)
    new_memory = memory.at[ids].set(h_new)
    return new_memory

if __name__ == "__main__":
    import jax
    _d = setup_inputs()
    print(jax.jit(kernel)(*tuple(_d.values())))

</pallas_src>

<mosaic_0001>
#map = affine_map<(d0, d1) -> (0)>
#map1 = affine_map<(d0, d1) -> (0, 0)>
module attributes {stable_mosaic.version = 14 : i64} {
  func.func @_k3_body(%arg0: i32, %arg1: i32, %arg2: memref<32768xi32, #tpu.memory_space<hbm>>, %arg3: memref<32768x192xf32, #tpu.memory_space<hbm>>, %arg4: memref<2048x8xf32, #tpu.memory_space<hbm>>, %arg5: memref<2048x8xf32, #tpu.memory_space<hbm>>, %arg6: memref<32768x192xf32, #tpu.memory_space<hbm>>, %arg7: memref<32768x8xf32, #tpu.memory_space<hbm>>, %arg8: memref<100000x8xf32, #tpu.memory_space<vmem_shared>>, %arg9: memref<2048xi32, #tpu.memory_space<vmem>>, %arg10: memref<2048x8xf32, #tpu.memory_space<vmem>>, %arg11: memref<2048x8xf32, #tpu.memory_space<vmem>>, %arg12: memref<2048x8xf32, #tpu.memory_space<vmem>>, %arg13: memref<2048x8xf32, #tpu.memory_space<vmem>>, %arg14: memref<!tpu.dma_semaphore, #tpu.memory_space<semaphore_mem>>, %arg15: memref<!tpu.dma_semaphore, #tpu.memory_space<semaphore_mem>>) attributes {dimension_semantics = [#tpu.dimension_semantics<core_parallel>, #tpu.dimension_semantics<subcore_parallel>], iteration_bounds = array<i64: 2, 16>, scalar_prefetch = 0 : i64, scratch_operands = 8 : i64, tpu.core_type = #tpu.core_type<sc_vector_subcore>, window_params = [{transform_indices = #map}, {transform_indices = #map1}, {transform_indices = #map1}, {transform_indices = #map1}, {transform_indices = #map1}, {transform_indices = #map1}]} {
    %mul3A = arith.constant 2048 : i32
    %mul3A_0 = arith.muli %arg1, %mul3A : i32
    "tpu.region"() ({
      %run_scoped3A = tpu.sem_alloc : memref<!tpu.dma_semaphore, #tpu.memory_space<semaphore_mem>>
      %dma_start3A_225 = tpu.memref_slice %arg2[%mul3A_0] : memref<32768xi32, #tpu.memory_space<hbm>> -> memref<2048xi32, #tpu.memory_space<hbm>>
      %dma_start3A_226 = tpu.memref_slice %arg2[%mul3A_0] : memref<32768xi32, #tpu.memory_space<hbm>> -> memref<2048xi32, #tpu.memory_space<hbm>>
      tpu.enqueue_dma source(%dma_start3A_226 : memref<2048xi32, #tpu.memory_space<hbm>>) target(%arg9 : memref<2048xi32, #tpu.memory_space<vmem>>) target_semaphore(%run_scoped3A : memref<!tpu.dma_semaphore, #tpu.memory_space<semaphore_mem>>)
      %dma_wait3A_227 = tpu.memref_slice %arg2[%mul3A_0] : memref<32768xi32, #tpu.memory_space<hbm>> -> memref<2048xi32, #tpu.memory_space<hbm>>
      %dma_wait3A_228 = tpu.memref_slice %arg2[%mul3A_0] : memref<32768xi32, #tpu.memory_space<hbm>> -> memref<2048xi32, #tpu.memory_space<hbm>>
      tpu.wait_dma2 semaphore(%run_scoped3A : memref<!tpu.dma_semaphore, #tpu.memory_space<semaphore_mem>>) src(%dma_wait3A_228 : memref<2048xi32, #tpu.memory_space<hbm>>) dst(%arg9 : memref<2048xi32, #tpu.memory_space<vmem>>)
      tpu.yield
    }) : () -> ()
    "tpu.region"() ({
      %run_scoped3A = tpu.sem_alloc : memref<!tpu.dma_semaphore, #tpu.memory_space<semaphore_mem>>
      tpu.enqueue_dma source(%arg5 : memref<2048x8xf32, #tpu.memory_space<hbm>>) target(%arg13 : memref<2048x8xf32, #tpu.memory_space<vmem>>) target_semaphore(%run_scoped3A : memref<!tpu.dma_semaphore, #tpu.memory_space<semaphore_mem>>)
      tpu.wait_dma2 semaphore(%run_scoped3A : memref<!tpu.dma_semaphore, #tpu.memory_space<semaphore_mem>>) src(%arg5 : memref<2048x8xf32, #tpu.memory_space<hbm>>) dst(%arg13 : memref<2048x8xf32, #tpu.memory_space<vmem>>)
      tpu.yield
    }) : () -> ()
    "tpu.region"() ({
      %run_scoped3A = tpu.sem_alloc : memref<!tpu.dma_semaphore, #tpu.memory_space<semaphore_mem>>
      tpu.enqueue_dma source(%arg4 : memref<2048x8xf32, #tpu.memory_space<hbm>>) target(%arg11 : memref<2048x8xf32, #tpu.memory_space<vmem>>) target_semaphore(%run_scoped3A : memref<!tpu.dma_semaphore, #tpu.memory_space<semaphore_mem>>)
      tpu.wait_dma2 semaphore(%run_scoped3A : memref<!tpu.dma_semaphore, #tpu.memory_space<semaphore_mem>>) src(%arg4 : memref<2048x8xf32, #tpu.memory_space<hbm>>) dst(%arg11 : memref<2048x8xf32, #tpu.memory_space<vmem>>)
      tpu.yield
    }) : () -> ()
    %mul3A_1 = arith.constant 96 : i32
    %mul3A_2 = arith.muli %arg0, %mul3A_1 : i32
    %dma_start3A = tpu.memref_slice %arg3[%mul3A_0, %mul3A_2] : memref<32768x192xf32, #tpu.memory_space<hbm>> -> memref<2048x8xf32, #tpu.memory_space<hbm>>
    %dma_start3A_3 = tpu.memref_slice %arg3[%mul3A_0, %mul3A_2] : memref<32768x192xf32, #tpu.memory_space<hbm>> -> memref<2048x8xf32, #tpu.memory_space<hbm>>
    tpu.enqueue_dma source(%dma_start3A_3 : memref<2048x8xf32, #tpu.memory_space<hbm>>) target(%arg10 : memref<2048x8xf32, #tpu.memory_space<vmem>>) target_semaphore(%arg14 : memref<!tpu.dma_semaphore, #tpu.memory_space<semaphore_mem>>)
    %eq3A = arith.constant 0 : i32
    %eq3A_4 = arith.cmpi eq, %arg0, %eq3A : i32
    %convert_element_type3A = arith.extui %eq3A_4 : i1 to i32
    %cond3A = arith.constant 0 : i32
    %cond3A_5 = arith.cmpi ne, %convert_element_type3A, %cond3A : i32
    scf.if %cond3A_5 {
      "tpu.region"() ({
        %run_scoped3A = tpu.sem_alloc : memref<!tpu.dma_semaphore, #tpu.memory_space<semaphore_mem>>
        %dma_start3A_228 = arith.constant 0 : i32
        %dma_start3A_229 = arith.constant 0 : i32
        %dma_start3A_230 = tpu.memref_slice %arg8[%dma_start3A_228, %dma_start3A_229] : memref<100000x8xf32, #tpu.memory_space<vmem_shared>> -> memref<100000x8xf32, #tpu.memory_space<vmem_shared>>
        tpu.enqueue_indirect_dma source(%arg13 : memref<2048x8xf32, #tpu.memory_space<vmem>>) target(%dma_start3A_230 : memref<100000x8xf32, #tpu.memory_space<vmem_shared>>) offsets(%arg9 : memref<2048xi32, #tpu.memory_space<vmem>>) semaphore(%run_scoped3A : memref<!tpu.dma_semaphore, #tpu.memory_space<semaphore_mem>>)
        %dma_wait3A_231 = arith.constant 0 : i32
        %dma_wait3A_232 = arith.constant 0 : i32
        %dma_wait3A_233 = tpu.memref_slice %arg8[%dma_wait3A_231, %dma_wait3A_232] : memref<100000x8xf32, #tpu.memory_space<vmem_shared>> -> memref<100000x8xf32, #tpu.memory_space<vmem_shared>>
        tpu.wait_indirect_dma semaphore(%run_scoped3A : memref<!tpu.dma_semaphore, #tpu.memory_space<semaphore_mem>>) src(%arg13 : memref<2048x8xf32, #tpu.memory_space<vmem>>) dst(%dma_wait3A_233 : memref<100000x8xf32, #tpu.memory_space<vmem_shared>>)
        tpu.yield
      }) : () -> ()
      %barrier3A_225 = arith.constant 0 : index
      tpu.barrier barrier_id(%barrier3A_225)
      "tpu.region"() ({
        %run_scoped3A = tpu.sem_alloc : memref<!tpu.dma_semaphore, #tpu.memory_space<semaphore_mem>>
        %dma_start3A_228 = arith.constant 0 : i32
        %dma_start3A_229 = arith.constant 0 : i32
        %dma_start3A_230 = tpu.memref_slice %arg8[%dma_start3A_228, %dma_start3A_229] : memref<100000x8xf32, #tpu.memory_space<vmem_shared>> -> memref<100000x8xf32, #tpu.memory_space<vmem_shared>>
        tpu.enqueue_indirect_dma source(%arg11 : memref<2048x8xf32, #tpu.memory_space<vmem>>) target(%dma_start3A_230 : memref<100000x8xf32, #tpu.memory_space<vmem_shared>>) offsets(%arg9 : memref<2048xi32, #tpu.memory_space<vmem>>) semaphore(%run_scoped3A : memref<!tpu.dma_semaphore, #tpu.memory_space<semaphore_mem>>) {add = true}
        %dma_wait3A_231 = arith.constant 0 : i32
        %dma_wait3A_232 = arith.constant 0 : i32
        %dma_wait3A_233 = tpu.memref_slice %arg8[%dma_wait3A_231, %dma_wait3A_232] : memref<100000x8xf32, #tpu.memory_space<vmem_shared>> -> memref<100000x8xf32, #tpu.memory_space<vmem_shared>>
        tpu.wait_indirect_dma semaphore(%run_scoped3A : memref<!tpu.dma_semaphore, #tpu.memory_space<semaphore_mem>>) src(%arg11 : memref<2048x8xf32, #tpu.memory_space<vmem>>) dst(%dma_wait3A_233 : memref<100000x8xf32, #tpu.memory_space<vmem_shared>>)
        tpu.yield
      }) : () -> ()
      %barrier3A_226 = arith.constant 0 : index
      tpu.barrier barrier_id(%barrier3A_226)
      "tpu.region"() ({
        %run_scoped3A = tpu.sem_alloc : memref<!tpu.dma_semaphore, #tpu.memory_space<semaphore_mem>>
        %dma_start3A_228 = arith.constant 0 : i32
        %dma_start3A_229 = arith.constant 0 : i32
        %dma_start3A_230 = tpu.memref_slice %arg8[%dma_start3A_228, %dma_start3A_229] : memref<100000x8xf32, #tpu.memory_space<vmem_shared>> -> memref<100000x8xf32, #tpu.memory_space<vmem_shared>>
        tpu.enqueue_indirect_dma source(%dma_start3A_230 : memref<100000x8xf32, #tpu.memory_space<vmem_shared>>) target(%arg12 : memref<2048x8xf32, #tpu.memory_space<vmem>>) offsets(%arg9 : memref<2048xi32, #tpu.memory_space<vmem>>) semaphore(%run_scoped3A : memref<!tpu.dma_semaphore, #tpu.memory_space<semaphore_mem>>)
        %dma_wait3A_231 = arith.constant 0 : i32
        %dma_wait3A_232 = arith.constant 0 : i32
        %dma_wait3A_233 = tpu.memref_slice %arg8[%dma_wait3A_231, %dma_wait3A_232] : memref<100000x8xf32, #tpu.memory_space<vmem_shared>> -> memref<100000x8xf32, #tpu.memory_space<vmem_shared>>
        tpu.wait_indirect_dma semaphore(%run_scoped3A : memref<!tpu.dma_semaphore, #tpu.memory_space<semaphore_mem>>) src(%dma_wait3A_233 : memref<100000x8xf32, #tpu.memory_space<vmem_shared>>) dst(%arg12 : memref<2048x8xf32, #tpu.memory_space<vmem>>)
        tpu.yield
      }) : () -> ()
      "tpu.region"() ({
        %run_scoped3A = tpu.sem_alloc : memref<!tpu.dma_semaphore, #tpu.memory_space<semaphore_mem>>
        %dma_start3A_228 = arith.constant 0 : i32
        %dma_start3A_229 = tpu.memref_slice %arg7[%mul3A_0, %dma_start3A_228] : memref<32768x8xf32, #tpu.memory_space<hbm>> -> memref<2048x8xf32, #tpu.memory_space<hbm>>
        %dma_start3A_230 = arith.constant 0 : i32
        %dma_start3A_231 = tpu.memref_slice %arg7[%mul3A_0, %dma_start3A_230] : memref<32768x8xf32, #tpu.memory_space<hbm>> -> memref<2048x8xf32, #tpu.memory_space<hbm>>
        tpu.enqueue_dma source(%arg12 : memref<2048x8xf32, #tpu.memory_space<vmem>>) target(%dma_start3A_231 : memref<2048x8xf32, #tpu.memory_space<hbm>>) target_semaphore(%run_scoped3A : memref<!tpu.dma_semaphore, #tpu.memory_space<semaphore_mem>>)
        %dma_wait3A_232 = arith.constant 0 : i32
        %dma_wait3A_233 = tpu.memref_slice %arg7[%mul3A_0, %dma_wait3A_232] : memref<32768x8xf32, #tpu.memory_space<hbm>> -> memref<2048x8xf32, #tpu.memory_space<hbm>>
        %dma_wait3A_234 = arith.constant 0 : i32
        %dma_wait3A_235 = tpu.memref_slice %arg7[%mul3A_0, %dma_wait3A_234] : memref<32768x8xf32, #tpu.memory_space<hbm>> -> memref<2048x8xf32, #tpu.memory_space<hbm>>
        tpu.wait_dma2 semaphore(%run_scoped3A : memref<!tpu.dma_semaphore, #tpu.memory_space<semaphore_mem>>) src(%arg12 : memref<2048x8xf32, #tpu.memory_space<vmem>>) dst(%dma_wait3A_235 : memref<2048x8xf32, #tpu.memory_space<hbm>>)
        tpu.yield
      }) : () -> ()
      %barrier3A_227 = arith.constant 0 : index
      tpu.barrier barrier_id(%barrier3A_227)
    } else {
    }
    "tpu.region"() ({
      %run_scoped3A = tpu.sem_alloc : memref<!tpu.dma_semaphore, #tpu.memory_space<semaphore_mem>>
      %dma_start3A_225 = arith.constant 0 : i32
      %dma_start3A_226 = arith.constant 0 : i32
      %dma_start3A_227 = tpu.memref_slice %arg8[%dma_start3A_225, %dma_start3A_226] : memref<100000x8xf32, #tpu.memory_space<vmem_shared>> -> memref<100000x8xf32, #tpu.memory_space<vmem_shared>>
      tpu.enqueue_indirect_dma source(%arg13 : memref<2048x8xf32, #tpu.memory_space<vmem>>) target(%dma_start3A_227 : memref<100000x8xf32, #tpu.memory_space<vmem_shared>>) offsets(%arg9 : memref<2048xi32, #tpu.memory_space<vmem>>) semaphore(%run_scoped3A : memref<!tpu.dma_semaphore, #tpu.memory_space<semaphore_mem>>)
      %dma_wait3A_228 = arith.constant 0 : i32
      %dma_wait3A_229 = arith.constant 0 : i32
      %dma_wait3A_230 = tpu.memref_slice %arg8[%dma_wait3A_228, %dma_wait3A_229] : memref<100000x8xf32, #tpu.memory_space<vmem_shared>> -> memref<100000x8xf32, #tpu.memory_space<vmem_shared>>
      tpu.wait_indirect_dma semaphore(%run_scoped3A : memref<!tpu.dma_semaphore, #tpu.memory_space<semaphore_mem>>) src(%arg13 : memref<2048x8xf32, #tpu.memory_space<vmem>>) dst(%dma_wait3A_230 : memref<100000x8xf32, #tpu.memory_space<vmem_shared>>)
      tpu.yield
    }) : () -> ()
    %dma_wait3A = tpu.memref_slice %arg3[%mul3A_0, %mul3A_2] : memref<32768x192xf32, #tpu.memory_space<hbm>> -> memref<2048x8xf32, #tpu.memory_space<hbm>>
    %dma_wait3A_6 = tpu.memref_slice %arg3[%mul3A_0, %mul3A_2] : memref<32768x192xf32, #tpu.memory_space<hbm>> -> memref<2048x8xf32, #tpu.memory_space<hbm>>
    tpu.wait_dma2 semaphore(%arg14 : memref<!tpu.dma_semaphore, #tpu.memory_space<semaphore_mem>>) src(%dma_wait3A_6 : memref<2048x8xf32, #tpu.memory_space<hbm>>) dst(%arg10 : memref<2048x8xf32, #tpu.memory_space<vmem>>)
    %barrier3A = arith.constant 0 : index
    tpu.barrier barrier_id(%barrier3A)
    "tpu.region"() ({
      %run_scoped3A = tpu.sem_alloc : memref<!tpu.dma_semaphore, #tpu.memory_space<semaphore_mem>>
      %dma_start3A_225 = arith.constant 0 : i32
      %dma_start3A_226 = arith.constant 0 : i32
      %dma_start3A_227 = tpu.memref_slice %arg8[%dma_start3A_225, %dma_start3A_226] : memref<100000x8xf32, #tpu.memory_space<vmem_shared>> -> memref<100000x8xf32, #tpu.memory_space<vmem_shared>>
      tpu.enqueue_indirect_dma source(%arg10 : memref<2048x8xf32, #tpu.memory_space<vmem>>) target(%dma_start3A_227 : memref<100000x8xf32, #tpu.memory_space<vmem_shared>>) offsets(%arg9 : memref<2048xi32, #tpu.memory_space<vmem>>) semaphore(%run_scoped3A : memref<!tpu.dma_semaphore, #tpu.memory_space<semaphore_mem>>) {add = true}
      %dma_wait3A_228 = arith.constant 0 : i32
      %dma_wait3A_229 = arith.constant 0 : i32
      %dma_wait3A_230 = tpu.memref_slice %arg8[%dma_wait3A_228, %dma_wait3A_229] : memref<100000x8xf32, #tpu.memory_space<vmem_shared>> -> memref<100000x8xf32, #tpu.memory_space<vmem_shared>>
      tpu.wait_indirect_dma semaphore(%run_scoped3A : memref<!tpu.dma_semaphore, #tpu.memory_space<semaphore_mem>>) src(%arg10 : memref<2048x8xf32, #tpu.memory_space<vmem>>) dst(%dma_wait3A_230 : memref<100000x8xf32, #tpu.memory_space<vmem_shared>>)
      tpu.yield
    }) : () -> ()
    %mul3A_7 = arith.constant 96 : i32
    %mul3A_8 = arith.muli %arg0, %mul3A_7 : i32
    %add3A = arith.constant 8 : i32
    %add3A_9 = arith.addi %mul3A_8, %add3A : i32
    %dma_start3A_10 = tpu.memref_slice %arg3[%mul3A_0, %add3A_9] : memref<32768x192xf32, #tpu.memory_space<hbm>> -> memref<2048x8xf32, #tpu.memory_space<hbm>>
    %dma_start3A_11 = tpu.memref_slice %arg3[%mul3A_0, %add3A_9] : memref<32768x192xf32, #tpu.memory_space<hbm>> -> memref<2048x8xf32, #tpu.memory_space<hbm>>
    tpu.enqueue_dma source(%dma_start3A_11 : memref<2048x8xf32, #tpu.memory_space<hbm>>) target(%arg11 : memref<2048x8xf32, #tpu.memory_space<vmem>>) target_semaphore(%arg14 : memref<!tpu.dma_semaphore, #tpu.memory_space<semaphore_mem>>)
    %barrier3A_12 = arith.constant 0 : index
    tpu.barrier barrier_id(%barrier3A_12)
    "tpu.region"() ({
      %run_scoped3A = tpu.sem_alloc : memref<!tpu.dma_semaphore, #tpu.memory_space<semaphore_mem>>
      %dma_start3A_225 = arith.constant 0 : i32
      %dma_start3A_226 = arith.constant 0 : i32
      %dma_start3A_227 = tpu.memref_slice %arg8[%dma_start3A_225, %dma_start3A_226] : memref<100000x8xf32, #tpu.memory_space<vmem_shared>> -> memref<100000x8xf32, #tpu.memory_space<vmem_shared>>
      tpu.enqueue_indirect_dma source(%dma_start3A_227 : memref<100000x8xf32, #tpu.memory_space<vmem_shared>>) target(%arg12 : memref<2048x8xf32, #tpu.memory_space<vmem>>) offsets(%arg9 : memref<2048xi32, #tpu.memory_space<vmem>>) semaphore(%run_scoped3A : memref<!tpu.dma_semaphore, #tpu.memory_space<semaphore_mem>>)
      %dma_wait3A_228 = arith.constant 0 : i32
      %dma_wait3A_229 = arith.constant 0 : i32
      %dma_wait3A_230 = tpu.memref_slice %arg8[%dma_wait3A_228, %dma_wait3A_229] : memref<100000x8xf32, #tpu.memory_space<vmem_shared>> -> memref<100000x8xf32, #tpu.memory_space<vmem_shared>>
      tpu.wait_indirect_dma semaphore(%run_scoped3A : memref<!tpu.dma_semaphore, #tpu.memory_space<semaphore_mem>>) src(%dma_wait3A_230 : memref<100000x8xf32, #tpu.memory_space<vmem_shared>>) dst(%arg12 : memref<2048x8xf32, #tpu.memory_space<vmem>>)
      tpu.yield
    }) : () -> ()
    %barrier3A_13 = arith.constant 0 : index
    tpu.barrier barrier_id(%barrier3A_13)
    %mul3A_14 = arith.constant 96 : i32
    %mul3A_15 = arith.muli %arg0, %mul3A_14 : i32
    %add3A_16 = arith.constant 0 : i32
    %add3A_17 = arith.addi %mul3A_15, %add3A_16 : i32
    %dma_start3A_18 = tpu.memref_slice %arg6[%mul3A_0, %add3A_17] : memref<32768x192xf32, #tpu.memory_space<hbm>> -> memref<2048x8xf32, #tpu.memory_space<hbm>>
    %dma_start3A_19 = tpu.memref_slice %arg6[%mul3A_0, %add3A_17] : memref<32768x192xf32, #tpu.memory_space<hbm>> -> memref<2048x8xf32, #tpu.memory_space<hbm>>
    tpu.enqueue_dma source(%arg12 : memref<2048x8xf32, #tpu.memory_space<vmem>>) target(%dma_start3A_19 : memref<2048x8xf32, #tpu.memory_space<hbm>>) target_semaphore(%arg15 : memref<!tpu.dma_semaphore, #tpu.memory_space<semaphore_mem>>)
    "tpu.region"() ({
      %run_scoped3A = tpu.sem_alloc : memref<!tpu.dma_semaphore, #tpu.memory_space<semaphore_mem>>
      %dma_start3A_225 = arith.constant 0 : i32
      %dma_start3A_226 = arith.constant 0 : i32
      %dma_start3A_227 = tpu.memref_slice %arg8[%dma_start3A_225, %dma_start3A_226] : memref<100000x8xf32, #tpu.memory_space<vmem_shared>> -> memref<100000x8xf32, #tpu.memory_space<vmem_shared>>
      tpu.enqueue_indirect_dma source(%arg13 : memref<2048x8xf32, #tpu.memory_space<vmem>>) target(%dma_start3A_227 : memref<100000x8xf32, #tpu.memory_space<vmem_shared>>) offsets(%arg9 : memref<2048xi32, #tpu.memory_space<vmem>>) semaphore(%run_scoped3A : memref<!tpu.dma_semaphore, #tpu.memory_space<semaphore_mem>>)
      %dma_wait3A_228 = arith.constant 0 : i32
      %dma_wait3A_229 = arith.constant 0 : i32
      %dma_wait3A_230 = tpu.memref_slice %arg8[%dma_wait3A_228, %dma_wait3A_229] : memref<100000x8xf32, #tpu.memory_space<vmem_shared>> -> memref<100000x8xf32, #tpu.memory_space<vmem_shared>>
      tpu.wait_indirect_dma semaphore(%run_scoped3A : memref<!tpu.dma_semaphore, #tpu.memory_space<semaphore_mem>>) src(%arg13 : memref<2048x8xf32, #tpu.memory_space<vmem>>) dst(%dma_wait3A_230 : memref<100000x8xf32, #tpu.memory_space<vmem_shared>>)
      tpu.yield
    }) : () -> ()
    %dma_wait3A_20 = tpu.memref_slice %arg3[%mul3A_0, %add3A_9] : memref<32768x192xf32, #tpu.memory_space<hbm>> -> memref<2048x8xf32, #tpu.memory_space<hbm>>
    %dma_wait3A_21 = tpu.memref_slice %arg3[%mul3A_0, %add3A_9] : memref<32768x192xf32, #tpu.memory_space<hbm>> -> memref<2048x8xf32, #tpu.memory_space<hbm>>
    tpu.wait_dma2 semaphore(%arg14 : memref<!tpu.dma_semaphore, #tpu.memory_space<semaphore_mem>>) src(%dma_wait3A_21 : memref<2048x8xf32, #tpu.memory_space<hbm>>) dst(%arg11 : memref<2048x8xf32, #tpu.memory_space<vmem>>)
    %dma_wait3A_22 = tpu.memref_slice %arg6[%mul3A_0, %add3A_17] : memref<32768x192xf32, #tpu.memory_space<hbm>> -> memref<2048x8xf32, #tpu.memory_space<hbm>>
    %dma_wait3A_23 = tpu.memref_slice %arg6[%mul3A_0, %add3A_17] : memref<32768x192xf32, #tpu.memory_space<hbm>> -> memref<2048x8xf32, #tpu.memory_space<hbm>>
    tpu.wait_dma2 semaphore(%arg15 : memref<!tpu.dma_semaphore, #tpu.memory_space<semaphore_mem>>) src(%arg12 : memref<2048x8xf32, #tpu.memory_space<vmem>>) dst(%dma_wait3A_23 : memref<2048x8xf32, #tpu.memory_space<hbm>>)
    %barrier3A_24 = arith.constant 0 : index
    tpu.barrier barrier_id(%barrier3A_24)
    "tpu.region"() ({
      %run_scoped3A = tpu.sem_alloc : memref<!tpu.dma_semaphore, #tpu.memory_space<semaphore_mem>>
      %dma_start3A_225 = arith.constant 0 : i32
      %dma_start3A_226 = arith.constant 0 : i32
      %dma_start3A_227 = tpu.memref_slice %arg8[%dma_start3A_225, %dma_start3A_226] : memref<100000x8xf32, #tpu.memory_space<vmem_shared>> -> memref<100000x8xf32, #tpu.memory_space<vmem_shared>>
      tpu.enqueue_indirect_dma source(%arg11 : memref<2048x8xf32, #tpu.memory_space<vmem>>) target(%dma_start3A_227 : memref<100000x8xf32, #tpu.memory_space<vmem_shared>>) offsets(%arg9 : memref<2048xi32, #tpu.memory_space<vmem>>) semaphore(%run_scoped3A : memref<!tpu.dma_semaphore, #tpu.memory_space<semaphore_mem>>) {add = true}
      %dma_wait3A_228 = arith.constant 0 : i32
      %dma_wait3A_229 = arith.constant 0 : i32
      %dma_wait3A_230 = tpu.memref_slice %arg8[%dma_wait3A_228, %dma_wait3A_229] : memref<100000x8xf32, #tpu.memory_space<vmem_shared>> -> memref<100000x8xf32, #tpu.memory_space<vmem_shared>>
      tpu.wait_indirect_dma semaphore(%run_scoped3A : memref<!tpu.dma_semaphore, #tpu.memory_space<semaphore_mem>>) src(%arg11 : memref<2048x8xf32, #tpu.memory_space<vmem>>) dst(%dma_wait3A_230 : memref<100000x8xf32, #tpu.memory_space<vmem_shared>>)
      tpu.yield
    }) : () -> ()
    %mul3A_25 = arith.constant 96 : i32
    %mul3A_26 = arith.muli %arg0, %mul3A_25 : i32
    %add3A_27 = arith.constant 16 : i32
    %add3A_28 = arith.addi %mul3A_26, %add3A_27 : i32
    %dma_start3A_29 = tpu.memref_slice %arg3[%mul3A_0, %add3A_28] : memref<32768x192xf32, #tpu.memory_space<hbm>> -> memref<2048x8xf32, #tpu.memory_space<hbm>>
    %dma_start3A_30 = tpu.memref_slice %arg3[%mul3A_0, %add3A_28] : memref<32768x192xf32, #tpu.memory_space<hbm>> -> memref<2048x8xf32, #tpu.memory_space<hbm>>
    tpu.enqueue_dma source(%dma_start3A_30 : memref<2048x8xf32, #tpu.memory_space<hbm>>) target(%arg10 : memref<2048x8xf32, #tpu.memory_space<vmem>>) target_semaphore(%arg14 : memref<!tpu.dma_semaphore, #tpu.memory_space<semaphore_mem>>)
    %barrier3A_31 = arith.constant 0 : index
    tpu.barrier barrier_id(%barrier3A_31)
    "tpu.region"() ({
      %run_scoped3A = tpu.sem_alloc : memref<!tpu.dma_semaphore, #tpu.memory_space<semaphore_mem>>
      %dma_start3A_225 = arith.constant 0 : i32
      %dma_start3A_226 = arith.constant 0 : i32
      %dma_start3A_227 = tpu.memref_slice %arg8[%dma_start3A_225, %dma_start3A_226] : memref<100000x8xf32, #tpu.memory_space<vmem_shared>> -> memref<100000x8xf32, #tpu.memory_space<vmem_shared>>
      tpu.enqueue_indirect_dma source(%dma_start3A_227 : memref<100000x8xf32, #tpu.memory_space<vmem_shared>>) target(%arg12 : memref<2048x8xf32, #tpu.memory_space<vmem>>) offsets(%arg9 : memref<2048xi32, #tpu.memory_space<vmem>>) semaphore(%run_scoped3A : memref<!tpu.dma_semaphore, #tpu.memory_space<semaphore_mem>>)
      %dma_wait3A_228 = arith.constant 0 : i32
      %dma_wait3A_229 = arith.constant 0 : i32
      %dma_wait3A_230 = tpu.memref_slice %arg8[%dma_wait3A_228, %dma_wait3A_229] : memref<100000x8xf32, #tpu.memory_space<vmem_shared>> -> memref<100000x8xf32, #tpu.memory_space<vmem_shared>>
      tpu.wait_indirect_dma semaphore(%run_scoped3A : memref<!tpu.dma_semaphore, #tpu.memory_space<semaphore_mem>>) src(%dma_wait3A_230 : memref<100000x8xf32, #tpu.memory_space<vmem_shared>>) dst(%arg12 : memref<2048x8xf32, #tpu.memory_space<vmem>>)
      tpu.yield
    }) : () -> ()
    %barrier3A_32 = arith.constant 0 : index
    tpu.barrier barrier_id(%barrier3A_32)
    %mul3A_33 = arith.constant 96 : i32
    %mul3A_34 = arith.muli %arg0, %mul3A_33 : i32
    %add3A_35 = arith.constant 8 : i32
    %add3A_36 = arith.addi %mul3A_34, %add3A_35 : i32
    %dma_start3A_37 = tpu.memref_slice %arg6[%mul3A_0, %add3A_36] : memref<32768x192xf32, #tpu.memory_space<hbm>> -> memref<2048x8xf32, #tpu.memory_space<hbm>>
    %dma_start3A_38 = tpu.memref_slice %arg6[%mul3A_0, %add3A_36] : memref<32768x192xf32, #tpu.memory_space<hbm>> -> memref<2048x8xf32, #tpu.memory_space<hbm>>
    tpu.enqueue_dma source(%arg12 : memref<2048x8xf32, #tpu.memory_space<vmem>>) target(%dma_start3A_38 : memref<2048x8xf32, #tpu.memory_space<hbm>>) target_semaphore(%arg15 : memref<!tpu.dma_semaphore, #tpu.memory_space<semaphore_mem>>)
    "tpu.region"() ({
      %run_scoped3A = tpu.sem_alloc : memref<!tpu.dma_semaphore, #tpu.memory_space<semaphore_mem>>
      %dma_start3A_225 = arith.constant 0 : i32
      %dma_start3A_226 = arith.constant 0 : i32
      %dma_start3A_227 = tpu.memref_slice %arg8[%dma_start3A_225, %dma_start3A_226] : memref<100000x8xf32, #tpu.memory_space<vmem_shared>> -> memref<100000x8xf32, #tpu.memory_space<vmem_shared>>
      tpu.enqueue_indirect_dma source(%arg13 : memref<2048x8xf32, #tpu.memory_space<vmem>>) target(%dma_start3A_227 : memref<100000x8xf32, #tpu.memory_space<vmem_shared>>) offsets(%arg9 : memref<2048xi32, #tpu.memory_space<vmem>>) semaphore(%run_scoped3A : memref<!tpu.dma_semaphore, #tpu.memory_space<semaphore_mem>>)
      %dma_wait3A_228 = arith.constant 0 : i32
      %dma_wait3A_229 = arith.constant 0 : i32
      %dma_wait3A_230 = tpu.memref_slice %arg8[%dma_wait3A_228, %dma_wait3A_229] : memref<100000x8xf32, #tpu.memory_space<vmem_shared>> -> memref<100000x8xf32, #tpu.memory_space<vmem_shared>>
      tpu.wait_indirect_dma semaphore(%run_scoped3A : memref<!tpu.dma_semaphore, #tpu.memory_space<semaphore_mem>>) src(%arg13 : memref<2048x8xf32, #tpu.memory_space<vmem>>) dst(%dma_wait3A_230 : memref<100000x8xf32, #tpu.memory_space<vmem_shared>>)
      tpu.yield
    }) : () -> ()
    %dma_wait3A_39 = tpu.memref_slice %arg3[%mul3A_0, %add3A_28] : memref<32768x192xf32, #tpu.memory_space<hbm>> -> memref<2048x8xf32, #tpu.memory_space<hbm>>
    %dma_wait3A_40 = tpu.memref_slice %arg3[%mul3A_0, %add3A_28] : memref<32768x192xf32, #tpu.memory_space<hbm>> -> memref<2048x8xf32, #tpu.memory_space<hbm>>
    tpu.wait_dma2 semaphore(%arg14 : memref<!tpu.dma_semaphore, #tpu.memory_space<semaphore_mem>>) src(%dma_wait3A_40 : memref<2048x8xf32, #tpu.memory_space<hbm>>) dst(%arg10 : memref<2048x8xf32, #tpu.memory_space<vmem>>)
    %dma_wait3A_41 = tpu.memref_slice %arg6[%mul3A_0, %add3A_36] : memref<32768x192xf32, #tpu.memory_space<hbm>> -> memref<2048x8xf32, #tpu.memory_space<hbm>>
    %dma_wait3A_42 = tpu.memref_slice %arg6[%mul3A_0, %add3A_36] : memref<32768x192xf32, #tpu.memory_space<hbm>> -> memref<2048x8xf32, #tpu.memory_space<hbm>>
    tpu.wait_dma2 semaphore(%arg15 : memref<!tpu.dma_semaphore, #tpu.memory_space<semaphore_mem>>) src(%arg12 : memref<2048x8xf32, #tpu.memory_space<vmem>>) dst(%dma_wait3A_42 : memref<2048x8xf32, #tpu.memory_space<hbm>>)
    %barrier3A_43 = arith.constant 0 : index
    tpu.barrier barrier_id(%barrier3A_43)
    "tpu.region"() ({
      %run_scoped3A = tpu.sem_alloc : memref<!tpu.dma_semaphore, #tpu.memory_space<semaphore_mem>>
      %dma_start3A_225 = arith.constant 0 : i32
      %dma_start3A_226 = arith.constant 0 : i32
      %dma_start3A_227 = tpu.memref_slice %arg8[%dma_start3A_225, %dma_start3A_226] : memref<100000x8xf32, #tpu.memory_space<vmem_shared>> -> memref<100000x8xf32, #tpu.memory_space<vmem_shared>>
      tpu.enqueue_indirect_dma source(%arg10 : memref<2048x8xf32, #tpu.memory_space<vmem>>) target(%dma_start3A_227 : memref<100000x8xf32, #tpu.memory_space<vmem_shared>>) offsets(%arg9 : memref<2048xi32, #tpu.memory_space<vmem>>) semaphore(%run_scoped3A : memref<!tpu.dma_semaphore, #tpu.memory_space<semaphore_mem>>) {add = true}
      %dma_wait3A_228 = arith.constant 0 : i32
      %dma_wait3A_229 = arith.constant 0 : i32
      %dma_wait3A_230 = tpu.memref_slice %arg8[%dma_wait3A_228, %dma_wait3A_229] : memref<100000x8xf32, #tpu.memory_space<vmem_shared>> -> memref<100000x8xf32, #tpu.memory_space<vmem_shared>>
      tpu.wait_indirect_dma semaphore(%run_scoped3A : memref<!tpu.dma_semaphore, #tpu.memory_space<semaphore_mem>>) src(%arg10 : memref<2048x8xf32, #tpu.memory_space<vmem>>) dst(%dma_wait3A_230 : memref<100000x8xf32, #tpu.memory_space<vmem_shared>>)
      tpu.yield
    }) : () -> ()
    %mul3A_44 = arith.constant 96 : i32
    %mul3A_45 = arith.muli %arg0, %mul3A_44 : i32
    %add3A_46 = arith.constant 24 : i32
    %add3A_47 = arith.addi %mul3A_45, %add3A_46 : i32
    %dma_start3A_48 = tpu.memref_slice %arg3[%mul3A_0, %add3A_47] : memref<32768x192xf32, #tpu.memory_space<hbm>> -> memref<2048x8xf32, #tpu.memory_space<hbm>>
    %dma_start3A_49 = tpu.memref_slice %arg3[%mul3A_0, %add3A_47] : memref<32768x192xf32, #tpu.memory_space<hbm>> -> memref<2048x8xf32, #tpu.memory_space<hbm>>
    tpu.enqueue_dma source(%dma_start3A_49 : memref<2048x8xf32, #tpu.memory_space<hbm>>) target(%arg11 : memref<2048x8xf32, #tpu.memory_space<vmem>>) target_semaphore(%arg14 : memref<!tpu.dma_semaphore, #tpu.memory_space<semaphore_mem>>)
    %barrier3A_50 = arith.constant 0 : index
    tpu.barrier barrier_id(%barrier3A_50)
    "tpu.region"() ({
      %run_scoped3A = tpu.sem_alloc : memref<!tpu.dma_semaphore, #tpu.memory_space<semaphore_mem>>
      %dma_start3A_225 = arith.constant 0 : i32
      %dma_start3A_226 = arith.constant 0 : i32
      %dma_start3A_227 = tpu.memref_slice %arg8[%dma_start3A_225, %dma_start3A_226] : memref<100000x8xf32, #tpu.memory_space<vmem_shared>> -> memref<100000x8xf32, #tpu.memory_space<vmem_shared>>
      tpu.enqueue_indirect_dma source(%dma_start3A_227 : memref<100000x8xf32, #tpu.memory_space<vmem_shared>>) target(%arg12 : memref<2048x8xf32, #tpu.memory_space<vmem>>) offsets(%arg9 : memref<2048xi32, #tpu.memory_space<vmem>>) semaphore(%run_scoped3A : memref<!tpu.dma_semaphore, #tpu.memory_space<semaphore_mem>>)
      %dma_wait3A_228 = arith.constant 0 : i32
      %dma_wait3A_229 = arith.constant 0 : i32
      %dma_wait3A_230 = tpu.memref_slice %arg8[%dma_wait3A_228, %dma_wait3A_229] : memref<100000x8xf32, #tpu.memory_space<vmem_shared>> -> memref<100000x8xf32, #tpu.memory_space<vmem_shared>>
      tpu.wait_indirect_dma semaphore(%run_scoped3A : memref<!tpu.dma_semaphore, #tpu.memory_space<semaphore_mem>>) src(%dma_wait3A_230 : memref<100000x8xf32, #tpu.memory_space<vmem_shared>>) dst(%arg12 : memref<2048x8xf32, #tpu.memory_space<vmem>>)
      tpu.yield
    }) : () -> ()
    %barrier3A_51 = arith.constant 0 : index
    tpu.barrier barrier_id(%barrier3A_51)
    %mul3A_52 = arith.constant 96 : i32
    %mul3A_53 = arith.muli %arg0, %mul3A_52 : i32
    %add3A_54 = arith.constant 16 : i32
    %add3A_55 = arith.addi %mul3A_53, %add3A_54 : i32
    %dma_start3A_56 = tpu.memref_slice %arg6[%mul3A_0, %add3A_55] : memref<32768x192xf32, #tpu.memory_space<hbm>> -> memref<2048x8xf32, #tpu.memory_space<hbm>>
    %dma_start3A_57 = tpu.memref_slice %arg6[%mul3A_0, %add3A_55] : memref<32768x192xf32, #tpu.memory_space<hbm>> -> memref<2048x8xf32, #tpu.memory_space<hbm>>
    tpu.enqueue_dma source(%arg12 : memref<2048x8xf32, #tpu.memory_space<vmem>>) target(%dma_start3A_57 : memref<2048x8xf32, #tpu.memory_space<hbm>>) target_semaphore(%arg15 : memref<!tpu.dma_semaphore, #tpu.memory_space<semaphore_mem>>)
    "tpu.region"() ({
      %run_scoped3A = tpu.sem_alloc : memref<!tpu.dma_semaphore, #tpu.memory_space<semaphore_mem>>
      %dma_start3A_225 = arith.constant 0 : i32
      %dma_start3A_226 = arith.constant 0 : i32
      %dma_start3A_227 = tpu.memref_slice %arg8[%dma_start3A_225, %dma_start3A_226] : memref<100000x8xf32, #tpu.memory_space<vmem_shared>> -> memref<100000x8xf32, #tpu.memory_space<vmem_shared>>
      tpu.enqueue_indirect_dma source(%arg13 : memref<2048x8xf32, #tpu.memory_space<vmem>>) target(%dma_start3A_227 : memref<100000x8xf32, #tpu.memory_space<vmem_shared>>) offsets(%arg9 : memref<2048xi32, #tpu.memory_space<vmem>>) semaphore(%run_scoped3A : memref<!tpu.dma_semaphore, #tpu.memory_space<semaphore_mem>>)
      %dma_wait3A_228 = arith.constant 0 : i32
      %dma_wait3A_229 = arith.constant 0 : i32
      %dma_wait3A_230 = tpu.memref_slice %arg8[%dma_wait3A_228, %dma_wait3A_229] : memref<100000x8xf32, #tpu.memory_space<vmem_shared>> -> memref<100000x8xf32, #tpu.memory_space<vmem_shared>>
      tpu.wait_indirect_dma semaphore(%run_scoped3A : memref<!tpu.dma_semaphore, #tpu.memory_space<semaphore_mem>>) src(%arg13 : memref<2048x8xf32, #tpu.memory_space<vmem>>) dst(%dma_wait3A_230 : memref<100000x8xf32, #tpu.memory_space<vmem_shared>>)
      tpu.yield
    }) : () -> ()
    %dma_wait3A_58 = tpu.memref_slice %arg3[%mul3A_0, %add3A_47] : memref<32768x192xf32, #tpu.memory_space<hbm>> -> memref<2048x8xf32, #tpu.memory_space<hbm>>
    %dma_wait3A_59 = tpu.memref_slice %arg3[%mul3A_0, %add3A_47] : memref<32768x192xf32, #tpu.memory_space<hbm>> -> memref<2048x8xf32, #tpu.memory_space<hbm>>
    tpu.wait_dma2 semaphore(%arg14 : memref<!tpu.dma_semaphore, #tpu.memory_space<semaphore_mem>>) src(%dma_wait3A_59 : memref<2048x8xf32, #tpu.memory_space<hbm>>) dst(%arg11 : memref<2048x8xf32, #tpu.memory_space<vmem>>)
    %dma_wait3A_60 = tpu.memref_slice %arg6[%mul3A_0, %add3A_55] : memref<32768x192xf32, #tpu.memory_space<hbm>> -> memref<2048x8xf32, #tpu.memory_space<hbm>>
    %dma_wait3A_61 = tpu.memref_slice %arg6[%mul3A_0, %add3A_55] : memref<32768x192xf32, #tpu.memory_space<hbm>> -> memref<2048x8xf32, #tpu.memory_space<hbm>>
    tpu.wait_dma2 semaphore(%arg15 : memref<!tpu.dma_semaphore, #tpu.memory_space<semaphore_mem>>) src(%arg12 : memref<2048x8xf32, #tpu.memory_space<vmem>>) dst(%dma_wait3A_61 : memref<2048x8xf32, #tpu.memory_space<hbm>>)
    %barrier3A_62 = arith.constant 0 : index
    tpu.barrier barrier_id(%barrier3A_62)
    "tpu.region"() ({
      %run_scoped3A = tpu.sem_alloc : memref<!tpu.dma_semaphore, #tpu.memory_space<semaphore_mem>>
      %dma_start3A_225 = arith.constant 0 : i32
      %dma_start3A_226 = arith.constant 0 : i32
      %dma_start3A_227 = tpu.memref_slice %arg8[%dma_start3A_225, %dma_start3A_226] : memref<100000x8xf32, #tpu.memory_space<vmem_shared>> -> memref<100000x8xf32, #tpu.memory_space<vmem_shared>>
      tpu.enqueue_indirect_dma source(%arg11 : memref<2048x8xf32, #tpu.memory_space<vmem>>) target(%dma_start3A_227 : memref<100000x8xf32, #tpu.memory_space<vmem_shared>>) offsets(%arg9 : memref<2048xi32, #tpu.memory_space<vmem>>) semaphore(%run_scoped3A : memref<!tpu.dma_semaphore, #tpu.memory_space<semaphore_mem>>) {add = true}
      %dma_wait3A_228 = arith.constant 0 : i32
      %dma_wait3A_229 = arith.constant 0 : i32
      %dma_wait3A_230 = tpu.memref_slice %arg8[%dma_wait3A_228, %dma_wait3A_229] : memref<100000x8xf32, #tpu.memory_space<vmem_shared>> -> memref<100000x8xf32, #tpu.memory_space<vmem_shared>>
      tpu.wait_indirect_dma semaphore(%run_scoped3A : memref<!tpu.dma_semaphore, #tpu.memory_space<semaphore_mem>>) src(%arg11 : memref<2048x8xf32, #tpu.memory_space<vmem>>) dst(%dma_wait3A_230 : memref<100000x8xf32, #tpu.memory_space<vmem_shared>>)
      tpu.yield
    }) : () -> ()
    %mul3A_63 = arith.constant 96 : i32
    %mul3A_64 = arith.muli %arg0, %mul3A_63 : i32
    %add3A_65 = arith.constant 32 : i32
    %add3A_66 = arith.addi %mul3A_64, %add3A_65 : i32
    %dma_start3A_67 = tpu.memref_slice %arg3[%mul3A_0, %add3A_66] : memref<32768x192xf32, #tpu.memory_space<hbm>> -> memref<2048x8xf32, #tpu.memory_space<hbm>>
    %dma_start3A_68 = tpu.memref_slice %arg3[%mul3A_0, %add3A_66] : memref<32768x192xf32, #tpu.memory_space<hbm>> -> memref<2048x8xf32, #tpu.memory_space<hbm>>
    tpu.enqueue_dma source(%dma_start3A_68 : memref<2048x8xf32, #tpu.memory_space<hbm>>) target(%arg10 : memref<2048x8xf32, #tpu.memory_space<vmem>>) target_semaphore(%arg14 : memref<!tpu.dma_semaphore, #tpu.memory_space<semaphore_mem>>)
    %barrier3A_69 = arith.constant 0 : index
    tpu.barrier barrier_id(%barrier3A_69)
    "tpu.region"() ({
      %run_scoped3A = tpu.sem_alloc : memref<!tpu.dma_semaphore, #tpu.memory_space<semaphore_mem>>
      %dma_start3A_225 = arith.constant 0 : i32
      %dma_start3A_226 = arith.constant 0 : i32
      %dma_start3A_227 = tpu.memref_slice %arg8[%dma_start3A_225, %dma_start3A_226] : memref<100000x8xf32, #tpu.memory_space<vmem_shared>> -> memref<100000x8xf32, #tpu.memory_space<vmem_shared>>
      tpu.enqueue_indirect_dma source(%dma_start3A_227 : memref<100000x8xf32, #tpu.memory_space<vmem_shared>>) target(%arg12 : memref<2048x8xf32, #tpu.memory_space<vmem>>) offsets(%arg9 : memref<2048xi32, #tpu.memory_space<vmem>>) semaphore(%run_scoped3A : memref<!tpu.dma_semaphore, #tpu.memory_space<semaphore_mem>>)
      %dma_wait3A_228 = arith.constant 0 : i32
      %dma_wait3A_229 = arith.constant 0 : i32
      %dma_wait3A_230 = tpu.memref_slice %arg8[%dma_wait3A_228, %dma_wait3A_229] : memref<100000x8xf32, #tpu.memory_space<vmem_shared>> -> memref<100000x8xf32, #tpu.memory_space<vmem_shared>>
      tpu.wait_indirect_dma semaphore(%run_scoped3A : memref<!tpu.dma_semaphore, #tpu.memory_space<semaphore_mem>>) src(%dma_wait3A_230 : memref<100000x8xf32, #tpu.memory_space<vmem_shared>>) dst(%arg12 : memref<2048x8xf32, #tpu.memory_space<vmem>>)
      tpu.yield
    }) : () -> ()
    %barrier3A_70 = arith.constant 0 : index
    tpu.barrier barrier_id(%barrier3A_70)
    %mul3A_71 = arith.constant 96 : i32
    %mul3A_72 = arith.muli %arg0, %mul3A_71 : i32
    %add3A_73 = arith.constant 24 : i32
    %add3A_74 = arith.addi %mul3A_72, %add3A_73 : i32
    %dma_start3A_75 = tpu.memref_slice %arg6[%mul3A_0, %add3A_74] : memref<32768x192xf32, #tpu.memory_space<hbm>> -> memref<2048x8xf32, #tpu.memory_space<hbm>>
    %dma_start3A_76 = tpu.memref_slice %arg6[%mul3A_0, %add3A_74] : memref<32768x192xf32, #tpu.memory_space<hbm>> -> memref<2048x8xf32, #tpu.memory_space<hbm>>
    tpu.enqueue_dma source(%arg12 : memref<2048x8xf32, #tpu.memory_space<vmem>>) target(%dma_start3A_76 : memref<2048x8xf32, #tpu.memory_space<hbm>>) target_semaphore(%arg15 : memref<!tpu.dma_semaphore, #tpu.memory_space<semaphore_mem>>)
    "tpu.region"() ({
      %run_scoped3A = tpu.sem_alloc : memref<!tpu.dma_semaphore, #tpu.memory_space<semaphore_mem>>
      %dma_start3A_225 = arith.constant 0 : i32
      %dma_start3A_226 = arith.constant 0 : i32
      %dma_start3A_227 = tpu.memref_slice %arg8[%dma_start3A_225, %dma_start3A_226] : memref<100000x8xf32, #tpu.memory_space<vmem_shared>> -> memref<100000x8xf32, #tpu.memory_space<vmem_shared>>
      tpu.enqueue_indirect_dma source(%arg13 : memref<2048x8xf32, #tpu.memory_space<vmem>>) target(%dma_start3A_227 : memref<100000x8xf32, #tpu.memory_space<vmem_shared>>) offsets(%arg9 : memref<2048xi32, #tpu.memory_space<vmem>>) semaphore(%run_scoped3A : memref<!tpu.dma_semaphore, #tpu.memory_space<semaphore_mem>>)
      %dma_wait3A_228 = arith.constant 0 : i32
      %dma_wait3A_229 = arith.constant 0 : i32
      %dma_wait3A_230 = tpu.memref_slice %arg8[%dma_wait3A_228, %dma_wait3A_229] : memref<100000x8xf32, #tpu.memory_space<vmem_shared>> -> memref<100000x8xf32, #tpu.memory_space<vmem_shared>>
      tpu.wait_indirect_dma semaphore(%run_scoped3A : memref<!tpu.dma_semaphore, #tpu.memory_space<semaphore_mem>>) src(%arg13 : memref<2048x8xf32, #tpu.memory_space<vmem>>) dst(%dma_wait3A_230 : memref<100000x8xf32, #tpu.memory_space<vmem_shared>>)
      tpu.yield
    }) : () -> ()
    %dma_wait3A_77 = tpu.memref_slice %arg3[%mul3A_0, %add3A_66] : memref<32768x192xf32, #tpu.memory_space<hbm>> -> memref<2048x8xf32, #tpu.memory_space<hbm>>
    %dma_wait3A_78 = tpu.memref_slice %arg3[%mul3A_0, %add3A_66] : memref<32768x192xf32, #tpu.memory_space<hbm>> -> memref<2048x8xf32, #tpu.memory_space<hbm>>
    tpu.wait_dma2 semaphore(%arg14 : memref<!tpu.dma_semaphore, #tpu.memory_space<semaphore_mem>>) src(%dma_wait3A_78 : memref<2048x8xf32, #tpu.memory_space<hbm>>) dst(%arg10 : memref<2048x8xf32, #tpu.memory_space<vmem>>)
    %dma_wait3A_79 = tpu.memref_slice %arg6[%mul3A_0, %add3A_74] : memref<32768x192xf32, #tpu.memory_space<hbm>> -> memref<2048x8xf32, #tpu.memory_space<hbm>>
    %dma_wait3A_80 = tpu.memref_slice %arg6[%mul3A_0, %add3A_74] : memref<32768x192xf32, #tpu.memory_space<hbm>> -> memref<2048x8xf32, #tpu.memory_space<hbm>>
    tpu.wait_dma2 semaphore(%arg15 : memref<!tpu.dma_semaphore, #tpu.memory_space<semaphore_mem>>) src(%arg12 : memref<2048x8xf32, #tpu.memory_space<vmem>>) dst(%dma_wait3A_80 : memref<2048x8xf32, #tpu.memory_space<hbm>>)
    %barrier3A_81 = arith.constant 0 : index
    tpu.barrier barrier_id(%barrier3A_81)
    "tpu.region"() ({
      %run_scoped3A = tpu.sem_alloc : memref<!tpu.dma_semaphore, #tpu.memory_space<semaphore_mem>>
      %dma_start3A_225 = arith.constant 0 : i32
      %dma_start3A_226 = arith.constant 0 : i32
      %dma_start3A_227 = tpu.memref_slice %arg8[%dma_start3A_225, %dma_start3A_226] : memref<100000x8xf32, #tpu.memory_space<vmem_shared>> -> memref<100000x8xf32, #tpu.memory_space<vmem_shared>>
      tpu.enqueue_indirect_dma source(%arg10 : memref<2048x8xf32, #tpu.memory_space<vmem>>) target(%dma_start3A_227 : memref<100000x8xf32, #tpu.memory_space<vmem_shared>>) offsets(%arg9 : memref<2048xi32, #tpu.memory_space<vmem>>) semaphore(%run_scoped3A : memref<!tpu.dma_semaphore, #tpu.memory_space<semaphore_mem>>) {add = true}
      %dma_wait3A_228 = arith.constant 0 : i32
      %dma_wait3A_229 = arith.constant 0 : i32
      %dma_wait3A_230 = tpu.memref_slice %arg8[%dma_wait3A_228, %dma_wait3A_229] : memref<100000x8xf32, #tpu.memory_space<vmem_shared>> -> memref<100000x8xf32, #tpu.memory_space<vmem_shared>>
      tpu.wait_indirect_dma semaphore(%run_scoped3A : memref<!tpu.dma_semaphore, #tpu.memory_space<semaphore_mem>>) src(%arg10 : memref<2048x8xf32, #tpu.memory_space<vmem>>) dst(%dma_wait3A_230 : memref<100000x8xf32, #tpu.memory_space<vmem_shared>>)
      tpu.yield
    }) : () -> ()
    %mul3A_82 = arith.constant 96 : i32
    %mul3A_83 = arith.muli %arg0, %mul3A_82 : i32
    %add3A_84 = arith.constant 40 : i32
    %add3A_85 = arith.addi %mul3A_83, %add3A_84 : i32
    %dma_start3A_86 = tpu.memref_slice %arg3[%mul3A_0, %add3A_85] : memref<32768x192xf32, #tpu.memory_space<hbm>> -> memref<2048x8xf32, #tpu.memory_space<hbm>>
    %dma_start3A_87 = tpu.memref_slice %arg3[%mul3A_0, %add3A_85] : memref<32768x192xf32, #tpu.memory_space<hbm>> -> memref<2048x8xf32, #tpu.memory_space<hbm>>
    tpu.enqueue_dma source(%dma_start3A_87 : memref<2048x8xf32, #tpu.memory_space<hbm>>) target(%arg11 : memref<2048x8xf32, #tpu.memory_space<vmem>>) target_semaphore(%arg14 : memref<!tpu.dma_semaphore, #tpu.memory_space<semaphore_mem>>)
    %barrier3A_88 = arith.constant 0 : index
    tpu.barrier barrier_id(%barrier3A_88)
    "tpu.region"() ({
      %run_scoped3A = tpu.sem_alloc : memref<!tpu.dma_semaphore, #tpu.memory_space<semaphore_mem>>
      %dma_start3A_225 = arith.constant 0 : i32
      %dma_start3A_226 = arith.constant 0 : i32
      %dma_start3A_227 = tpu.memref_slice %arg8[%dma_start3A_225, %dma_start3A_226] : memref<100000x8xf32, #tpu.memory_space<vmem_shared>> -> memref<100000x8xf32, #tpu.memory_space<vmem_shared>>
      tpu.enqueue_indirect_dma source(%dma_start3A_227 : memref<100000x8xf32, #tpu.memory_space<vmem_shared>>) target(%arg12 : memref<2048x8xf32, #tpu.memory_space<vmem>>) offsets(%arg9 : memref<2048xi32, #tpu.memory_space<vmem>>) semaphore(%run_scoped3A : memref<!tpu.dma_semaphore, #tpu.memory_space<semaphore_mem>>)
      %dma_wait3A_228 = arith.constant 0 : i32
      %dma_wait3A_229 = arith.constant 0 : i32
      %dma_wait3A_230 = tpu.memref_slice %arg8[%dma_wait3A_228, %dma_wait3A_229] : memref<100000x8xf32, #tpu.memory_space<vmem_shared>> -> memref<100000x8xf32, #tpu.memory_space<vmem_shared>>
      tpu.wait_indirect_dma semaphore(%run_scoped3A : memref<!tpu.dma_semaphore, #tpu.memory_space<semaphore_mem>>) src(%dma_wait3A_230 : memref<100000x8xf32, #tpu.memory_space<vmem_shared>>) dst(%arg12 : memref<2048x8xf32, #tpu.memory_space<vmem>>)
      tpu.yield
    }) : () -> ()
    %barrier3A_89 = arith.constant 0 : index
    tpu.barrier barrier_id(%barrier3A_89)
    %mul3A_90 = arith.constant 96 : i32
    %mul3A_91 = arith.muli %arg0, %mul3A_90 : i32
    %add3A_92 = arith.constant 32 : i32
    %add3A_93 = arith.addi %mul3A_91, %add3A_92 : i32
    %dma_start3A_94 = tpu.memref_slice %arg6[%mul3A_0, %add3A_93] : memref<32768x192xf32, #tpu.memory_space<hbm>> -> memref<2048x8xf32, #tpu.memory_space<hbm>>
    %dma_start3A_95 = tpu.memref_slice %arg6[%mul3A_0, %add3A_93] : memref<32768x192xf32, #tpu.memory_space<hbm>> -> memref<2048x8xf32, #tpu.memory_space<hbm>>
    tpu.enqueue_dma source(%arg12 : memref<2048x8xf32, #tpu.memory_space<vmem>>) target(%dma_start3A_95 : memref<2048x8xf32, #tpu.memory_space<hbm>>) target_semaphore(%arg15 : memref<!tpu.dma_semaphore, #tpu.memory_space<semaphore_mem>>)
    "tpu.region"() ({
      %run_scoped3A = tpu.sem_alloc : memref<!tpu.dma_semaphore, #tpu.memory_space<semaphore_mem>>
      %dma_start3A_225 = arith.constant 0 : i32
      %dma_start3A_226 = arith.constant 0 : i32
      %dma_start3A_227 = tpu.memref_slice %arg8[%dma_start3A_225, %dma_start3A_226] : memref<100000x8xf32, #tpu.memory_space<vmem_shared>> -> memref<100000x8xf32, #tpu.memory_space<vmem_shared>>
      tpu.enqueue_indirect_dma source(%arg13 : memref<2048x8xf32, #tpu.memory_space<vmem>>) target(%dma_start3A_227 : memref<100000x8xf32, #tpu.memory_space<vmem_shared>>) offsets(%arg9 : memref<2048xi32, #tpu.memory_space<vmem>>) semaphore(%run_scoped3A : memref<!tpu.dma_semaphore, #tpu.memory_space<semaphore_mem>>)
      %dma_wait3A_228 = arith.constant 0 : i32
      %dma_wait3A_229 = arith.constant 0 : i32
      %dma_wait3A_230 = tpu.memref_slice %arg8[%dma_wait3A_228, %dma_wait3A_229] : memref<100000x8xf32, #tpu.memory_space<vmem_shared>> -> memref<100000x8xf32, #tpu.memory_space<vmem_shared>>
      tpu.wait_indirect_dma semaphore(%run_scoped3A : memref<!tpu.dma_semaphore, #tpu.memory_space<semaphore_mem>>) src(%arg13 : memref<2048x8xf32, #tpu.memory_space<vmem>>) dst(%dma_wait3A_230 : memref<100000x8xf32, #tpu.memory_space<vmem_shared>>)
      tpu.yield
    }) : () -> ()
    %dma_wait3A_96 = tpu.memref_slice %arg3[%mul3A_0, %add3A_85] : memref<32768x192xf32, #tpu.memory_space<hbm>> -> memref<2048x8xf32, #tpu.memory_space<hbm>>
    %dma_wait3A_97 = tpu.memref_slice %arg3[%mul3A_0, %add3A_85] : memref<32768x192xf32, #tpu.memory_space<hbm>> -> memref<2048x8xf32, #tpu.memory_space<hbm>>
    tpu.wait_dma2 semaphore(%arg14 : memref<!tpu.dma_semaphore, #tpu.memory_space<semaphore_mem>>) src(%dma_wait3A_97 : memref<2048x8xf32, #tpu.memory_space<hbm>>) dst(%arg11 : memref<2048x8xf32, #tpu.memory_space<vmem>>)
    %dma_wait3A_98 = tpu.memref_slice %arg6[%mul3A_0, %add3A_93] : memref<32768x192xf32, #tpu.memory_space<hbm>> -> memref<2048x8xf32, #tpu.memory_space<hbm>>
    %dma_wait3A_99 = tpu.memref_slice %arg6[%mul3A_0, %add3A_93] : memref<32768x192xf32, #tpu.memory_space<hbm>> -> memref<2048x8xf32, #tpu.memory_space<hbm>>
    tpu.wait_dma2 semaphore(%arg15 : memref<!tpu.dma_semaphore, #tpu.memory_space<semaphore_mem>>) src(%arg12 : memref<2048x8xf32, #tpu.memory_space<vmem>>) dst(%dma_wait3A_99 : memref<2048x8xf32, #tpu.memory_space<hbm>>)
    %barrier3A_100 = arith.constant 0 : index
    tpu.barrier barrier_id(%barrier3A_100)
    "tpu.region"() ({
      %run_scoped3A = tpu.sem_alloc : memref<!tpu.dma_semaphore, #tpu.memory_space<semaphore_mem>>
      %dma_start3A_225 = arith.constant 0 : i32
      %dma_start3A_226 = arith.constant 0 : i32
      %dma_start3A_227 = tpu.memref_slice %arg8[%dma_start3A_225, %dma_start3A_226] : memref<100000x8xf32, #tpu.memory_space<vmem_shared>> -> memref<100000x8xf32, #tpu.memory_space<vmem_shared>>
      tpu.enqueue_indirect_dma source(%arg11 : memref<2048x8xf32, #tpu.memory_space<vmem>>) target(%dma_start3A_227 : memref<100000x8xf32, #tpu.memory_space<vmem_shared>>) offsets(%arg9 : memref<2048xi32, #tpu.memory_space<vmem>>) semaphore(%run_scoped3A : memref<!tpu.dma_semaphore, #tpu.memory_space<semaphore_mem>>) {add = true}
      %dma_wait3A_228 = arith.constant 0 : i32
      %dma_wait3A_229 = arith.constant 0 : i32
      %dma_wait3A_230 = tpu.memref_slice %arg8[%dma_wait3A_228, %dma_wait3A_229] : memref<100000x8xf32, #tpu.memory_space<vmem_shared>> -> memref<100000x8xf32, #tpu.memory_space<vmem_shared>>
      tpu.wait_indirect_dma semaphore(%run_scoped3A : memref<!tpu.dma_semaphore, #tpu.memory_space<semaphore_mem>>) src(%arg11 : memref<2048x8xf32, #tpu.memory_space<vmem>>) dst(%dma_wait3A_230 : memref<100000x8xf32, #tpu.memory_space<vmem_shared>>)
      tpu.yield
    }) : () -> ()
    %mul3A_101 = arith.constant 96 : i32
    %mul3A_102 = arith.muli %arg0, %mul3A_101 : i32
    %add3A_103 = arith.constant 48 : i32
    %add3A_104 = arith.addi %mul3A_102, %add3A_103 : i32
    %dma_start3A_105 = tpu.memref_slice %arg3[%mul3A_0, %add3A_104] : memref<32768x192xf32, #tpu.memory_space<hbm>> -> memref<2048x8xf32, #tpu.memory_space<hbm>>
    %dma_start3A_106 = tpu.memref_slice %arg3[%mul3A_0, %add3A_104] : memref<32768x192xf32, #tpu.memory_space<hbm>> -> memref<2048x8xf32, #tpu.memory_space<hbm>>
    tpu.enqueue_dma source(%dma_start3A_106 : memref<2048x8xf32, #tpu.memory_space<hbm>>) target(%arg10 : memref<2048x8xf32, #tpu.memory_space<vmem>>) target_semaphore(%arg14 : memref<!tpu.dma_semaphore, #tpu.memory_space<semaphore_mem>>)
    %barrier3A_107 = arith.constant 0 : index
    tpu.barrier barrier_id(%barrier3A_107)
    "tpu.region"() ({
      %run_scoped3A = tpu.sem_alloc : memref<!tpu.dma_semaphore, #tpu.memory_space<semaphore_mem>>
      %dma_start3A_225 = arith.constant 0 : i32
      %dma_start3A_226 = arith.constant 0 : i32
      %dma_start3A_227 = tpu.memref_slice %arg8[%dma_start3A_225, %dma_start3A_226] : memref<100000x8xf32, #tpu.memory_space<vmem_shared>> -> memref<100000x8xf32, #tpu.memory_space<vmem_shared>>
      tpu.enqueue_indirect_dma source(%dma_start3A_227 : memref<100000x8xf32, #tpu.memory_space<vmem_shared>>) target(%arg12 : memref<2048x8xf32, #tpu.memory_space<vmem>>) offsets(%arg9 : memref<2048xi32, #tpu.memory_space<vmem>>) semaphore(%run_scoped3A : memref<!tpu.dma_semaphore, #tpu.memory_space<semaphore_mem>>)
      %dma_wait3A_228 = arith.constant 0 : i32
      %dma_wait3A_229 = arith.constant 0 : i32
      %dma_wait3A_230 = tpu.memref_slice %arg8[%dma_wait3A_228, %dma_wait3A_229] : memref<100000x8xf32, #tpu.memory_space<vmem_shared>> -> memref<100000x8xf32, #tpu.memory_space<vmem_shared>>
      tpu.wait_indirect_dma semaphore(%run_scoped3A : memref<!tpu.dma_semaphore, #tpu.memory_space<semaphore_mem>>) src(%dma_wait3A_230 : memref<100000x8xf32, #tpu.memory_space<vmem_shared>>) dst(%arg12 : memref<2048x8xf32, #tpu.memory_space<vmem>>)
      tpu.yield
    }) : () -> ()
    %barrier3A_108 = arith.constant 0 : index
    tpu.barrier barrier_id(%barrier3A_108)
    %mul3A_109 = arith.constant 96 : i32
    %mul3A_110 = arith.muli %arg0, %mul3A_109 : i32
    %add3A_111 = arith.constant 40 : i32
    %add3A_112 = arith.addi %mul3A_110, %add3A_111 : i32
    %dma_start3A_113 = tpu.memref_slice %arg6[%mul3A_0, %add3A_112] : memref<32768x192xf32, #tpu.memory_space<hbm>> -> memref<2048x8xf32, #tpu.memory_space<hbm>>
    %dma_start3A_114 = tpu.memref_slice %arg6[%mul3A_0, %add3A_112] : memref<32768x192xf32, #tpu.memory_space<hbm>> -> memref<2048x8xf32, #tpu.memory_space<hbm>>
    tpu.enqueue_dma source(%arg12 : memref<2048x8xf32, #tpu.memory_space<vmem>>) target(%dma_start3A_114 : memref<2048x8xf32, #tpu.memory_space<hbm>>) target_semaphore(%arg15 : memref<!tpu.dma_semaphore, #tpu.memory_space<semaphore_mem>>)
    "tpu.region"() ({
      %run_scoped3A = tpu.sem_alloc : memref<!tpu.dma_semaphore, #tpu.memory_space<semaphore_mem>>
      %dma_start3A_225 = arith.constant 0 : i32
      %dma_start3A_226 = arith.constant 0 : i32
      %dma_start3A_227 = tpu.memref_slice %arg8[%dma_start3A_225, %dma_start3A_226] : memref<100000x8xf32, #tpu.memory_space<vmem_shared>> -> memref<100000x8xf32, #tpu.memory_space<vmem_shared>>
      tpu.enqueue_indirect_dma source(%arg13 : memref<2048x8xf32, #tpu.memory_space<vmem>>) target(%dma_start3A_227 : memref<100000x8xf32, #tpu.memory_space<vmem_shared>>) offsets(%arg9 : memref<2048xi32, #tpu.memory_space<vmem>>) semaphore(%run_scoped3A : memref<!tpu.dma_semaphore, #tpu.memory_space<semaphore_mem>>)
      %dma_wait3A_228 = arith.constant 0 : i32
      %dma_wait3A_229 = arith.constant 0 : i32
      %dma_wait3A_230 = tpu.memref_slice %arg8[%dma_wait3A_228, %dma_wait3A_229] : memref<100000x8xf32, #tpu.memory_space<vmem_shared>> -> memref<100000x8xf32, #tpu.memory_space<vmem_shared>>
      tpu.wait_indirect_dma semaphore(%run_scoped3A : memref<!tpu.dma_semaphore, #tpu.memory_space<semaphore_mem>>) src(%arg13 : memref<2048x8xf32, #tpu.memory_space<vmem>>) dst(%dma_wait3A_230 : memref<100000x8xf32, #tpu.memory_space<vmem_shared>>)
      tpu.yield
    }) : () -> ()
    %dma_wait3A_115 = tpu.memref_slice %arg3[%mul3A_0, %add3A_104] : memref<32768x192xf32, #tpu.memory_space<hbm>> -> memref<2048x8xf32, #tpu.memory_space<hbm>>
    %dma_wait3A_116 = tpu.memref_slice %arg3[%mul3A_0, %add3A_104] : memref<32768x192xf32, #tpu.memory_space<hbm>> -> memref<2048x8xf32, #tpu.memory_space<hbm>>
    tpu.wait_dma2 semaphore(%arg14 : memref<!tpu.dma_semaphore, #tpu.memory_space<semaphore_mem>>) src(%dma_wait3A_116 : memref<2048x8xf32, #tpu.memory_space<hbm>>) dst(%arg10 : memref<2048x8xf32, #tpu.memory_space<vmem>>)
    %dma_wait3A_117 = tpu.memref_slice %arg6[%mul3A_0, %add3A_112] : memref<32768x192xf32, #tpu.memory_space<hbm>> -> memref<2048x8xf32, #tpu.memory_space<hbm>>
    %dma_wait3A_118 = tpu.memref_slice %arg6[%mul3A_0, %add3A_112] : memref<32768x192xf32, #tpu.memory_space<hbm>> -> memref<2048x8xf32, #tpu.memory_space<hbm>>
    tpu.wait_dma2 semaphore(%arg15 : memref<!tpu.dma_semaphore, #tpu.memory_space<semaphore_mem>>) src(%arg12 : memref<2048x8xf32, #tpu.memory_space<vmem>>) dst(%dma_wait3A_118 : memref<2048x8xf32, #tpu.memory_space<hbm>>)
    %barrier3A_119 = arith.constant 0 : index
    tpu.barrier barrier_id(%barrier3A_119)
    "tpu.region"() ({
      %run_scoped3A = tpu.sem_alloc : memref<!tpu.dma_semaphore, #tpu.memory_space<semaphore_mem>>
      %dma_start3A_225 = arith.constant 0 : i32
      %dma_start3A_226 = arith.constant 0 : i32
      %dma_start3A_227 = tpu.memref_slice %arg8[%dma_start3A_225, %dma_start3A_226] : memref<100000x8xf32, #tpu.memory_space<vmem_shared>> -> memref<100000x8xf32, #tpu.memory_space<vmem_shared>>
      tpu.enqueue_indirect_dma source(%arg10 : memref<2048x8xf32, #tpu.memory_space<vmem>>) target(%dma_start3A_227 : memref<100000x8xf32, #tpu.memory_space<vmem_shared>>) offsets(%arg9 : memref<2048xi32, #tpu.memory_space<vmem>>) semaphore(%run_scoped3A : memref<!tpu.dma_semaphore, #tpu.memory_space<semaphore_mem>>) {add = true}
      %dma_wait3A_228 = arith.constant 0 : i32
      %dma_wait3A_229 = arith.constant 0 : i32
      %dma_wait3A_230 = tpu.memref_slice %arg8[%dma_wait3A_228, %dma_wait3A_229] : memref<100000x8xf32, #tpu.memory_space<vmem_shared>> -> memref<100000x8xf32, #tpu.memory_space<vmem_shared>>
      tpu.wait_indirect_dma semaphore(%run_scoped3A : memref<!tpu.dma_semaphore, #tpu.memory_space<semaphore_mem>>) src(%arg10 : memref<2048x8xf32, #tpu.memory_space<vmem>>) dst(%dma_wait3A_230 : memref<100000x8xf32, #tpu.memory_space<vmem_shared>>)
      tpu.yield
    }) : () -> ()
    %mul3A_120 = arith.constant 96 : i32
    %mul3A_121 = arith.muli %arg0, %mul3A_120 : i32
    %add3A_122 = arith.constant 56 : i32
    %add3A_123 = arith.addi %mul3A_121, %add3A_122 : i32
    %dma_start3A_124 = tpu.memref_slice %arg3[%mul3A_0, %add3A_123] : memref<32768x192xf32, #tpu.memory_space<hbm>> -> memref<2048x8xf32, #tpu.memory_space<hbm>>
    %dma_start3A_125 = tpu.memref_slice %arg3[%mul3A_0, %add3A_123] : memref<32768x192xf32, #tpu.memory_space<hbm>> -> memref<2048x8xf32, #tpu.memory_space<hbm>>
    tpu.enqueue_dma source(%dma_start3A_125 : memref<2048x8xf32, #tpu.memory_space<hbm>>) target(%arg11 : memref<2048x8xf32, #tpu.memory_space<vmem>>) target_semaphore(%arg14 : memref<!tpu.dma_semaphore, #tpu.memory_space<semaphore_mem>>)
    %barrier3A_126 = arith.constant 0 : index
    tpu.barrier barrier_id(%barrier3A_126)
    "tpu.region"() ({
      %run_scoped3A = tpu.sem_alloc : memref<!tpu.dma_semaphore, #tpu.memory_space<semaphore_mem>>
      %dma_start3A_225 = arith.constant 0 : i32
      %dma_start3A_226 = arith.constant 0 : i32
      %dma_start3A_227 = tpu.memref_slice %arg8[%dma_start3A_225, %dma_start3A_226] : memref<100000x8xf32, #tpu.memory_space<vmem_shared>> -> memref<100000x8xf32, #tpu.memory_space<vmem_shared>>
      tpu.enqueue_indirect_dma source(%dma_start3A_227 : memref<100000x8xf32, #tpu.memory_space<vmem_shared>>) target(%arg12 : memref<2048x8xf32, #tpu.memory_space<vmem>>) offsets(%arg9 : memref<2048xi32, #tpu.memory_space<vmem>>) semaphore(%run_scoped3A : memref<!tpu.dma_semaphore, #tpu.memory_space<semaphore_mem>>)
      %dma_wait3A_228 = arith.constant 0 : i32
      %dma_wait3A_229 = arith.constant 0 : i32
      %dma_wait3A_230 = tpu.memref_slice %arg8[%dma_wait3A_228, %dma_wait3A_229] : memref<100000x8xf32, #tpu.memory_space<vmem_shared>> -> memref<100000x8xf32, #tpu.memory_space<vmem_shared>>
      tpu.wait_indirect_dma semaphore(%run_scoped3A : memref<!tpu.dma_semaphore, #tpu.memory_space<semaphore_mem>>) src(%dma_wait3A_230 : memref<100000x8xf32, #tpu.memory_space<vmem_shared>>) dst(%arg12 : memref<2048x8xf32, #tpu.memory_space<vmem>>)
      tpu.yield
    }) : () -> ()
    %barrier3A_127 = arith.constant 0 : index
    tpu.barrier barrier_id(%barrier3A_127)
    %mul3A_128 = arith.constant 96 : i32
    %mul3A_129 = arith.muli %arg0, %mul3A_128 : i32
    %add3A_130 = arith.constant 48 : i32
    %add3A_131 = arith.addi %mul3A_129, %add3A_130 : i32
    %dma_start3A_132 = tpu.memref_slice %arg6[%mul3A_0, %add3A_131] : memref<32768x192xf32, #tpu.memory_space<hbm>> -> memref<2048x8xf32, #tpu.memory_space<hbm>>
    %dma_start3A_133 = tpu.memref_slice %arg6[%mul3A_0, %add3A_131] : memref<32768x192xf32, #tpu.memory_space<hbm>> -> memref<2048x8xf32, #tpu.memory_space<hbm>>
    tpu.enqueue_dma source(%arg12 : memref<2048x8xf32, #tpu.memory_space<vmem>>) target(%dma_start3A_133 : memref<2048x8xf32, #tpu.memory_space<hbm>>) target_semaphore(%arg15 : memref<!tpu.dma_semaphore, #tpu.memory_space<semaphore_mem>>)
    "tpu.region"() ({
      %run_scoped3A = tpu.sem_alloc : memref<!tpu.dma_semaphore, #tpu.memory_space<semaphore_mem>>
      %dma_start3A_225 = arith.constant 0 : i32
      %dma_start3A_226 = arith.constant 0 : i32
      %dma_start3A_227 = tpu.memref_slice %arg8[%dma_start3A_225, %dma_start3A_226] : memref<100000x8xf32, #tpu.memory_space<vmem_shared>> -> memref<100000x8xf32, #tpu.memory_space<vmem_shared>>
      tpu.enqueue_indirect_dma source(%arg13 : memref<2048x8xf32, #tpu.memory_space<vmem>>) target(%dma_start3A_227 : memref<100000x8xf32, #tpu.memory_space<vmem_shared>>) offsets(%arg9 : memref<2048xi32, #tpu.memory_space<vmem>>) semaphore(%run_scoped3A : memref<!tpu.dma_semaphore, #tpu.memory_space<semaphore_mem>>)
      %dma_wait3A_228 = arith.constant 0 : i32
      %dma_wait3A_229 = arith.constant 0 : i32
      %dma_wait3A_230 = tpu.memref_slice %arg8[%dma_wait3A_228, %dma_wait3A_229] : memref<100000x8xf32, #tpu.memory_space<vmem_shared>> -> memref<100000x8xf32, #tpu.memory_space<vmem_shared>>
      tpu.wait_indirect_dma semaphore(%run_scoped3A : memref<!tpu.dma_semaphore, #tpu.memory_space<semaphore_mem>>) src(%arg13 : memref<2048x8xf32, #tpu.memory_space<vmem>>) dst(%dma_wait3A_230 : memref<100000x8xf32, #tpu.memory_space<vmem_shared>>)
      tpu.yield
    }) : () -> ()
    %dma_wait3A_134 = tpu.memref_slice %arg3[%mul3A_0, %add3A_123] : memref<32768x192xf32, #tpu.memory_space<hbm>> -> memref<2048x8xf32, #tpu.memory_space<hbm>>
    %dma_wait3A_135 = tpu.memref_slice %arg3[%mul3A_0, %add3A_123] : memref<32768x192xf32, #tpu.memory_space<hbm>> -> memref<2048x8xf32, #tpu.memory_space<hbm>>
    tpu.wait_dma2 semaphore(%arg14 : memref<!tpu.dma_semaphore, #tpu.memory_space<semaphore_mem>>) src(%dma_wait3A_135 : memref<2048x8xf32, #tpu.memory_space<hbm>>) dst(%arg11 : memref<2048x8xf32, #tpu.memory_space<vmem>>)
    %dma_wait3A_136 = tpu.memref_slice %arg6[%mul3A_0, %add3A_131] : memref<32768x192xf32, #tpu.memory_space<hbm>> -> memref<2048x8xf32, #tpu.memory_space<hbm>>
    %dma_wait3A_137 = tpu.memref_slice %arg6[%mul3A_0, %add3A_131] : memref<32768x192xf32, #tpu.memory_space<hbm>> -> memref<2048x8xf32, #tpu.memory_space<hbm>>
    tpu.wait_dma2 semaphore(%arg15 : memref<!tpu.dma_semaphore, #tpu.memory_space<semaphore_mem>>) src(%arg12 : memref<2048x8xf32, #tpu.memory_space<vmem>>) dst(%dma_wait3A_137 : memref<2048x8xf32, #tpu.memory_space<hbm>>)
    %barrier3A_138 = arith.constant 0 : index
    tpu.barrier barrier_id(%barrier3A_138)
    "tpu.region"() ({
      %run_scoped3A = tpu.sem_alloc : memref<!tpu.dma_semaphore, #tpu.memory_space<semaphore_mem>>
      %dma_start3A_225 = arith.constant 0 : i32
      %dma_start3A_226 = arith.constant 0 : i32
      %dma_start3A_227 = tpu.memref_slice %arg8[%dma_start3A_225, %dma_start3A_226] : memref<100000x8xf32, #tpu.memory_space<vmem_shared>> -> memref<100000x8xf32, #tpu.memory_space<vmem_shared>>
      tpu.enqueue_indirect_dma source(%arg11 : memref<2048x8xf32, #tpu.memory_space<vmem>>) target(%dma_start3A_227 : memref<100000x8xf32, #tpu.memory_space<vmem_shared>>) offsets(%arg9 : memref<2048xi32, #tpu.memory_space<vmem>>) semaphore(%run_scoped3A : memref<!tpu.dma_semaphore, #tpu.memory_space<semaphore_mem>>) {add = true}
      %dma_wait3A_228 = arith.constant 0 : i32
      %dma_wait3A_229 = arith.constant 0 : i32
      %dma_wait3A_230 = tpu.memref_slice %arg8[%dma_wait3A_228, %dma_wait3A_229] : memref<100000x8xf32, #tpu.memory_space<vmem_shared>> -> memref<100000x8xf32, #tpu.memory_space<vmem_shared>>
      tpu.wait_indirect_dma semaphore(%run_scoped3A : memref<!tpu.dma_semaphore, #tpu.memory_space<semaphore_mem>>) src(%arg11 : memref<2048x8xf32, #tpu.memory_space<vmem>>) dst(%dma_wait3A_230 : memref<100000x8xf32, #tpu.memory_space<vmem_shared>>)
      tpu.yield
    }) : () -> ()
    %mul3A_139 = arith.constant 96 : i32
    %mul3A_140 = arith.muli %arg0, %mul3A_139 : i32
    %add3A_141 = arith.constant 64 : i32
    %add3A_142 = arith.addi %mul3A_140, %add3A_141 : i32
    %dma_start3A_143 = tpu.memref_slice %arg3[%mul3A_0, %add3A_142] : memref<32768x192xf32, #tpu.memory_space<hbm>> -> memref<2048x8xf32, #tpu.memory_space<hbm>>
    %dma_start3A_144 = tpu.memref_slice %arg3[%mul3A_0, %add3A_142] : memref<32768x192xf32, #tpu.memory_space<hbm>> -> memref<2048x8xf32, #tpu.memory_space<hbm>>
    tpu.enqueue_dma source(%dma_start3A_144 : memref<2048x8xf32, #tpu.memory_space<hbm>>) target(%arg10 : memref<2048x8xf32, #tpu.memory_space<vmem>>) target_semaphore(%arg14 : memref<!tpu.dma_semaphore, #tpu.memory_space<semaphore_mem>>)
    %barrier3A_145 = arith.constant 0 : index
    tpu.barrier barrier_id(%barrier3A_145)
    "tpu.region"() ({
      %run_scoped3A = tpu.sem_alloc : memref<!tpu.dma_semaphore, #tpu.memory_space<semaphore_mem>>
      %dma_start3A_225 = arith.constant 0 : i32
      %dma_start3A_226 = arith.constant 0 : i32
      %dma_start3A_227 = tpu.memref_slice %arg8[%dma_start3A_225, %dma_start3A_226] : memref<100000x8xf32, #tpu.memory_space<vmem_shared>> -> memref<100000x8xf32, #tpu.memory_space<vmem_shared>>
      tpu.enqueue_indirect_dma source(%dma_start3A_227 : memref<100000x8xf32, #tpu.memory_space<vmem_shared>>) target(%arg12 : memref<2048x8xf32, #tpu.memory_space<vmem>>) offsets(%arg9 : memref<2048xi32, #tpu.memory_space<vmem>>) semaphore(%run_scoped3A : memref<!tpu.dma_semaphore, #tpu.memory_space<semaphore_mem>>)
      %dma_wait3A_228 = arith.constant 0 : i32
      %dma_wait3A_229 = arith.constant 0 : i32
      %dma_wait3A_230 = tpu.memref_slice %arg8[%dma_wait3A_228, %dma_wait3A_229] : memref<100000x8xf32, #tpu.memory_space<vmem_shared>> -> memref<100000x8xf32, #tpu.memory_space<vmem_shared>>
      tpu.wait_indirect_dma semaphore(%run_scoped3A : memref<!tpu.dma_semaphore, #tpu.memory_space<semaphore_mem>>) src(%dma_wait3A_230 : memref<100000x8xf32, #tpu.memory_space<vmem_shared>>) dst(%arg12 : memref<2048x8xf32, #tpu.memory_space<vmem>>)
      tpu.yield
    }) : () -> ()
    %barrier3A_146 = arith.constant 0 : index
    tpu.barrier barrier_id(%barrier3A_146)
    %mul3A_147 = arith.constant 96 : i32
    %mul3A_148 = arith.muli %arg0, %mul3A_147 : i32
    %add3A_149 = arith.constant 56 : i32
    %add3A_150 = arith.addi %mul3A_148, %add3A_149 : i32
    %dma_start3A_151 = tpu.memref_slice %arg6[%mul3A_0, %add3A_150] : memref<32768x192xf32, #tpu.memory_space<hbm>> -> memref<2048x8xf32, #tpu.memory_space<hbm>>
    %dma_start3A_152 = tpu.memref_slice %arg6[%mul3A_0, %add3A_150] : memref<32768x192xf32, #tpu.memory_space<hbm>> -> memref<2048x8xf32, #tpu.memory_space<hbm>>
    tpu.enqueue_dma source(%arg12 : memref<2048x8xf32, #tpu.memory_space<vmem>>) target(%dma_start3A_152 : memref<2048x8xf32, #tpu.memory_space<hbm>>) target_semaphore(%arg15 : memref<!tpu.dma_semaphore, #tpu.memory_space<semaphore_mem>>)
    "tpu.region"() ({
      %run_scoped3A = tpu.sem_alloc : memref<!tpu.dma_semaphore, #tpu.memory_space<semaphore_mem>>
      %dma_start3A_225 = arith.constant 0 : i32
      %dma_start3A_226 = arith.constant 0 : i32
      %dma_start3A_227 = tpu.memref_slice %arg8[%dma_start3A_225, %dma_start3A_226] : memref<100000x8xf32, #tpu.memory_space<vmem_shared>> -> memref<100000x8xf32, #tpu.memory_space<vmem_shared>>
      tpu.enqueue_indirect_dma source(%arg13 : memref<2048x8xf32, #tpu.memory_space<vmem>>) target(%dma_start3A_227 : memref<100000x8xf32, #tpu.memory_space<vmem_shared>>) offsets(%arg9 : memref<2048xi32, #tpu.memory_space<vmem>>) semaphore(%run_scoped3A : memref<!tpu.dma_semaphore, #tpu.memory_space<semaphore_mem>>)
      %dma_wait3A_228 = arith.constant 0 : i32
      %dma_wait3A_229 = arith.constant 0 : i32
      %dma_wait3A_230 = tpu.memref_slice %arg8[%dma_wait3A_228, %dma_wait3A_229] : memref<100000x8xf32, #tpu.memory_space<vmem_shared>> -> memref<100000x8xf32, #tpu.memory_space<vmem_shared>>
      tpu.wait_indirect_dma semaphore(%run_scoped3A : memref<!tpu.dma_semaphore, #tpu.memory_space<semaphore_mem>>) src(%arg13 : memref<2048x8xf32, #tpu.memory_space<vmem>>) dst(%dma_wait3A_230 : memref<100000x8xf32, #tpu.memory_space<vmem_shared>>)
      tpu.yield
    }) : () -> ()
    %dma_wait3A_153 = tpu.memref_slice %arg3[%mul3A_0, %add3A_142] : memref<32768x192xf32, #tpu.memory_space<hbm>> -> memref<2048x8xf32, #tpu.memory_space<hbm>>
    %dma_wait3A_154 = tpu.memref_slice %arg3[%mul3A_0, %add3A_142] : memref<32768x192xf32, #tpu.memory_space<hbm>> -> memref<2048x8xf32, #tpu.memory_space<hbm>>
    tpu.wait_dma2 semaphore(%arg14 : memref<!tpu.dma_semaphore, #tpu.memory_space<semaphore_mem>>) src(%dma_wait3A_154 : memref<2048x8xf32, #tpu.memory_space<hbm>>) dst(%arg10 : memref<2048x8xf32, #tpu.memory_space<vmem>>)
    %dma_wait3A_155 = tpu.memref_slice %arg6[%mul3A_0, %add3A_150] : memref<32768x192xf32, #tpu.memory_space<hbm>> -> memref<2048x8xf32, #tpu.memory_space<hbm>>
    %dma_wait3A_156 = tpu.memref_slice %arg6[%mul3A_0, %add3A_150] : memref<32768x192xf32, #tpu.memory_space<hbm>> -> memref<2048x8xf32, #tpu.memory_space<hbm>>
    tpu.wait_dma2 semaphore(%arg15 : memref<!tpu.dma_semaphore, #tpu.memory_space<semaphore_mem>>) src(%arg12 : memref<2048x8xf32, #tpu.memory_space<vmem>>) dst(%dma_wait3A_156 : memref<2048x8xf32, #tpu.memory_space<hbm>>)
    %barrier3A_157 = arith.constant 0 : index
    tpu.barrier barrier_id(%barrier3A_157)
    "tpu.region"() ({
      %run_scoped3A = tpu.sem_alloc : memref<!tpu.dma_semaphore, #tpu.memory_space<semaphore_mem>>
      %dma_start3A_225 = arith.constant 0 : i32
      %dma_start3A_226 = arith.constant 0 : i32
      %dma_start3A_227 = tpu.memref_slice %arg8[%dma_start3A_225, %dma_start3A_226] : memref<100000x8xf32, #tpu.memory_space<vmem_shared>> -> memref<100000x8xf32, #tpu.memory_space<vmem_shared>>
      tpu.enqueue_indirect_dma source(%arg10 : memref<2048x8xf32, #tpu.memory_space<vmem>>) target(%dma_start3A_227 : memref<100000x8xf32, #tpu.memory_space<vmem_shared>>) offsets(%arg9 : memref<2048xi32, #tpu.memory_space<vmem>>) semaphore(%run_scoped3A : memref<!tpu.dma_semaphore, #tpu.memory_space<semaphore_mem>>) {add = true}
      %dma_wait3A_228 = arith.constant 0 : i32
      %dma_wait3A_229 = arith.constant 0 : i32
      %dma_wait3A_230 = tpu.memref_slice %arg8[%dma_wait3A_228, %dma_wait3A_229] : memref<100000x8xf32, #tpu.memory_space<vmem_shared>> -> memref<100000x8xf32, #tpu.memory_space<vmem_shared>>
      tpu.wait_indirect_dma semaphore(%run_scoped3A : memref<!tpu.dma_semaphore, #tpu.memory_space<semaphore_mem>>) src(%arg10 : memref<2048x8xf32, #tpu.memory_space<vmem>>) dst(%dma_wait3A_230 : memref<100000x8xf32, #tpu.memory_space<vmem_shared>>)
      tpu.yield
    }) : () -> ()
    %mul3A_158 = arith.constant 96 : i32
    %mul3A_159 = arith.muli %arg0, %mul3A_158 : i32
    %add3A_160 = arith.constant 72 : i32
    %add3A_161 = arith.addi %mul3A_159, %add3A_160 : i32
    %dma_start3A_162 = tpu.memref_slice %arg3[%mul3A_0, %add3A_161] : memref<32768x192xf32, #tpu.memory_space<hbm>> -> memref<2048x8xf32, #tpu.memory_space<hbm>>
    %dma_start3A_163 = tpu.memref_slice %arg3[%mul3A_0, %add3A_161] : memref<32768x192xf32, #tpu.memory_space<hbm>> -> memref<2048x8xf32, #tpu.memory_space<hbm>>
    tpu.enqueue_dma source(%dma_start3A_163 : memref<2048x8xf32, #tpu.memory_space<hbm>>) target(%arg11 : memref<2048x8xf32, #tpu.memory_space<vmem>>) target_semaphore(%arg14 : memref<!tpu.dma_semaphore, #tpu.memory_space<semaphore_mem>>)
    %barrier3A_164 = arith.constant 0 : index
    tpu.barrier barrier_id(%barrier3A_164)
    "tpu.region"() ({
      %run_scoped3A = tpu.sem_alloc : memref<!tpu.dma_semaphore, #tpu.memory_space<semaphore_mem>>
      %dma_start3A_225 = arith.constant 0 : i32
      %dma_start3A_226 = arith.constant 0 : i32
      %dma_start3A_227 = tpu.memref_slice %arg8[%dma_start3A_225, %dma_start3A_226] : memref<100000x8xf32, #tpu.memory_space<vmem_shared>> -> memref<100000x8xf32, #tpu.memory_space<vmem_shared>>
      tpu.enqueue_indirect_dma source(%dma_start3A_227 : memref<100000x8xf32, #tpu.memory_space<vmem_shared>>) target(%arg12 : memref<2048x8xf32, #tpu.memory_space<vmem>>) offsets(%arg9 : memref<2048xi32, #tpu.memory_space<vmem>>) semaphore(%run_scoped3A : memref<!tpu.dma_semaphore, #tpu.memory_space<semaphore_mem>>)
      %dma_wait3A_228 = arith.constant 0 : i32
      %dma_wait3A_229 = arith.constant 0 : i32
      %dma_wait3A_230 = tpu.memref_slice %arg8[%dma_wait3A_228, %dma_wait3A_229] : memref<100000x8xf32, #tpu.memory_space<vmem_shared>> -> memref<100000x8xf32, #tpu.memory_space<vmem_shared>>
      tpu.wait_indirect_dma semaphore(%run_scoped3A : memref<!tpu.dma_semaphore, #tpu.memory_space<semaphore_mem>>) src(%dma_wait3A_230 : memref<100000x8xf32, #tpu.memory_space<vmem_shared>>) dst(%arg12 : memref<2048x8xf32, #tpu.memory_space<vmem>>)
      tpu.yield
    }) : () -> ()
    %barrier3A_165 = arith.constant 0 : index
    tpu.barrier barrier_id(%barrier3A_165)
    %mul3A_166 = arith.constant 96 : i32
    %mul3A_167 = arith.muli %arg0, %mul3A_166 : i32
    %add3A_168 = arith.constant 64 : i32
    %add3A_169 = arith.addi %mul3A_167, %add3A_168 : i32
    %dma_start3A_170 = tpu.memref_slice %arg6[%mul3A_0, %add3A_169] : memref<32768x192xf32, #tpu.memory_space<hbm>> -> memref<2048x8xf32, #tpu.memory_space<hbm>>
    %dma_start3A_171 = tpu.memref_slice %arg6[%mul3A_0, %add3A_169] : memref<32768x192xf32, #tpu.memory_space<hbm>> -> memref<2048x8xf32, #tpu.memory_space<hbm>>
    tpu.enqueue_dma source(%arg12 : memref<2048x8xf32, #tpu.memory_space<vmem>>) target(%dma_start3A_171 : memref<2048x8xf32, #tpu.memory_space<hbm>>) target_semaphore(%arg15 : memref<!tpu.dma_semaphore, #tpu.memory_space<semaphore_mem>>)
    "tpu.region"() ({
      %run_scoped3A = tpu.sem_alloc : memref<!tpu.dma_semaphore, #tpu.memory_space<semaphore_mem>>
      %dma_start3A_225 = arith.constant 0 : i32
      %dma_start3A_226 = arith.constant 0 : i32
      %dma_start3A_227 = tpu.memref_slice %arg8[%dma_start3A_225, %dma_start3A_226] : memref<100000x8xf32, #tpu.memory_space<vmem_shared>> -> memref<100000x8xf32, #tpu.memory_space<vmem_shared>>
      tpu.enqueue_indirect_dma source(%arg13 : memref<2048x8xf32, #tpu.memory_space<vmem>>) target(%dma_start3A_227 : memref<100000x8xf32, #tpu.memory_space<vmem_shared>>) offsets(%arg9 : memref<2048xi32, #tpu.memory_space<vmem>>) semaphore(%run_scoped3A : memref<!tpu.dma_semaphore, #tpu.memory_space<semaphore_mem>>)
      %dma_wait3A_228 = arith.constant 0 : i32
      %dma_wait3A_229 = arith.constant 0 : i32
      %dma_wait3A_230 = tpu.memref_slice %arg8[%dma_wait3A_228, %dma_wait3A_229] : memref<100000x8xf32, #tpu.memory_space<vmem_shared>> -> memref<100000x8xf32, #tpu.memory_space<vmem_shared>>
      tpu.wait_indirect_dma semaphore(%run_scoped3A : memref<!tpu.dma_semaphore, #tpu.memory_space<semaphore_mem>>) src(%arg13 : memref<2048x8xf32, #tpu.memory_space<vmem>>) dst(%dma_wait3A_230 : memref<100000x8xf32, #tpu.memory_space<vmem_shared>>)
      tpu.yield
    }) : () -> ()
    %dma_wait3A_172 = tpu.memref_slice %arg3[%mul3A_0, %add3A_161] : memref<32768x192xf32, #tpu.memory_space<hbm>> -> memref<2048x8xf32, #tpu.memory_space<hbm>>
    %dma_wait3A_173 = tpu.memref_slice %arg3[%mul3A_0, %add3A_161] : memref<32768x192xf32, #tpu.memory_space<hbm>> -> memref<2048x8xf32, #tpu.memory_space<hbm>>
    tpu.wait_dma2 semaphore(%arg14 : memref<!tpu.dma_semaphore, #tpu.memory_space<semaphore_mem>>) src(%dma_wait3A_173 : memref<2048x8xf32, #tpu.memory_space<hbm>>) dst(%arg11 : memref<2048x8xf32, #tpu.memory_space<vmem>>)
    %dma_wait3A_174 = tpu.memref_slice %arg6[%mul3A_0, %add3A_169] : memref<32768x192xf32, #tpu.memory_space<hbm>> -> memref<2048x8xf32, #tpu.memory_space<hbm>>
    %dma_wait3A_175 = tpu.memref_slice %arg6[%mul3A_0, %add3A_169] : memref<32768x192xf32, #tpu.memory_space<hbm>> -> memref<2048x8xf32, #tpu.memory_space<hbm>>
    tpu.wait_dma2 semaphore(%arg15 : memref<!tpu.dma_semaphore, #tpu.memory_space<semaphore_mem>>) src(%arg12 : memref<2048x8xf32, #tpu.memory_space<vmem>>) dst(%dma_wait3A_175 : memref<2048x8xf32, #tpu.memory_space<hbm>>)
    %barrier3A_176 = arith.constant 0 : index
    tpu.barrier barrier_id(%barrier3A_176)
    "tpu.region"() ({
      %run_scoped3A = tpu.sem_alloc : memref<!tpu.dma_semaphore, #tpu.memory_space<semaphore_mem>>
      %dma_start3A_225 = arith.constant 0 : i32
      %dma_start3A_226 = arith.constant 0 : i32
      %dma_start3A_227 = tpu.memref_slice %arg8[%dma_start3A_225, %dma_start3A_226] : memref<100000x8xf32, #tpu.memory_space<vmem_shared>> -> memref<100000x8xf32, #tpu.memory_space<vmem_shared>>
      tpu.enqueue_indirect_dma source(%arg11 : memref<2048x8xf32, #tpu.memory_space<vmem>>) target(%dma_start3A_227 : memref<100000x8xf32, #tpu.memory_space<vmem_shared>>) offsets(%arg9 : memref<2048xi32, #tpu.memory_space<vmem>>) semaphore(%run_scoped3A : memref<!tpu.dma_semaphore, #tpu.memory_space<semaphore_mem>>) {add = true}
      %dma_wait3A_228 = arith.constant 0 : i32
      %dma_wait3A_229 = arith.constant 0 : i32
      %dma_wait3A_230 = tpu.memref_slice %arg8[%dma_wait3A_228, %dma_wait3A_229] : memref<100000x8xf32, #tpu.memory_space<vmem_shared>> -> memref<100000x8xf32, #tpu.memory_space<vmem_shared>>
      tpu.wait_indirect_dma semaphore(%run_scoped3A : memref<!tpu.dma_semaphore, #tpu.memory_space<semaphore_mem>>) src(%arg11 : memref<2048x8xf32, #tpu.memory_space<vmem>>) dst(%dma_wait3A_230 : memref<100000x8xf32, #tpu.memory_space<vmem_shared>>)
      tpu.yield
    }) : () -> ()
    %mul3A_177 = arith.constant 96 : i32
    %mul3A_178 = arith.muli %arg0, %mul3A_177 : i32
    %add3A_179 = arith.constant 80 : i32
    %add3A_180 = arith.addi %mul3A_178, %add3A_179 : i32
    %dma_start3A_181 = tpu.memref_slice %arg3[%mul3A_0, %add3A_180] : memref<32768x192xf32, #tpu.memory_space<hbm>> -> memref<2048x8xf32, #tpu.memory_space<hbm>>
    %dma_start3A_182 = tpu.memref_slice %arg3[%mul3A_0, %add3A_180] : memref<32768x192xf32, #tpu.memory_space<hbm>> -> memref<2048x8xf32, #tpu.memory_space<hbm>>
    tpu.enqueue_dma source(%dma_start3A_182 : memref<2048x8xf32, #tpu.memory_space<hbm>>) target(%arg10 : memref<2048x8xf32, #tpu.memory_space<vmem>>) target_semaphore(%arg14 : memref<!tpu.dma_semaphore, #tpu.memory_space<semaphore_mem>>)
    %barrier3A_183 = arith.constant 0 : index
    tpu.barrier barrier_id(%barrier3A_183)
    "tpu.region"() ({
      %run_scoped3A = tpu.sem_alloc : memref<!tpu.dma_semaphore, #tpu.memory_space<semaphore_mem>>
      %dma_start3A_225 = arith.constant 0 : i32
      %dma_start3A_226 = arith.constant 0 : i32
      %dma_start3A_227 = tpu.memref_slice %arg8[%dma_start3A_225, %dma_start3A_226] : memref<100000x8xf32, #tpu.memory_space<vmem_shared>> -> memref<100000x8xf32, #tpu.memory_space<vmem_shared>>
      tpu.enqueue_indirect_dma source(%dma_start3A_227 : memref<100000x8xf32, #tpu.memory_space<vmem_shared>>) target(%arg12 : memref<2048x8xf32, #tpu.memory_space<vmem>>) offsets(%arg9 : memref<2048xi32, #tpu.memory_space<vmem>>) semaphore(%run_scoped3A : memref<!tpu.dma_semaphore, #tpu.memory_space<semaphore_mem>>)
      %dma_wait3A_228 = arith.constant 0 : i32
      %dma_wait3A_229 = arith.constant 0 : i32
      %dma_wait3A_230 = tpu.memref_slice %arg8[%dma_wait3A_228, %dma_wait3A_229] : memref<100000x8xf32, #tpu.memory_space<vmem_shared>> -> memref<100000x8xf32, #tpu.memory_space<vmem_shared>>
      tpu.wait_indirect_dma semaphore(%run_scoped3A : memref<!tpu.dma_semaphore, #tpu.memory_space<semaphore_mem>>) src(%dma_wait3A_230 : memref<100000x8xf32, #tpu.memory_space<vmem_shared>>) dst(%arg12 : memref<2048x8xf32, #tpu.memory_space<vmem>>)
      tpu.yield
    }) : () -> ()
    %barrier3A_184 = arith.constant 0 : index
    tpu.barrier barrier_id(%barrier3A_184)
    %mul3A_185 = arith.constant 96 : i32
    %mul3A_186 = arith.muli %arg0, %mul3A_185 : i32
    %add3A_187 = arith.constant 72 : i32
    %add3A_188 = arith.addi %mul3A_186, %add3A_187 : i32
    %dma_start3A_189 = tpu.memref_slice %arg6[%mul3A_0, %add3A_188] : memref<32768x192xf32, #tpu.memory_space<hbm>> -> memref<2048x8xf32, #tpu.memory_space<hbm>>
    %dma_start3A_190 = tpu.memref_slice %arg6[%mul3A_0, %add3A_188] : memref<32768x192xf32, #tpu.memory_space<hbm>> -> memref<2048x8xf32, #tpu.memory_space<hbm>>
    tpu.enqueue_dma source(%arg12 : memref<2048x8xf32, #tpu.memory_space<vmem>>) target(%dma_start3A_190 : memref<2048x8xf32, #tpu.memory_space<hbm>>) target_semaphore(%arg15 : memref<!tpu.dma_semaphore, #tpu.memory_space<semaphore_mem>>)
    "tpu.region"() ({
      %run_scoped3A = tpu.sem_alloc : memref<!tpu.dma_semaphore, #tpu.memory_space<semaphore_mem>>
      %dma_start3A_225 = arith.constant 0 : i32
      %dma_start3A_226 = arith.constant 0 : i32
      %dma_start3A_227 = tpu.memref_slice %arg8[%dma_start3A_225, %dma_start3A_226] : memref<100000x8xf32, #tpu.memory_space<vmem_shared>> -> memref<100000x8xf32, #tpu.memory_space<vmem_shared>>
      tpu.enqueue_indirect_dma source(%arg13 : memref<2048x8xf32, #tpu.memory_space<vmem>>) target(%dma_start3A_227 : memref<100000x8xf32, #tpu.memory_space<vmem_shared>>) offsets(%arg9 : memref<2048xi32, #tpu.memory_space<vmem>>) semaphore(%run_scoped3A : memref<!tpu.dma_semaphore, #tpu.memory_space<semaphore_mem>>)
      %dma_wait3A_228 = arith.constant 0 : i32
      %dma_wait3A_229 = arith.constant 0 : i32
      %dma_wait3A_230 = tpu.memref_slice %arg8[%dma_wait3A_228, %dma_wait3A_229] : memref<100000x8xf32, #tpu.memory_space<vmem_shared>> -> memref<100000x8xf32, #tpu.memory_space<vmem_shared>>
      tpu.wait_indirect_dma semaphore(%run_scoped3A : memref<!tpu.dma_semaphore, #tpu.memory_space<semaphore_mem>>) src(%arg13 : memref<2048x8xf32, #tpu.memory_space<vmem>>) dst(%dma_wait3A_230 : memref<100000x8xf32, #tpu.memory_space<vmem_shared>>)
      tpu.yield
    }) : () -> ()
    %dma_wait3A_191 = tpu.memref_slice %arg3[%mul3A_0, %add3A_180] : memref<32768x192xf32, #tpu.memory_space<hbm>> -> memref<2048x8xf32, #tpu.memory_space<hbm>>
    %dma_wait3A_192 = tpu.memref_slice %arg3[%mul3A_0, %add3A_180] : memref<32768x192xf32, #tpu.memory_space<hbm>> -> memref<2048x8xf32, #tpu.memory_space<hbm>>
    tpu.wait_dma2 semaphore(%arg14 : memref<!tpu.dma_semaphore, #tpu.memory_space<semaphore_mem>>) src(%dma_wait3A_192 : memref<2048x8xf32, #tpu.memory_space<hbm>>) dst(%arg10 : memref<2048x8xf32, #tpu.memory_space<vmem>>)
    %dma_wait3A_193 = tpu.memref_slice %arg6[%mul3A_0, %add3A_188] : memref<32768x192xf32, #tpu.memory_space<hbm>> -> memref<2048x8xf32, #tpu.memory_space<hbm>>
    %dma_wait3A_194 = tpu.memref_slice %arg6[%mul3A_0, %add3A_188] : memref<32768x192xf32, #tpu.memory_space<hbm>> -> memref<2048x8xf32, #tpu.memory_space<hbm>>
    tpu.wait_dma2 semaphore(%arg15 : memref<!tpu.dma_semaphore, #tpu.memory_space<semaphore_mem>>) src(%arg12 : memref<2048x8xf32, #tpu.memory_space<vmem>>) dst(%dma_wait3A_194 : memref<2048x8xf32, #tpu.memory_space<hbm>>)
    %barrier3A_195 = arith.constant 0 : index
    tpu.barrier barrier_id(%barrier3A_195)
    "tpu.region"() ({
      %run_scoped3A = tpu.sem_alloc : memref<!tpu.dma_semaphore, #tpu.memory_space<semaphore_mem>>
      %dma_start3A_225 = arith.constant 0 : i32
      %dma_start3A_226 = arith.constant 0 : i32
      %dma_start3A_227 = tpu.memref_slice %arg8[%dma_start3A_225, %dma_start3A_226] : memref<100000x8xf32, #tpu.memory_space<vmem_shared>> -> memref<100000x8xf32, #tpu.memory_space<vmem_shared>>
      tpu.enqueue_indirect_dma source(%arg10 : memref<2048x8xf32, #tpu.memory_space<vmem>>) target(%dma_start3A_227 : memref<100000x8xf32, #tpu.memory_space<vmem_shared>>) offsets(%arg9 : memref<2048xi32, #tpu.memory_space<vmem>>) semaphore(%run_scoped3A : memref<!tpu.dma_semaphore, #tpu.memory_space<semaphore_mem>>) {add = true}
      %dma_wait3A_228 = arith.constant 0 : i32
      %dma_wait3A_229 = arith.constant 0 : i32
      %dma_wait3A_230 = tpu.memref_slice %arg8[%dma_wait3A_228, %dma_wait3A_229] : memref<100000x8xf32, #tpu.memory_space<vmem_shared>> -> memref<100000x8xf32, #tpu.memory_space<vmem_shared>>
      tpu.wait_indirect_dma semaphore(%run_scoped3A : memref<!tpu.dma_semaphore, #tpu.memory_space<semaphore_mem>>) src(%arg10 : memref<2048x8xf32, #tpu.memory_space<vmem>>) dst(%dma_wait3A_230 : memref<100000x8xf32, #tpu.memory_space<vmem_shared>>)
      tpu.yield
    }) : () -> ()
    %mul3A_196 = arith.constant 96 : i32
    %mul3A_197 = arith.muli %arg0, %mul3A_196 : i32
    %add3A_198 = arith.constant 88 : i32
    %add3A_199 = arith.addi %mul3A_197, %add3A_198 : i32
    %dma_start3A_200 = tpu.memref_slice %arg3[%mul3A_0, %add3A_199] : memref<32768x192xf32, #tpu.memory_space<hbm>> -> memref<2048x8xf32, #tpu.memory_space<hbm>>
    %dma_start3A_201 = tpu.memref_slice %arg3[%mul3A_0, %add3A_199] : memref<32768x192xf32, #tpu.memory_space<hbm>> -> memref<2048x8xf32, #tpu.memory_space<hbm>>
    tpu.enqueue_dma source(%dma_start3A_201 : memref<2048x8xf32, #tpu.memory_space<hbm>>) target(%arg11 : memref<2048x8xf32, #tpu.memory_space<vmem>>) target_semaphore(%arg14 : memref<!tpu.dma_semaphore, #tpu.memory_space<semaphore_mem>>)
    %barrier3A_202 = arith.constant 0 : index
    tpu.barrier barrier_id(%barrier3A_202)
    "tpu.region"() ({
      %run_scoped3A = tpu.sem_alloc : memref<!tpu.dma_semaphore, #tpu.memory_space<semaphore_mem>>
      %dma_start3A_225 = arith.constant 0 : i32
      %dma_start3A_226 = arith.constant 0 : i32
      %dma_start3A_227 = tpu.memref_slice %arg8[%dma_start3A_225, %dma_start3A_226] : memref<100000x8xf32, #tpu.memory_space<vmem_shared>> -> memref<100000x8xf32, #tpu.memory_space<vmem_shared>>
      tpu.enqueue_indirect_dma source(%dma_start3A_227 : memref<100000x8xf32, #tpu.memory_space<vmem_shared>>) target(%arg12 : memref<2048x8xf32, #tpu.memory_space<vmem>>) offsets(%arg9 : memref<2048xi32, #tpu.memory_space<vmem>>) semaphore(%run_scoped3A : memref<!tpu.dma_semaphore, #tpu.memory_space<semaphore_mem>>)
      %dma_wait3A_228 = arith.constant 0 : i32
      %dma_wait3A_229 = arith.constant 0 : i32
      %dma_wait3A_230 = tpu.memref_slice %arg8[%dma_wait3A_228, %dma_wait3A_229] : memref<100000x8xf32, #tpu.memory_space<vmem_shared>> -> memref<100000x8xf32, #tpu.memory_space<vmem_shared>>
      tpu.wait_indirect_dma semaphore(%run_scoped3A : memref<!tpu.dma_semaphore, #tpu.memory_space<semaphore_mem>>) src(%dma_wait3A_230 : memref<100000x8xf32, #tpu.memory_space<vmem_shared>>) dst(%arg12 : memref<2048x8xf32, #tpu.memory_space<vmem>>)
      tpu.yield
    }) : () -> ()
    %barrier3A_203 = arith.constant 0 : index
    tpu.barrier barrier_id(%barrier3A_203)
    %mul3A_204 = arith.constant 96 : i32
    %mul3A_205 = arith.muli %arg0, %mul3A_204 : i32
    %add3A_206 = arith.constant 80 : i32
    %add3A_207 = arith.addi %mul3A_205, %add3A_206 : i32
    %dma_start3A_208 = tpu.memref_slice %arg6[%mul3A_0, %add3A_207] : memref<32768x192xf32, #tpu.memory_space<hbm>> -> memref<2048x8xf32, #tpu.memory_space<hbm>>
    %dma_start3A_209 = tpu.memref_slice %arg6[%mul3A_0, %add3A_207] : memref<32768x192xf32, #tpu.memory_space<hbm>> -> memref<2048x8xf32, #tpu.memory_space<hbm>>
    tpu.enqueue_dma source(%arg12 : memref<2048x8xf32, #tpu.memory_space<vmem>>) target(%dma_start3A_209 : memref<2048x8xf32, #tpu.memory_space<hbm>>) target_semaphore(%arg15 : memref<!tpu.dma_semaphore, #tpu.memory_space<semaphore_mem>>)
    "tpu.region"() ({
      %run_scoped3A = tpu.sem_alloc : memref<!tpu.dma_semaphore, #tpu.memory_space<semaphore_mem>>
      %dma_start3A_225 = arith.constant 0 : i32
      %dma_start3A_226 = arith.constant 0 : i32
      %dma_start3A_227 = tpu.memref_slice %arg8[%dma_start3A_225, %dma_start3A_226] : memref<100000x8xf32, #tpu.memory_space<vmem_shared>> -> memref<100000x8xf32, #tpu.memory_space<vmem_shared>>
      tpu.enqueue_indirect_dma source(%arg13 : memref<2048x8xf32, #tpu.memory_space<vmem>>) target(%dma_start3A_227 : memref<100000x8xf32, #tpu.memory_space<vmem_shared>>) offsets(%arg9 : memref<2048xi32, #tpu.memory_space<vmem>>) semaphore(%run_scoped3A : memref<!tpu.dma_semaphore, #tpu.memory_space<semaphore_mem>>)
      %dma_wait3A_228 = arith.constant 0 : i32
      %dma_wait3A_229 = arith.constant 0 : i32
      %dma_wait3A_230 = tpu.memref_slice %arg8[%dma_wait3A_228, %dma_wait3A_229] : memref<100000x8xf32, #tpu.memory_space<vmem_shared>> -> memref<100000x8xf32, #tpu.memory_space<vmem_shared>>
      tpu.wait_indirect_dma semaphore(%run_scoped3A : memref<!tpu.dma_semaphore, #tpu.memory_space<semaphore_mem>>) src(%arg13 : memref<2048x8xf32, #tpu.memory_space<vmem>>) dst(%dma_wait3A_230 : memref<100000x8xf32, #tpu.memory_space<vmem_shared>>)
      tpu.yield
    }) : () -> ()
    %dma_wait3A_210 = tpu.memref_slice %arg3[%mul3A_0, %add3A_199] : memref<32768x192xf32, #tpu.memory_space<hbm>> -> memref<2048x8xf32, #tpu.memory_space<hbm>>
    %dma_wait3A_211 = tpu.memref_slice %arg3[%mul3A_0, %add3A_199] : memref<32768x192xf32, #tpu.memory_space<hbm>> -> memref<2048x8xf32, #tpu.memory_space<hbm>>
    tpu.wait_dma2 semaphore(%arg14 : memref<!tpu.dma_semaphore, #tpu.memory_space<semaphore_mem>>) src(%dma_wait3A_211 : memref<2048x8xf32, #tpu.memory_space<hbm>>) dst(%arg11 : memref<2048x8xf32, #tpu.memory_space<vmem>>)
    %dma_wait3A_212 = tpu.memref_slice %arg6[%mul3A_0, %add3A_207] : memref<32768x192xf32, #tpu.memory_space<hbm>> -> memref<2048x8xf32, #tpu.memory_space<hbm>>
    %dma_wait3A_213 = tpu.memref_slice %arg6[%mul3A_0, %add3A_207] : memref<32768x192xf32, #tpu.memory_space<hbm>> -> memref<2048x8xf32, #tpu.memory_space<hbm>>
    tpu.wait_dma2 semaphore(%arg15 : memref<!tpu.dma_semaphore, #tpu.memory_space<semaphore_mem>>) src(%arg12 : memref<2048x8xf32, #tpu.memory_space<vmem>>) dst(%dma_wait3A_213 : memref<2048x8xf32, #tpu.memory_space<hbm>>)
    %barrier3A_214 = arith.constant 0 : index
    tpu.barrier barrier_id(%barrier3A_214)
    "tpu.region"() ({
      %run_scoped3A = tpu.sem_alloc : memref<!tpu.dma_semaphore, #tpu.memory_space<semaphore_mem>>
      %dma_start3A_225 = arith.constant 0 : i32
      %dma_start3A_226 = arith.constant 0 : i32
      %dma_start3A_227 = tpu.memref_slice %arg8[%dma_start3A_225, %dma_start3A_226] : memref<100000x8xf32, #tpu.memory_space<vmem_shared>> -> memref<100000x8xf32, #tpu.memory_space<vmem_shared>>
      tpu.enqueue_indirect_dma source(%arg11 : memref<2048x8xf32, #tpu.memory_space<vmem>>) target(%dma_start3A_227 : memref<100000x8xf32, #tpu.memory_space<vmem_shared>>) offsets(%arg9 : memref<2048xi32, #tpu.memory_space<vmem>>) semaphore(%run_scoped3A : memref<!tpu.dma_semaphore, #tpu.memory_space<semaphore_mem>>) {add = true}
      %dma_wait3A_228 = arith.constant 0 : i32
      %dma_wait3A_229 = arith.constant 0 : i32
      %dma_wait3A_230 = tpu.memref_slice %arg8[%dma_wait3A_228, %dma_wait3A_229] : memref<100000x8xf32, #tpu.memory_space<vmem_shared>> -> memref<100000x8xf32, #tpu.memory_space<vmem_shared>>
      tpu.wait_indirect_dma semaphore(%run_scoped3A : memref<!tpu.dma_semaphore, #tpu.memory_space<semaphore_mem>>) src(%arg11 : memref<2048x8xf32, #tpu.memory_space<vmem>>) dst(%dma_wait3A_230 : memref<100000x8xf32, #tpu.memory_space<vmem_shared>>)
      tpu.yield
    }) : () -> ()
    %barrier3A_215 = arith.constant 0 : index
    tpu.barrier barrier_id(%barrier3A_215)
    "tpu.region"() ({
      %run_scoped3A = tpu.sem_alloc : memref<!tpu.dma_semaphore, #tpu.memory_space<semaphore_mem>>
      %dma_start3A_225 = arith.constant 0 : i32
      %dma_start3A_226 = arith.constant 0 : i32
      %dma_start3A_227 = tpu.memref_slice %arg8[%dma_start3A_225, %dma_start3A_226] : memref<100000x8xf32, #tpu.memory_space<vmem_shared>> -> memref<100000x8xf32, #tpu.memory_space<vmem_shared>>
      tpu.enqueue_indirect_dma source(%dma_start3A_227 : memref<100000x8xf32, #tpu.memory_space<vmem_shared>>) target(%arg12 : memref<2048x8xf32, #tpu.memory_space<vmem>>) offsets(%arg9 : memref<2048xi32, #tpu.memory_space<vmem>>) semaphore(%run_scoped3A : memref<!tpu.dma_semaphore, #tpu.memory_space<semaphore_mem>>)
      %dma_wait3A_228 = arith.constant 0 : i32
      %dma_wait3A_229 = arith.constant 0 : i32
      %dma_wait3A_230 = tpu.memref_slice %arg8[%dma_wait3A_228, %dma_wait3A_229] : memref<100000x8xf32, #tpu.memory_space<vmem_shared>> -> memref<100000x8xf32, #tpu.memory_space<vmem_shared>>
      tpu.wait_indirect_dma semaphore(%run_scoped3A : memref<!tpu.dma_semaphore, #tpu.memory_space<semaphore_mem>>) src(%dma_wait3A_230 : memref<100000x8xf32, #tpu.memory_space<vmem_shared>>) dst(%arg12 : memref<2048x8xf32, #tpu.memory_space<vmem>>)
      tpu.yield
    }) : () -> ()
    %barrier3A_216 = arith.constant 0 : index
    tpu.barrier barrier_id(%barrier3A_216)
    %mul3A_217 = arith.constant 96 : i32
    %mul3A_218 = arith.muli %arg0, %mul3A_217 : i32
    %add3A_219 = arith.constant 88 : i32
    %add3A_220 = arith.addi %mul3A_218, %add3A_219 : i32
    %dma_start3A_221 = tpu.memref_slice %arg6[%mul3A_0, %add3A_220] : memref<32768x192xf32, #tpu.memory_space<hbm>> -> memref<2048x8xf32, #tpu.memory_space<hbm>>
    %dma_start3A_222 = tpu.memref_slice %arg6[%mul3A_0, %add3A_220] : memref<32768x192xf32, #tpu.memory_space<hbm>> -> memref<2048x8xf32, #tpu.memory_space<hbm>>
    tpu.enqueue_dma source(%arg12 : memref<2048x8xf32, #tpu.memory_space<vmem>>) target(%dma_start3A_222 : memref<2048x8xf32, #tpu.memory_space<hbm>>) target_semaphore(%arg15 : memref<!tpu.dma_semaphore, #tpu.memory_space<semaphore_mem>>)
    %dma_wait3A_223 = tpu.memref_slice %arg6[%mul3A_0, %add3A_220] : memref<32768x192xf32, #tpu.memory_space<hbm>> -> memref<2048x8xf32, #tpu.memory_space<hbm>>
    %dma_wait3A_224 = tpu.memref_slice %arg6[%mul3A_0, %add3A_220] : memref<32768x192xf32, #tpu.memory_space<hbm>> -> memref<2048x8xf32, #tpu.memory_space<hbm>>
    tpu.wait_dma2 semaphore(%arg15 : memref<!tpu.dma_semaphore, #tpu.memory_space<semaphore_mem>>) src(%arg12 : memref<2048x8xf32, #tpu.memory_space<vmem>>) dst(%dma_wait3A_224 : memref<2048x8xf32, #tpu.memory_space<hbm>>)
    return
  }
}

#map = affine_map<(d0, d1) -> (0)>
#map1 = affine_map<(d0, d1) -> (0, 0)>
module attributes {stable_mosaic.version = 14 : i64} {
  func.func @new_body(%arg0: i32, %arg1: i32, %arg2: memref<32768xi32, #tpu.memory_space<hbm>>, %arg3: memref<32768x64xf32, #tpu.memory_space<hbm>>, %arg4: memref<100000x64xf32, #tpu.memory_space<hbm>>, %arg5: memref<100000x64xf32, #tpu.memory_space<hbm>>, %arg6: memref<1024xi32, #tpu.memory_space<vmem>>, %arg7: memref<1024x64xf32, #tpu.memory_space<vmem>>) attributes {dimension_semantics = [#tpu.dimension_semantics<core_parallel>, #tpu.dimension_semantics<subcore_parallel>], iteration_bounds = array<i64: 2, 16>, scalar_prefetch = 0 : i64, scratch_operands = 2 : i64, tpu.core_type = #tpu.core_type<sc_vector_subcore>, window_params = [{transform_indices = #map}, {transform_indices = #map1}, {transform_indices = #map1}, {transform_indices = #map1}]} {
    %mul3A = arith.constant 16 : i32
    %mul3A_0 = arith.muli %arg0, %mul3A : i32
    %add3A = arith.addi %mul3A_0, %arg1 : i32
    %mul3A_1 = arith.constant 1024 : i32
    %mul3A_2 = arith.muli %add3A, %mul3A_1 : i32
    "tpu.region"() ({
      %run_scoped3A = tpu.sem_alloc : memref<!tpu.dma_semaphore, #tpu.memory_space<semaphore_mem>>
      %dma_start3A = tpu.memref_slice %arg2[%mul3A_2] : memref<32768xi32, #tpu.memory_space<hbm>> -> memref<1024xi32, #tpu.memory_space<hbm>>
      %dma_start3A_5 = tpu.memref_slice %arg2[%mul3A_2] : memref<32768xi32, #tpu.memory_space<hbm>> -> memref<1024xi32, #tpu.memory_space<hbm>>
      tpu.enqueue_dma source(%dma_start3A_5 : memref<1024xi32, #tpu.memory_space<hbm>>) target(%arg6 : memref<1024xi32, #tpu.memory_space<vmem>>) target_semaphore(%run_scoped3A : memref<!tpu.dma_semaphore, #tpu.memory_space<semaphore_mem>>)
      %dma_wait3A = tpu.memref_slice %arg2[%mul3A_2] : memref<32768xi32, #tpu.memory_space<hbm>> -> memref<1024xi32, #tpu.memory_space<hbm>>
      %dma_wait3A_6 = tpu.memref_slice %arg2[%mul3A_2] : memref<32768xi32, #tpu.memory_space<hbm>> -> memref<1024xi32, #tpu.memory_space<hbm>>
      tpu.wait_dma2 semaphore(%run_scoped3A : memref<!tpu.dma_semaphore, #tpu.memory_space<semaphore_mem>>) src(%dma_wait3A_6 : memref<1024xi32, #tpu.memory_space<hbm>>) dst(%arg6 : memref<1024xi32, #tpu.memory_space<vmem>>)
      tpu.yield
    }) : () -> ()
    %mul3A_3 = arith.constant 1024 : i32
    %mul3A_4 = arith.muli %add3A, %mul3A_3 : i32
    "tpu.region"() ({
      %run_scoped3A = tpu.sem_alloc : memref<!tpu.dma_semaphore, #tpu.memory_space<semaphore_mem>>
      %dma_start3A = arith.constant 0 : i32
      %dma_start3A_5 = tpu.memref_slice %arg3[%mul3A_4, %dma_start3A] : memref<32768x64xf32, #tpu.memory_space<hbm>> -> memref<1024x64xf32, #tpu.memory_space<hbm>>
      %dma_start3A_6 = arith.constant 0 : i32
      %dma_start3A_7 = tpu.memref_slice %arg3[%mul3A_4, %dma_start3A_6] : memref<32768x64xf32, #tpu.memory_space<hbm>> -> memref<1024x64xf32, #tpu.memory_space<hbm>>
      tpu.enqueue_dma source(%dma_start3A_7 : memref<1024x64xf32, #tpu.memory_space<hbm>>) target(%arg7 : memref<1024x64xf32, #tpu.memory_space<vmem>>) target_semaphore(%run_scoped3A : memref<!tpu.dma_semaphore, #tpu.memory_space<semaphore_mem>>)
      %dma_wait3A = arith.constant 0 : i32
      %dma_wait3A_8 = tpu.memref_slice %arg3[%mul3A_4, %dma_wait3A] : memref<32768x64xf32, #tpu.memory_space<hbm>> -> memref<1024x64xf32, #tpu.memory_space<hbm>>
      %dma_wait3A_9 = arith.constant 0 : i32
      %dma_wait3A_10 = tpu.memref_slice %arg3[%mul3A_4, %dma_wait3A_9] : memref<32768x64xf32, #tpu.memory_space<hbm>> -> memref<1024x64xf32, #tpu.memory_space<hbm>>
      tpu.wait_dma2 semaphore(%run_scoped3A : memref<!tpu.dma_semaphore, #tpu.memory_space<semaphore_mem>>) src(%dma_wait3A_10 : memref<1024x64xf32, #tpu.memory_space<hbm>>) dst(%arg7 : memref<1024x64xf32, #tpu.memory_space<vmem>>)
      tpu.yield
    }) : () -> ()
    "tpu.region"() ({
      %run_scoped3A = tpu.sem_alloc : memref<!tpu.dma_semaphore, #tpu.memory_space<semaphore_mem>>
      %dma_start3A = arith.constant 0 : i32
      %dma_start3A_5 = arith.constant 0 : i32
      %dma_start3A_6 = tpu.memref_slice %arg4[%dma_start3A, %dma_start3A_5] : memref<100000x64xf32, #tpu.memory_space<hbm>> -> memref<100000x64xf32, #tpu.memory_space<hbm>>
      tpu.enqueue_indirect_dma source(%arg7 : memref<1024x64xf32, #tpu.memory_space<vmem>>) target(%dma_start3A_6 : memref<100000x64xf32, #tpu.memory_space<hbm>>) offsets(%arg6 : memref<1024xi32, #tpu.memory_space<vmem>>) semaphore(%run_scoped3A : memref<!tpu.dma_semaphore, #tpu.memory_space<semaphore_mem>>)
      %dma_wait3A = arith.constant 0 : i32
      %dma_wait3A_7 = arith.constant 0 : i32
      %dma_wait3A_8 = tpu.memref_slice %arg4[%dma_wait3A, %dma_wait3A_7] : memref<100000x64xf32, #tpu.memory_space<hbm>> -> memref<100000x64xf32, #tpu.memory_space<hbm>>
      tpu.wait_indirect_dma semaphore(%run_scoped3A : memref<!tpu.dma_semaphore, #tpu.memory_space<semaphore_mem>>) src(%arg7 : memref<1024x64xf32, #tpu.memory_space<vmem>>) dst(%dma_wait3A_8 : memref<100000x64xf32, #tpu.memory_space<hbm>>)
      tpu.yield
    }) : () -> ()
    return
  }
}

#map = affine_map<(d0, d1) -> (0)>
#map1 = affine_map<(d0, d1) -> (0, 0)>
#map2 = affine_map<(d0, d1) -> (0, 0, 0)>
module attributes {stable_mosaic.version = 14 : i64} {
  func.func @new_body(%arg0: i32, %arg1: i32, %arg2: memref<32768xi32, #tpu.memory_space<hbm>>, %arg3: memref<100000x64xf32, #tpu.memory_space<hbm>>, %arg4: memref<100000xi32, #tpu.memory_space<hbm>>, %arg5: memref<32768x64xf32, #tpu.memory_space<hbm>>, %arg6: memref<8x1x4096xi32, #tpu.memory_space<hbm>>, %arg7: memref<100000x64xf32, #tpu.memory_space<hbm>>, %arg8: memref<1024xi32, #tpu.memory_space<vmem>>, %arg9: memref<1024x64xf32, #tpu.memory_space<vmem>>, %arg10: memref<1024xi32, #tpu.memory_space<vmem>>) attributes {dimension_semantics = [#tpu.dimension_semantics<core_parallel>, #tpu.dimension_semantics<subcore_parallel>], iteration_bounds = array<i64: 2, 16>, scalar_prefetch = 0 : i64, scratch_operands = 3 : i64, tpu.core_type = #tpu.core_type<sc_vector_subcore>, window_params = [{transform_indices = #map}, {transform_indices = #map1}, {transform_indices = #map}, {transform_indices = #map1}, {transform_indices = #map2}, {transform_indices = #map1}]} {
    %mul3A = arith.constant 16 : i32
    %mul3A_0 = arith.muli %arg0, %mul3A : i32
    %add3A = arith.addi %mul3A_0, %arg1 : i32
    %mul3A_1 = arith.constant 1024 : i32
    %mul3A_2 = arith.muli %add3A, %mul3A_1 : i32
    "tpu.region"() ({
      %run_scoped3A_37 = tpu.sem_alloc : memref<!tpu.dma_semaphore, #tpu.memory_space<semaphore_mem>>
      %dma_start3A = tpu.memref_slice %arg2[%mul3A_2] : memref<32768xi32, #tpu.memory_space<hbm>> -> memref<1024xi32, #tpu.memory_space<hbm>>
      %dma_start3A_38 = tpu.memref_slice %arg2[%mul3A_2] : memref<32768xi32, #tpu.memory_space<hbm>> -> memref<1024xi32, #tpu.memory_space<hbm>>
      tpu.enqueue_dma source(%dma_start3A_38 : memref<1024xi32, #tpu.memory_space<hbm>>) target(%arg8 : memref<1024xi32, #tpu.memory_space<vmem>>) target_semaphore(%run_scoped3A_37 : memref<!tpu.dma_semaphore, #tpu.memory_space<semaphore_mem>>)
      %dma_wait3A = tpu.memref_slice %arg2[%mul3A_2] : memref<32768xi32, #tpu.memory_space<hbm>> -> memref<1024xi32, #tpu.memory_space<hbm>>
      %dma_wait3A_39 = tpu.memref_slice %arg2[%mul3A_2] : memref<32768xi32, #tpu.memory_space<hbm>> -> memref<1024xi32, #tpu.memory_space<hbm>>
      tpu.wait_dma2 semaphore(%run_scoped3A_37 : memref<!tpu.dma_semaphore, #tpu.memory_space<semaphore_mem>>) src(%dma_wait3A_39 : memref<1024xi32, #tpu.memory_space<hbm>>) dst(%arg8 : memref<1024xi32, #tpu.memory_space<vmem>>)
      tpu.yield
    }) : () -> ()
    "tpu.region"() ({
      %run_scoped3A_37 = tpu.sem_alloc : memref<!tpu.dma_semaphore, #tpu.memory_space<semaphore_mem>>
      %dma_start3A = arith.constant 0 : i32
      %dma_start3A_38 = arith.constant 0 : i32
      %dma_start3A_39 = tpu.memref_slice %arg3[%dma_start3A, %dma_start3A_38] : memref<100000x64xf32, #tpu.memory_space<hbm>> -> memref<100000x64xf32, #tpu.memory_space<hbm>>
      tpu.enqueue_indirect_dma source(%dma_start3A_39 : memref<100000x64xf32, #tpu.memory_space<hbm>>) target(%arg9 : memref<1024x64xf32, #tpu.memory_space<vmem>>) offsets(%arg8 : memref<1024xi32, #tpu.memory_space<vmem>>) semaphore(%run_scoped3A_37 : memref<!tpu.dma_semaphore, #tpu.memory_space<semaphore_mem>>)
      %dma_wait3A = arith.constant 0 : i32
      %dma_wait3A_40 = arith.constant 0 : i32
      %dma_wait3A_41 = tpu.memref_slice %arg3[%dma_wait3A, %dma_wait3A_40] : memref<100000x64xf32, #tpu.memory_space<hbm>> -> memref<100000x64xf32, #tpu.memory_space<hbm>>
      tpu.wait_indirect_dma semaphore(%run_scoped3A_37 : memref<!tpu.dma_semaphore, #tpu.memory_space<semaphore_mem>>) src(%dma_wait3A_41 : memref<100000x64xf32, #tpu.memory_space<hbm>>) dst(%arg9 : memref<1024x64xf32, #tpu.memory_space<vmem>>)
      tpu.yield
    }) : () -> ()
    "tpu.region"() ({
      %run_scoped3A_37 = tpu.sem_alloc : memref<!tpu.dma_semaphore, #tpu.memory_space<semaphore_mem>>
      %dma_start3A = arith.constant 0 : i32
      %dma_start3A_38 = tpu.memref_slice %arg4[%dma_start3A] : memref<100000xi32, #tpu.memory_space<hbm>> -> memref<100000xi32, #tpu.memory_space<hbm>>
      tpu.enqueue_indirect_dma source(%dma_start3A_38 : memref<100000xi32, #tpu.memory_space<hbm>>) target(%arg10 : memref<1024xi32, #tpu.memory_space<vmem>>) offsets(%arg8 : memref<1024xi32, #tpu.memory_space<vmem>>) semaphore(%run_scoped3A_37 : memref<!tpu.dma_semaphore, #tpu.memory_space<semaphore_mem>>)
      %dma_wait3A = arith.constant 0 : i32
      %dma_wait3A_39 = tpu.memref_slice %arg4[%dma_wait3A] : memref<100000xi32, #tpu.memory_space<hbm>> -> memref<100000xi32, #tpu.memory_space<hbm>>
      tpu.wait_indirect_dma semaphore(%run_scoped3A_37 : memref<!tpu.dma_semaphore, #tpu.memory_space<semaphore_mem>>) src(%dma_wait3A_39 : memref<100000xi32, #tpu.memory_space<hbm>>) dst(%arg10 : memref<1024xi32, #tpu.memory_space<vmem>>)
      tpu.yield
    }) : () -> ()
    %mul3A_3 = arith.constant 1024 : i32
    %mul3A_4 = arith.muli %add3A, %mul3A_3 : i32
    "tpu.region"() ({
      %run_scoped3A_37 = tpu.sem_alloc : memref<!tpu.dma_semaphore, #tpu.memory_space<semaphore_mem>>
      %dma_start3A = arith.constant 0 : i32
      %dma_start3A_38 = tpu.memref_slice %arg5[%mul3A_4, %dma_start3A] : memref<32768x64xf32, #tpu.memory_space<hbm>> -> memref<1024x64xf32, #tpu.memory_space<hbm>>
      %dma_start3A_39 = arith.constant 0 : i32
      %dma_start3A_40 = tpu.memref_slice %arg5[%mul3A_4, %dma_start3A_39] : memref<32768x64xf32, #tpu.memory_space<hbm>> -> memref<1024x64xf32, #tpu.memory_space<hbm>>
      tpu.enqueue_dma source(%arg9 : memref<1024x64xf32, #tpu.memory_space<vmem>>) target(%dma_start3A_40 : memref<1024x64xf32, #tpu.memory_space<hbm>>) target_semaphore(%run_scoped3A_37 : memref<!tpu.dma_semaphore, #tpu.memory_space<semaphore_mem>>)
      %dma_wait3A = arith.constant 0 : i32
      %dma_wait3A_41 = tpu.memref_slice %arg5[%mul3A_4, %dma_wait3A] : memref<32768x64xf32, #tpu.memory_space<hbm>> -> memref<1024x64xf32, #tpu.memory_space<hbm>>
      %dma_wait3A_42 = arith.constant 0 : i32
      %dma_wait3A_43 = tpu.memref_slice %arg5[%mul3A_4, %dma_wait3A_42] : memref<32768x64xf32, #tpu.memory_space<hbm>> -> memref<1024x64xf32, #tpu.memory_space<hbm>>
      tpu.wait_dma2 semaphore(%run_scoped3A_37 : memref<!tpu.dma_semaphore, #tpu.memory_space<semaphore_mem>>) src(%arg9 : memref<1024x64xf32, #tpu.memory_space<vmem>>) dst(%dma_wait3A_43 : memref<1024x64xf32, #tpu.memory_space<hbm>>)
      tpu.yield
    }) : () -> ()
    %jit3A = arith.constant 4 : i32
    %div3A = arith.divsi %add3A, %jit3A : i32
    %sign3A = arith.constant 0 : i32
    %sign3A_5 = arith.cmpi sgt, %add3A, %sign3A : i32
    %sign3A_6 = arith.extui %sign3A_5 : i1 to i32
    %sign3A_7 = arith.constant 0 : i32
    %sign3A_8 = arith.cmpi slt, %add3A, %sign3A_7 : i32
    %sign3A_9 = arith.extui %sign3A_8 : i1 to i32
    %sign3A_10 = arith.subi %sign3A_6, %sign3A_9 : i32
    %sign3A_11 = arith.constant 0 : i32
    %sign3A_12 = arith.cmpi sgt, %jit3A, %sign3A_11 : i32
    %sign3A_13 = arith.extui %sign3A_12 : i1 to i32
    %sign3A_14 = arith.constant 0 : i32
    %sign3A_15 = arith.cmpi slt, %jit3A, %sign3A_14 : i32
    %sign3A_16 = arith.extui %sign3A_15 : i1 to i32
    %sign3A_17 = arith.subi %sign3A_13, %sign3A_16 : i32
    %ne3A = arith.cmpi ne, %sign3A_10, %sign3A_17 : i32
    %rem3A = arith.remsi %add3A, %jit3A : i32
    %ne3A_18 = arith.constant 0 : i32
    %ne3A_19 = arith.cmpi ne, %rem3A, %ne3A_18 : i32
    %and3A = arith.andi %ne3A, %ne3A_19 : i1
    %sub3A = arith.constant 1 : i32
    %sub3A_20 = arith.subi %div3A, %sub3A : i32
    %select_n3A = arith.select %and3A, %sub3A_20, %div3A : i32
    %jit3A_21 = arith.constant 4 : i32
    %eq3A = arith.constant 0 : i32
    %eq3A_22 = arith.cmpi eq, %jit3A_21, %eq3A : i32
    %jit3A_23 = arith.constant 1 : i32
    %select_n3A_24 = arith.select %eq3A_22, %jit3A_23, %jit3A_21 : i32
    %rem3A_25 = arith.remsi %add3A, %select_n3A_24 : i32
    %ne3A_26 = arith.constant 0 : i32
    %ne3A_27 = arith.cmpi ne, %rem3A_25, %ne3A_26 : i32
    %lt3A = arith.constant 0 : i32
    %lt3A_28 = arith.cmpi slt, %rem3A_25, %lt3A : i32
    %lt3A_29 = arith.constant 0 : i32
    %lt3A_30 = arith.cmpi slt, %select_n3A_24, %lt3A_29 : i32
    %ne3A_31 = arith.xori %lt3A_28, %lt3A_30 : i1
    %and3A_32 = arith.andi %ne3A_31, %ne3A_27 : i1
    %add3A_33 = arith.addi %rem3A_25, %select_n3A_24 : i32
    %select_n3A_34 = arith.select %and3A_32, %add3A_33, %rem3A_25 : i32
    %mul3A_35 = arith.constant 1024 : i32
    %mul3A_36 = arith.muli %select_n3A_34, %mul3A_35 : i32
    %run_scoped3A = arith.constant 0 : i32
    "tpu.region"() ({
      %run_scoped3A_37 = tpu.sem_alloc : memref<!tpu.dma_semaphore, #tpu.memory_space<semaphore_mem>>
      %dma_start3A = tpu.memref_slice %arg6[%select_n3A, %run_scoped3A, %mul3A_36] : memref<8x1x4096xi32, #tpu.memory_space<hbm>> -> memref<1x1x1024xi32, #tpu.memory_space<hbm>>
      %dma_start3A_38 = tpu.memref_squeeze %dma_start3A : memref<1x1x1024xi32, #tpu.memory_space<hbm>> -> memref<1024xi32, #tpu.memory_space<hbm>>
      %dma_start3A_39 = tpu.memref_slice %arg6[%select_n3A, %run_scoped3A, %mul3A_36] : memref<8x1x4096xi32, #tpu.memory_space<hbm>> -> memref<1x1x1024xi32, #tpu.memory_space<hbm>>
      %dma_start3A_40 = tpu.memref_squeeze %dma_start3A_39 : memref<1x1x1024xi32, #tpu.memory_space<hbm>> -> memref<1024xi32, #tpu.memory_space<hbm>>
      tpu.enqueue_dma source(%arg10 : memref<1024xi32, #tpu.memory_space<vmem>>) target(%dma_start3A_40 : memref<1024xi32, #tpu.memory_space<hbm>>) target_semaphore(%run_scoped3A_37 : memref<!tpu.dma_semaphore, #tpu.memory_space<semaphore_mem>>)
      %dma_wait3A = tpu.memref_slice %arg6[%select_n3A, %run_scoped3A, %mul3A_36] : memref<8x1x4096xi32, #tpu.memory_space<hbm>> -> memref<1x1x1024xi32, #tpu.memory_space<hbm>>
      %dma_wait3A_41 = tpu.memref_squeeze %dma_wait3A : memref<1x1x1024xi32, #tpu.memory_space<hbm>> -> memref<1024xi32, #tpu.memory_space<hbm>>
      %dma_wait3A_42 = tpu.memref_slice %arg6[%select_n3A, %run_scoped3A, %mul3A_36] : memref<8x1x4096xi32, #tpu.memory_space<hbm>> -> memref<1x1x1024xi32, #tpu.memory_space<hbm>>
      %dma_wait3A_43 = tpu.memref_squeeze %dma_wait3A_42 : memref<1x1x1024xi32, #tpu.memory_space<hbm>> -> memref<1024xi32, #tpu.memory_space<hbm>>
      tpu.wait_dma2 semaphore(%run_scoped3A_37 : memref<!tpu.dma_semaphore, #tpu.memory_space<semaphore_mem>>) src(%arg10 : memref<1024xi32, #tpu.memory_space<vmem>>) dst(%dma_wait3A_43 : memref<1024xi32, #tpu.memory_space<hbm>>)
      tpu.yield
    }) : () -> ()
    return
  }
}

module attributes {stable_mosaic.version = 14 : i64} {
  func.func @_k2_body(%arg0: i32, %arg1: i32, %arg2: memref<4096x64xf32, #tpu.memory_space<vmem>>, %arg3: memref<4096x64xf32, #tpu.memory_space<vmem>>, %arg4: memref<4096x64xf32, #tpu.memory_space<vmem>>, %arg5: memref<1x1x4096xi32, #tpu.memory_space<vmem>>, %arg6: memref<1x1x4096xi32, #tpu.memory_space<vmem>>, %arg7: memref<1x32xf32, #tpu.memory_space<vmem>>, %arg8: memref<1x32xf32, #tpu.memory_space<vmem>>, %arg9: memref<224x192xf32, #tpu.memory_space<vmem>>, %arg10: memref<4096x192xf32, #tpu.memory_space<vmem>>) attributes {dimension_semantics = [#tpu.dimension_semantics<arbitrary>, #tpu.dimension_semantics<arbitrary>], iteration_bounds = array<i64: 4, 2>, scalar_prefetch = 0 : i64, scratch_operands = 0 : i64, tpu.core_type = #tpu.core_type<tc>, window_params = [{transform_indices = @transform_0, window_bounds = array<i64: 4096, 64>}, {transform_indices = @transform_1, window_bounds = array<i64: 4096, 64>}, {transform_indices = @transform_2, window_bounds = array<i64: 4096, 64>}, {transform_indices = @transform_3, window_bounds = array<i64: 1, 1, 4096>}, {transform_indices = @transform_4, window_bounds = array<i64: 1, 1, 4096>}, {pipeline_mode = #tpu.pipeline_mode<synchronous>, transform_indices = @transform_5, window_bounds = array<i64: 1, 32>}, {pipeline_mode = #tpu.pipeline_mode<synchronous>, transform_indices = @transform_6, window_bounds = array<i64: 1, 32>}, {pipeline_mode = #tpu.pipeline_mode<synchronous>, transform_indices = @transform_7, window_bounds = array<i64: 224, 192>}, {transform_indices = @transform_8, window_bounds = array<i64: 4096, 192>}]} {
    %get3A = arith.constant 0 : index
    %get3A_0 = arith.constant 0 : index
    %get3A_1 = arith.constant 0 : index
    %get3A_2 = vector.load %arg5[%get3A, %get3A_0, %get3A_1] : memref<1x1x4096xi32, #tpu.memory_space<vmem>>, vector<1x1x4096xi32>
    %get3A_3 = vector.shape_cast %get3A_2 : vector<1x1x4096xi32> to vector<1x4096xi32>
    %get3A_4 = arith.constant 0 : index
    %get3A_5 = arith.constant 0 : index
    %get3A_6 = arith.constant 0 : index
    %get3A_7 = vector.load %arg6[%get3A_4, %get3A_5, %get3A_6] : memref<1x1x4096xi32, #tpu.memory_space<vmem>>, vector<1x1x4096xi32>
    %get3A_8 = vector.shape_cast %get3A_7 : vector<1x1x4096xi32> to vector<1x4096xi32>
    %sub3A = arith.subi %get3A_3, %get3A_8 : vector<1x4096xi32>
    %convert_element_type3A = arith.sitofp %sub3A : vector<1x4096xi32> to vector<1x4096xf32>
    %get3A_9 = arith.constant 0 : index
    %get3A_10 = arith.constant 0 : index
    %get3A_11 = vector.load %arg7[%get3A_9, %get3A_10] : memref<1x32xf32, #tpu.memory_space<vmem>>, vector<1x32xf32>
    %dot_general3A = arith.constant dense<0.000000e+00> : vector<4096x32xf32>
    %dot_general3A_12 = tpu.matmul %convert_element_type3A, %get3A_11, %dot_general3A {dimension_numbers = #tpu.dot_dimension_numbers<[0], [0], [1], [1], [0, 1, 1, 1], [], []>, precision = #tpu.contract_precision<fp32>, transpose_lhs_hint = false} : vector<1x4096xf32>, vector<1x32xf32>, vector<4096x32xf32> -> vector<4096x32xf32>
    %get3A_13 = arith.constant 0 : index
    %get3A_14 = arith.constant 0 : index
    %get3A_15 = vector.load %arg8[%get3A_13, %get3A_14] : memref<1x32xf32, #tpu.memory_space<vmem>>, vector<1x32xf32>
    %add3A = vector.broadcast %get3A_15 : vector<1x32xf32> to vector<4096x32xf32>
    %add3A_16 = arith.addf %dot_general3A_12, %add3A : vector<4096x32xf32>
    %cos3A = math.cos %add3A_16 : vector<4096x32xf32>
    %get3A_17 = arith.constant 0 : index
    %get3A_18 = arith.constant 0 : index
    %get3A_19 = vector.load %arg2[%get3A_17, %get3A_18] : memref<4096x64xf32, #tpu.memory_space<vmem>>, vector<4096x64xf32>
    %get3A_20 = arith.constant 0 : index
    %get3A_21 = arith.constant 0 : index
    %get3A_22 = vector.load %arg3[%get3A_20, %get3A_21] : memref<4096x64xf32, #tpu.memory_space<vmem>>, vector<4096x64xf32>
    %get3A_23 = arith.constant 0 : index
    %get3A_24 = arith.constant 0 : index
    %get3A_25 = vector.load %arg4[%get3A_23, %get3A_24] : memref<4096x64xf32, #tpu.memory_space<vmem>>, vector<4096x64xf32>
    %concatenate3A = tpu.concatenate %get3A_19, %get3A_22, %get3A_25, %cos3A in 1 : vector<4096x64xf32>, vector<4096x64xf32>, vector<4096x64xf32>, vector<4096x32xf32> -> vector<4096x224xf32>
    %get3A_26 = arith.constant 0 : index
    %get3A_27 = arith.constant 0 : index
    %get3A_28 = vector.load %arg9[%get3A_26, %get3A_27] : memref<224x192xf32, #tpu.memory_space<vmem>>, vector<224x192xf32>
    %dot_general3A_29 = arith.constant dense<0.000000e+00> : vector<4096x192xf32>
    %dot_general3A_30 = tpu.matmul %concatenate3A, %get3A_28, %dot_general3A_29 {dimension_numbers = #tpu.dot_dimension_numbers<[1], [0], [0], [1], [0, 0, 1, 1], [], []>, transpose_lhs_hint = false} : vector<4096x224xf32>, vector<224x192xf32>, vector<4096x192xf32> -> vector<4096x192xf32>
    %swap3A = arith.constant 0 : index
    %swap3A_31 = arith.constant 0 : index
    %swap3A_32 = vector.load %arg10[%swap3A, %swap3A_31] : memref<4096x192xf32, #tpu.memory_space<vmem>>, vector<4096x192xf32>
    tpu.vector_store %arg10[%swap3A, %swap3A_31], %dot_general3A_30 {strides = array<i32>} : memref<4096x192xf32, #tpu.memory_space<vmem>>, vector<4096x192xf32>,
    return
  }
  func.func @transform_0(%arg0: i32, %arg1: i32) -> (i32, i32) {
    %mul3A = arith.constant 4 : i32
    %mul3A_0 = arith.muli %arg1, %mul3A : i32
    %add3A = arith.addi %mul3A_0, %arg0 : i32
    %c0_i32 = arith.constant 0 : i32
    %c0_i32_1 = arith.constant 0 : i32
    return %add3A, %c0_i32 : i32, i32
  }
  func.func @transform_1(%arg0: i32, %arg1: i32) -> (i32, i32) {
    %sub3A = arith.constant 1 : i32
    %sub3A_0 = arith.subi %sub3A, %arg1 : i32
    %mul3A = arith.constant 4 : i32
    %mul3A_1 = arith.muli %sub3A_0, %mul3A : i32
    %add3A = arith.addi %mul3A_1, %arg0 : i32
    %c0_i32 = arith.constant 0 : i32
    %c0_i32_2 = arith.constant 0 : i32
    return %add3A, %c0_i32 : i32, i32
  }
  func.func @transform_2(%arg0: i32, %arg1: i32) -> (i32, i32) {
    %c0_i32 = arith.constant 0 : i32
    %c0_i32_0 = arith.constant 0 : i32
    return %arg0, %c0_i32 : i32, i32
  }
  func.func @transform_3(%arg0: i32, %arg1: i32) -> (i32, i32, i32) {
    %c0_i32 = arith.constant 0 : i32
    %c0_i32_0 = arith.constant 0 : i32
    %c0_i32_1 = arith.constant 0 : i32
    return %arg0, %c0_i32, %c0_i32_0 : i32, i32, i32
  }
  func.func @transform_4(%arg0: i32, %arg1: i32) -> (i32, i32, i32) {
    %mul3A = arith.constant 4 : i32
    %mul3A_0 = arith.muli %arg1, %mul3A : i32
    %add3A = arith.addi %mul3A_0, %arg0 : i32
    %c0_i32 = arith.constant 0 : i32
    %c0_i32_1 = arith.constant 0 : i32
    %c0_i32_2 = arith.constant 0 : i32
    return %add3A, %c0_i32, %c0_i32_1 : i32, i32, i32
  }
  func.func @transform_5(%arg0: i32, %arg1: i32) -> (i32, i32) {
    %c0_i32 = arith.constant 0 : i32
    %c0_i32_0 = arith.constant 0 : i32
    %c0_i32_1 = arith.constant 0 : i32
    return %c0_i32, %c0_i32_0 : i32, i32
  }
  func.func @transform_6(%arg0: i32, %arg1: i32) -> (i32, i32) {
    %c0_i32 = arith.constant 0 : i32
    %c0_i32_0 = arith.constant 0 : i32
    %c0_i32_1 = arith.constant 0 : i32
    return %c0_i32, %c0_i32_0 : i32, i32
  }
  func.func @transform_7(%arg0: i32, %arg1: i32) -> (i32, i32) {
    %c0_i32 = arith.constant 0 : i32
    %c0_i32_0 = arith.constant 0 : i32
    %c0_i32_1 = arith.constant 0 : i32
    return %c0_i32, %c0_i32_0 : i32, i32
  }
  func.func @transform_8(%arg0: i32, %arg1: i32) -> (i32, i32) {
    %mul3A = arith.constant 4 : i32
    %mul3A_0 = arith.muli %arg1, %mul3A : i32
    %add3A = arith.addi %mul3A_0, %arg0 : i32
    %c0_i32 = arith.constant 0 : i32
    %c0_i32_1 = arith.constant 0 : i32
    return %add3A, %c0_i32 : i32, i32
  }
}

module attributes {stable_mosaic.version = 14 : i64} {
  func.func @_k4_body(%arg0: i32, %arg1: memref<4096x192xf32, #tpu.memory_space<vmem>>, %arg2: memref<4096x8xf32, #tpu.memory_space<vmem>>, %arg3: memref<4096x64xf32, #tpu.memory_space<vmem>>, %arg4: memref<64x192xf32, #tpu.memory_space<vmem>>, %arg5: memref<1x192xf32, #tpu.memory_space<vmem>>, %arg6: memref<1x192xf32, #tpu.memory_space<vmem>>, %arg7: memref<4096x64xf32, #tpu.memory_space<vmem>>) attributes {dimension_semantics = [#tpu.dimension_semantics<arbitrary>], iteration_bounds = array<i64: 8>, scalar_prefetch = 0 : i64, scratch_operands = 0 : i64, tpu.core_type = #tpu.core_type<tc>, window_params = [{transform_indices = @transform_0, window_bounds = array<i64: 4096, 192>}, {transform_indices = @transform_1, window_bounds = array<i64: 4096, 8>}, {transform_indices = @transform_2, window_bounds = array<i64: 4096, 64>}, {pipeline_mode = #tpu.pipeline_mode<synchronous>, transform_indices = @transform_3, window_bounds = array<i64: 64, 192>}, {pipeline_mode = #tpu.pipeline_mode<synchronous>, transform_indices = @transform_4, window_bounds = array<i64: 1, 192>}, {pipeline_mode = #tpu.pipeline_mode<synchronous>, transform_indices = @transform_5, window_bounds = array<i64: 1, 192>}, {transform_indices = @transform_6, window_bounds = array<i64: 4096, 64>}]} {
    %get3A = arith.constant 0 : index
    %get3A_0 = arith.constant 0 : index
    %get3A_1 = vector.load %arg2[%get3A, %get3A_0] : memref<4096x8xf32, #tpu.memory_space<vmem>>, vector<4096x1xf32>
    %div3A = arith.constant 1.000000e+00 : f32
    %div3A_2 = vector.broadcast %div3A : f32 to vector<4096x1xf32>
    %div3A_3 = arith.divf %div3A_2, %get3A_1 : vector<4096x1xf32>
    %get3A_4 = arith.constant 0 : index
    %get3A_5 = arith.constant 0 : index
    %get3A_6 = vector.load %arg3[%get3A_4, %get3A_5] : memref<4096x64xf32, #tpu.memory_space<vmem>>, vector<4096x64xf32>
    %get3A_7 = arith.constant 0 : index
    %get3A_8 = arith.constant 0 : index
    %get3A_9 = vector.load %arg1[%get3A_7, %get3A_8] : memref<4096x192xf32, #tpu.memory_space<vmem>>, vector<4096x192xf32>
    %mul3A = vector.broadcast %div3A_3 : vector<4096x1xf32> to vector<4096x192xf32>
    %mul3A_10 = arith.mulf %get3A_9, %mul3A : vector<4096x192xf32>
    %get3A_11 = arith.constant 0 : index
    %get3A_12 = arith.constant 0 : index
    %get3A_13 = vector.load %arg5[%get3A_11, %get3A_12] : memref<1x192xf32, #tpu.memory_space<vmem>>, vector<1x192xf32>
    %add3A = vector.broadcast %get3A_13 : vector<1x192xf32> to vector<4096x192xf32>
    %add3A_14 = arith.addf %mul3A_10, %add3A : vector<4096x192xf32>
    %get3A_15 = arith.constant 0 : index
    %get3A_16 = arith.constant 0 : index
    %get3A_17 = vector.load %arg4[%get3A_15, %get3A_16] : memref<64x192xf32, #tpu.memory_space<vmem>>, vector<64x192xf32>
    %dot_general3A = arith.constant dense<0.000000e+00> : vector<4096x192xf32>
    %dot_general3A_18 = tpu.matmul %get3A_6, %get3A_17, %dot_general3A {dimension_numbers = #tpu.dot_dimension_numbers<[1], [0], [0], [1], [0, 0, 1, 1], [], []>, transpose_lhs_hint = false} : vector<4096x64xf32>, vector<64x192xf32>, vector<4096x192xf32> -> vector<4096x192xf32>
    %get3A_19 = arith.constant 0 : index
    %get3A_20 = arith.constant 0 : index
    %get3A_21 = vector.load %arg6[%get3A_19, %get3A_20] : memref<1x192xf32, #tpu.memory_space<vmem>>, vector<1x192xf32>
    %add3A_22 = vector.broadcast %get3A_21 : vector<1x192xf32> to vector<4096x192xf32>
    %add3A_23 = arith.addf %dot_general3A_18, %add3A_22 : vector<4096x192xf32>
    %add3A_24 = arith.addf %add3A_14, %add3A_23 : vector<4096x192xf32>
    %slice3A = vector.extract_strided_slice %add3A_24 {offsets = [0, 0], sizes = [4096, 64], strides = [1, 1]} : vector<4096x192xf32> to vector<4096x64xf32>
    %neg3A = arith.constant 0.000000e+00 : f32
    %neg3A_25 = vector.broadcast %neg3A : f32 to vector<4096x64xf32>
    %neg3A_26 = arith.subf %neg3A_25, %slice3A : vector<4096x64xf32>
    %exp3A = math.exp %neg3A_26 : vector<4096x64xf32>
    %add3A_27 = arith.constant 1.000000e+00 : f32
    %add3A_28 = vector.broadcast %add3A_27 : f32 to vector<4096x64xf32>
    %add3A_29 = arith.addf %add3A_28, %exp3A : vector<4096x64xf32>
    %div3A_30 = arith.constant 1.000000e+00 : f32
    %div3A_31 = vector.broadcast %div3A_30 : f32 to vector<4096x64xf32>
    %div3A_32 = arith.divf %div3A_31, %add3A_29 : vector<4096x64xf32>
    %slice3A_33 = vector.extract_strided_slice %add3A_24 {offsets = [0, 64], sizes = [4096, 64], strides = [1, 1]} : vector<4096x192xf32> to vector<4096x64xf32>
    %neg3A_34 = arith.constant 0.000000e+00 : f32
    %neg3A_35 = vector.broadcast %neg3A_34 : f32 to vector<4096x64xf32>
    %neg3A_36 = arith.subf %neg3A_35, %slice3A_33 : vector<4096x64xf32>
    %exp3A_37 = math.exp %neg3A_36 : vector<4096x64xf32>
    %add3A_38 = arith.constant 1.000000e+00 : f32
    %add3A_39 = vector.broadcast %add3A_38 : f32 to vector<4096x64xf32>
    %add3A_40 = arith.addf %add3A_39, %exp3A_37 : vector<4096x64xf32>
    %div3A_41 = arith.constant 1.000000e+00 : f32
    %div3A_42 = vector.broadcast %div3A_41 : f32 to vector<4096x64xf32>
    %div3A_43 = arith.divf %div3A_42, %add3A_40 : vector<4096x64xf32>
    %slice3A_44 = vector.extract_strided_slice %add3A_14 {offsets = [0, 128], sizes = [4096, 64], strides = [1, 1]} : vector<4096x192xf32> to vector<4096x64xf32>
    %slice3A_45 = vector.extract_strided_slice %add3A_23 {offsets = [0, 128], sizes = [4096, 64], strides = [1, 1]} : vector<4096x192xf32> to vector<4096x64xf32>
    %mul3A_46 = arith.mulf %div3A_32, %slice3A_45 : vector<4096x64xf32>
    %add3A_47 = arith.addf %slice3A_44, %mul3A_46 : vector<4096x64xf32>
    %tanh3A = math.tanh %add3A_47 : vector<4096x64xf32>
    %sub3A = arith.constant 1.000000e+00 : f32
    %sub3A_48 = vector.broadcast %sub3A : f32 to vector<4096x64xf32>
    %sub3A_49 = arith.subf %sub3A_48, %div3A_43 : vector<4096x64xf32>
    %mul3A_50 = arith.mulf %sub3A_49, %tanh3A : vector<4096x64xf32>
    %mul3A_51 = arith.mulf %div3A_43, %get3A_6 : vector<4096x64xf32>
    %add3A_52 = arith.addf %mul3A_50, %mul3A_51 : vector<4096x64xf32>
    %swap3A = arith.constant 0 : index
    %swap3A_53 = arith.constant 0 : index
    %swap3A_54 = vector.load %arg7[%swap3A, %swap3A_53] : memref<4096x64xf32, #tpu.memory_space<vmem>>, vector<4096x64xf32>
    tpu.vector_store %arg7[%swap3A, %swap3A_53], %add3A_52 {strides = array<i32>} : memref<4096x64xf32, #tpu.memory_space<vmem>>, vector<4096x64xf32>,
    return
  }
  func.func @transform_0(%arg0: i32) -> (i32, i32) {
    %c0_i32 = arith.constant 0 : i32
    %c0_i32_0 = arith.constant 0 : i32
    return %arg0, %c0_i32 : i32, i32
  }
  func.func @transform_1(%arg0: i32) -> (i32, i32) {
    %c0_i32 = arith.constant 0 : i32
    %c0_i32_0 = arith.constant 0 : i32
    return %arg0, %c0_i32 : i32, i32
  }
  func.func @transform_2(%arg0: i32) -> (i32, i32) {
    %c0_i32 = arith.constant 0 : i32
    %c0_i32_0 = arith.constant 0 : i32
    return %arg0, %c0_i32 : i32, i32
  }
  func.func @transform_3(%arg0: i32) -> (i32, i32) {
    %c0_i32 = arith.constant 0 : i32
    %c0_i32_0 = arith.constant 0 : i32
    %c0_i32_1 = arith.constant 0 : i32
    return %c0_i32, %c0_i32_0 : i32, i32
  }
  func.func @transform_4(%arg0: i32) -> (i32, i32) {
    %c0_i32 = arith.constant 0 : i32
    %c0_i32_0 = arith.constant 0 : i32
    %c0_i32_1 = arith.constant 0 : i32
    return %c0_i32, %c0_i32_0 : i32, i32
  }
  func.func @transform_5(%arg0: i32) -> (i32, i32) {
    %c0_i32 = arith.constant 0 : i32
    %c0_i32_0 = arith.constant 0 : i32
    %c0_i32_1 = arith.constant 0 : i32
    return %c0_i32, %c0_i32_0 : i32, i32
  }
  func.func @transform_6(%arg0: i32) -> (i32, i32) {
    %c0_i32 = arith.constant 0 : i32
    %c0_i32_0 = arith.constant 0 : i32
    return %arg0, %c0_i32 : i32, i32
  }
}

</mosaic_0001>

<sc_bundles>
// kernel: kernel.10.cloned.1.call-start
scs
__scs_entry_jumppad:
0x0: {  	(pc) =	sbr.rel $0x88, $3  }
0x1: {  	(tag) =	ssettag $0x0;
	lr =	simm.s32 $0x1  }
0x2: {  	[smem:$0x3F95] =	sst lr;
	_ =	strace $0xD0000000  }
0x3: {  	_ = 	snop  }
0x4: {  	_ = 	snop  }
0x5: {  	_ = 	snop  }
0x6: {  	_ = 	snop  }
0x7: {  	_ = 	snop  }
__scs_overlays_trampoline_lowered:
0x8: {  	[smem:$0x3FA4] =	sst s0  }
0x9: {  	[smem:$0x3FA5] =	sst s1  }
0xa: {  	[smem:$0x3FA6] =	sst s2  }
0xb: {  	[smem:$0x3FA7] =	sst s3  }
0xc: {  	[smem:$0x3FA8] =	sst s4  }
0xd: {  	[smem:$0x3FA9] =	sst s5  }
0xe: {  	[smem:$0x3FAA] =	sst s6  }
0xf: {  	[smem:$0x3FAB] =	sst s7  }
0x10: {  	[smem:$0x3FAC] =	sst s8  }
0x11: {  	[smem:$0x3FAD] =	sst s9;
	s0 =	simm.s32 @!p0 $0x0  }
0x12: {  	s1 =	sld [smem:$0x3F93];
	s0 =	simm.s32 @p0 $0x1  }
0x13: {  	[smem:$0x3FAE] =	sst s0;
	s0 =	simm.s32 @!p1 $0x0  }
0x14: {  	s2 =	sld [smem:$0x3F92];
	s0 =	simm.s32 @p1 $0x1  }
0x15: {  	[smem:$0x3FAF] =	sst s0;
	s0 =	simm.s32 @!p2 $0x0  }
0x16: {  	s3 =	sld [smem:$0x3FDB];
	s0 =	simm.s32 @p2 $0x1  }
0x17: {  	s4 =	simm.s32 $0x1BF5;
	[smem:$0x3FB1] =	sst s0  }
0x18: {  	s0 =	sld [smem:$0x3F94];
	_ =	swait.ge [sflag:s4], $0x0  }
0x19: {  	s7 =	sld [smem:$0x3F95]  }
0x1a: {  	s8 =	sadd.s32 $0xFFFFE003, lr  }
0x1b: {  	s9 =	sadd.s32 $0xFFFFFEF7, lr;
	s5 =	simm.s32 $0xFFFFFFFF;
	p2 =	slt.u32 s8, $0xFFFFF086  }
0x1c: {  	p1 =	slt.u32 s9, $0xF7A;
	s5 =	simm.s32 @!p2 $0x0  }
0x1d: {  	s5 =	simm.s32 @p1 $0x1;
	p0 =	seq.s32 s7, s2  }
0x1e: {  	s7 =	smul.u32 @!p0 $0xF7A, s2;
	p2 =	seq.s32 @!p0 s5, $0x0  }
0x1f: {  	s9 =	smul.u32 $0xF7A, s1;
	s8 =	simm.s32 @!p0 $0x1BF5;
	p2 =	por !p2, p0  }
0x20: {  	[sflag:s8] =	ssyncset.s32 @!p0 $0xFFFFF086;
	s6 =	sadd.s32 @!p0 s3, s7;
	s7 =	simm.s32 @!p0 $0x108  }
0x21: {  	s3 =	sadd.s32 s3, s9;
	s6 =	sadd.s32 @!p0 $0x88, s6;
	s7 =	simm.s32 @p2 $0x1082  }
0x22: {  	[simem:s7], [sflag:s8] =	dma.local @!p0 [hbm:s6], $0xF7A  }
0x23: {  	s9 =	sor.u32 $0xD0000000, s2;
	s6 =	simm.s32 $0x108;
	_ =	swait.ge @!p0 [sflag:s8], $0x0  }
0x24: {  	s3 =	sadd.s32 $0x88, s3;
	s6 =	simm.s32 @!p1 $0x1082;
	[sflag:s4] =	ssyncset.s32 $0xFFFFF086  }
0x25: {  	[simem:s6], [sflag:s4] =	dma.local [hbm:s3], $0xF7A  }
0x26: {  	[smem:$0x3F95] =	sst s1;
	(tag) =	ssettag s2;
	_ =	strace s9  }
0x27: {  	s1 =	sld [smem:$0x3FA5]  }
0x28: {  	s2 =	sld [smem:$0x3FA6]  }
0x29: {  	s4 =	sld [smem:$0x3FA8]  }
0x2a: {  	p0 =	seq.s32 s5, $0x0;
	s5 =	sld [smem:$0x3FA9]  }
0x2b: {  	s6 =	sld [smem:$0x3FAA]  }
0x2c: {  	s7 =	sld [smem:$0x3FAB]  }
0x2d: {  	s3 =	simm.s32 $0x108;
	s8 =	sld [smem:$0x3FAC]  }
0x2e: {  	s3 =	simm.s32 @!p0 $0x1082;
	s9 =	sld [smem:$0x3FAD]  }
0x2f: {  	lr =	sadd.s32 s0, s3;
	s0 =	sld [smem:$0x3FA4]  }
0x30: {  	s3 =	sld [smem:$0x3FA7]  }
0x31: {  	[smem:$0x3FB0] =	sst s10  }
0x32: {  	s10 =	sld [smem:$0x3FAE];
	_ =	sdelay $0x3  }
0x33: {  	p0 =	seq.s32 s10, $0x1;
	s10 =	sld [smem:$0x3FB0];
	_ =	sdelay $0x3  }
0x34: {  	[smem:$0x3FB0] =	sst s10  }
0x35: {  	s10 =	sld [smem:$0x3FAF];
	_ =	sdelay $0x3  }
0x36: {  	p1 =	seq.s32 s10, $0x1;
	s10 =	sld [smem:$0x3FB0];
	_ =	sdelay $0x3  }
0x37: {  	[smem:$0x3FB0] =	sst s10  }
0x38: {  	s10 =	sld [smem:$0x3FB1]  }
0x39: {  	_ = 	snop;
	(pc) =	sbr.ind lr, $3  }
0x3a: {  	_ = 	snop  }
0x3b: {  	_ = 	snop  }
0x3c: {  	p2 =	seq.s32 s10, $0x1;
	s10 =	sld [smem:$0x3FB0]  }
0x3d: {  	_ =	shalt  }
0x3e: {  	_ =	shalt  }
0x3f: {  	_ =	shalt  }
0x40: {  	_ =	shalt  }
0x41: {  	_ =	shalt  }
0x42: {  	_ =	shalt  }
0x43: {  	_ =	shalt  }
0x44: {  	_ =	shalt  }
0x45: {  	_ =	shalt  }
0x46: {  	_ =	shalt  }
0x47: {  	_ =	shalt  }
0x48: {  	_ =	shalt  }
0x49: {  	_ =	shalt  }
0x4a: {  	_ =	shalt  }
0x4b: {  	_ =	shalt  }
0x4c: {  	_ =	shalt  }
0x4d: {  	_ =	shalt  }
0x4e: {  	_ =	shalt  }
0x4f: {  	_ =	shalt  }
0x50: {  	_ =	shalt  }
0x51: {  	_ =	shalt  }
0x52: {  	_ =	shalt  }
0x53: {  	_ =	shalt  }
0x54: {  	_ =	shalt  }
0x55: {  	_ =	shalt  }
0x56: {  	_ =	shalt  }
0x57: {  	_ =	shalt  }
0x58: {  	_ =	shalt  }
0x59: {  	_ =	shalt  }
0x5a: {  	_ =	shalt  }
0x5b: {  	_ =	shalt  }
0x5c: {  	_ =	shalt  }
0x5d: {  	_ =	shalt  }
0x5e: {  	_ =	shalt  }
0x5f: {  	_ =	shalt  }
0x60: {  	_ =	shalt  }
0x61: {  	_ =	shalt  }
0x62: {  	_ =	shalt  }
0x63: {  	_ =	shalt  }
0x64: {  	_ =	shalt  }
0x65: {  	_ =	shalt  }
0x66: {  	_ =	shalt  }
0x67: {  	_ =	shalt  }
0x68: {  	_ =	shalt  }
0x69: {  	_ =	shalt  }
0x6a: {  	_ =	shalt  }
0x6b: {  	_ =	shalt  }
0x6c: {  	_ =	shalt  }
0x6d: {  	_ =	shalt  }
0x6e: {  	_ =	shalt  }
0x6f: {  	_ =	shalt  }
0x70: {  	_ =	shalt  }
0x71: {  	_ =	shalt  }
0x72: {  	_ =	shalt  }
0x73: {  	_ =	shalt  }
0x74: {  	_ =	shalt  }
0x75: {  	_ =	shalt  }
0x76: {  	_ =	shalt  }
0x77: {  	_ =	shalt  }
0x78: {  	_ =	shalt  }
0x79: {  	_ =	shalt  }
0x7a: {  	_ =	shalt  }
0x7b: {  	_ =	shalt  }
0x7c: {  	_ =	shalt  }
0x7d: {  	_ =	shalt  }
0x7e: {  	_ =	shalt  }
0x7f: {  	_ =	shalt  }
0x80: {  	_ =	shalt  }
0x81: {  	_ =	shalt  }
0x82: {  	_ =	shalt  }
0x83: {  	_ =	shalt  }
0x84: {  	_ =	shalt  }
0x85: {  	_ =	shalt  }
0x86: {  	_ =	shalt  }
0x87: {  	_ =	shalt  }
.Lfunc_end0:
.L_simem_size_0:
called_computation.1_lowered:
.L_overlay_start_0:
0x88: {  	s2 =	sld [smem:$0x3FD9]  }
0x89: {  	s3 =	sld [smem:$0x3FFE];
	_ =	sdelay $0x1  }
0x8a: {  	s1 =	srdreg.scid  }
0x8b: {  	s0 =	sand.u32 $0x1, s1  }
0x8c: {  	s16 =	sshll.u32 s0, $0xA;
	s2 =	sadd.s32 s3, s2  }
0x8d: {  	s2 =	sadd.s32 s2, s16  }
0x8e: {  	[smem:$0x3FBC] =	sst s2  }
0x8f: {  	_ = 	snop  }
0x90: {  	(tm) =	ssettm $0x1  }
0x91: {  	s17 =	sld [smem:$0x3FFB];
	_ =	sdelay $0x3  }
0x92: {  	_ =	strace s17  }
0x93: {  	s2 =	sld [smem:$0x3FFC];
	_ =	sdelay $0x3  }
0x94: {  	_ =	strace s2  }
0x95: {  	s2 =	sld [smem:$0x3FFD];
	_ =	sdelay $0x3  }
0x96: {  	_ =	strace s2  }
0x97: {  	_ =	strace $0x8FFFFFFF  }
0x98: {  	s18 =	sld [smem:$0x3FDB];
	_ =	sdelay $0x1  }
0x99: {  	s19 =	simm.s32 $_scs_section_size  }
0x9a: {  	s4 =	simm.s32 $_size__tile_overlayer_lowered;
	s5 =	simm.s32 $_tile_overlayer_lowered  }
0x9b: {  	s22 =	simm.s32 $0x1BFF;
	s21 =	sshll.u32 s5, $0x1;
	s2 =	sadd.s32 s19, s18  }
0x9c: {  	s6 =	simm.s32 $0x0;
	s20 =	sshll.u32 s4, $0x1;
	s4 =	sadd.s32 s21, s2  }
0x9d: {  	[timem:s6], [sflag:s22] =	dma.local [hbm:s4], s20  }
0x9e: {  	_ =	swait.ge [sflag:s22], s20  }
0x9f: {  	s3 =	ssub.s32 $0x0, s20;
	[sflag:s22] =	ssyncset.done $0x0  }
0xa0: {  	[sflag:s22] =	ssyncadd.s32 s3;
	_ =	sdelay $0x1  }
0xa1: {  	s23 =	simm.s32 $0x1B8B  }
0xa2: {  	_ =	swait.ge [sflag:s23], $0x1  }
0xa3: {  	[sflag:s23] =	ssyncset.done $0x0  }
0xa4: {  	s25 =	simm.s32 $0x1B8E;
	s24 =	sld [smem:$0x3FFE];
	[sflag:s23] =	ssyncadd.s32 $0xFFFFFFFF  }
0xa5: {  	s26 =	simm.s32 $execute0_lowered;
	[smem:$0x3FD2] =	sst s25  }
0xa6: {  	s4 =	sshll.u32 s26, $0x1;
	_ =	strace $0x80000049;
	[dreg:$0x1] =	wrdreg $0xFFFFFFFF  }
0xa7: {  	s28 =	simm.s32 $_size_execute0_lowered;
	s2 =	sadd.s32 s2, s4;
	[dreg:$0x0] =	wrdreg $0x0  }
0xa8: {  	s4 =	sshll.u32 s28, $0x1;
	[dreg:$0x2] =	wrdreg s2  }
0xa9: {  	[dreg:$0x3] =	wrdreg s4  }
0xaa: {  	[dreg:$0x4] =	wrdreg $0xC0  }
0xab: {  	_ =	task [dreg:s6], $0x5FFFF  }
0xac: {  	[dreg:$0x1] =	wrdreg $0xFFFFFFFF  }
0xad: {  	[dreg:$0x0] =	wrdreg $0x60  }
0xae: {  	[dreg:$0x2] =	wrdreg s24  }
0xaf: {  	[dreg:$0x3] =	wrdreg $0x0  }
0xb0: {  	[dreg:$0x4] =	wrdreg $0x9  }
0xb1: {  	_ =	task.clear_ibuf [dreg:s6], $0x5FFFF;
	_ =	strace $0x90000049  }
0xb2: {  	s29 =	simm.s32 $0x9;
	_ =	strace $0x8000004B  }
0xb3: {  	_ =	swait.ge [sflag:s29], $0x1  }
0xb4: {  	[sflag:s29] =	ssyncadd.s32 $0xFFFFFFFF  }
0xb5: {  	_ =	strace $0x9000004B  }
0xb6: {  	_ =	sfence  }
0xb7: {  	s30 =	sld [smem:$0x0];
	_ =	sdelay $0x2  }
0xb8: {  	s31 =	sshll.u32 s1, $0xD;
	s1 =	sshrl.u32 s1, $0x2  }
0xb9: {  	s3 =	sand.u32 $0x4000, s31;
	s1 =	sadd.s32 s1, s30  }
0xba: {  	s0 =	sor.u32 s3, s0;
	s1 =	sshll.u32 s1, $0x11  }
0xbb: {  	s0 =	sor.u32 s1, s0  }
0xbc: {  	s0 =	sadd.s32 $0x8F2B, s0  }
0xbd: {  	[sflag:s0] =	ssyncadd.remote.s32 $0x1  }
0xbe: {  	_ =	sfence.sel $0xFFFF  }
0xbf: {  	[dreg:$0x0] =	wrdreg $0xFFFFFFFF;
	(pc) =	sbr.abs _section_cstart, $3  }
0xc0: {  	[dreg:$0x1] =	wrdreg $0xFFFFFFFF  }
0xc1: {  	_ =	task.clear_ibuf [dreg:s6], $0x2FFFF;
	_ =	strace $0x9FFFFFFF  }
0xc2: {  	(tm) =	ssettm $0x7FFFFFFF  }
0xc3: {  	_ =	shalt  }
tec
execute0_lowered:
.L_overlay_start_1:
0x0: {  	(tag) =	ssettag $0x1  }
0x1: {  	s4 =	rddreg [dreg:$0x0]  }
0x2: {  	s2 =	rddreg [dreg:$0x1]  }
0x3: {  	s26 =	rddreg [dreg:$0x2]  }
0x4: {  	s24 =	simm.s32 $0x0;
	s0 =	srdreg.scid;
	s28 =	stileid.u32  }
0x5: {  	p1 =	por $0x0, $0x0;
	[smem:$0x7FF] =	sst s24;
	s0 =	sand.u32 $0x1, s0  }
0x6: {  	s1 =	sshll.u32 s28, $0x8;
	s3 =	sadd.s32 $0x4400, s4;
	s7 =	smul.u32 $0x60000, s28  }
0x7: {  	s21 =	sadd.s32 $0x3C00, s4;
	s22 =	sshll.u32 s28, $0xB;
	_ =	strace $0x8000004A  }
0x8: {  	s5 =	smul.u32 $0x60, s0;
	s6 =	sadd.s32 s1, s4;
	[dreg:$0x3] =	wrdreg s3  }
0x9: {  	s1 =	sadd.s32 $0x1C4C00, s4;
	[dreg:$0x4] =	wrdreg s21;
	s3 =	sadd.s32 $0xC4C00, s4  }
0xa: {  	s4 =	sadd.s32 s22, s4;
	p0 =	sne.s32 s0, $0x0;
	s6 =	sadd.s32 $0x2C00, s6  }
0xb: {  	s4 =	sadd.s32 $0x4C00, s4;
	s5 =	sor.u32 s5, s7;
	[dreg:$0x5] =	wrdreg s6  }
0xc: {  	s7 =	ssub.s32 $0x2, s0;
	[dreg:$0x7] =	wrdreg s4;
	s6 =	simm.s32 $0xC350  }
0xd: {  	s4 =	simm.s32 $0x3;
	s8 =	sshrl.u32 s5, $0x3;
	s10 =	sshrl.u32 s7, $0x1  }
0xe: {  	s15 =	sadd.s32 $0x20, s5;
	s18 =	sadd.s32 $0x28, s5;
	s22 =	sadd.s32 $0x30, s5  }
0xf: {  	s29 =	rddreg [dreg:$0x5];
	s23 =	sadd.s32 s1, s8;
	s25 =	sor.u32 $0x1, s8  }
0x10: {  	s31 =	sadd.s32 s3, s8;
	s9 =	sor.u32 $0x2, s8;
	[dreg:$0x6] =	wrdreg s23  }
0x11: {  	s13 =	sor.u32 $0x3, s8;
	s30 =	sadd.s32 s1, s25;
	[dreg:$0x9] =	wrdreg s31  }
0x12: {  	s8 =	sshrl.u32 s15, $0x3;
	s11 =	sadd.s32 s1, s9;
	[dreg:$0x8] =	wrdreg s30  }
0x13: {  	s20 =	sshrl.u32 s18, $0x3;
	s12 =	sadd.s32 s3, s25;
	[dreg:$0xa] =	wrdreg s11  }
0x14: {  	s7 =	ssub.s32 s7, s10;
	s14 =	sadd.s32 s1, s13;
	[dreg:$0xb] =	wrdreg s12  }
0x15: {  	s10 =	simm.s32 $0x800;
	s16 =	sadd.s32 s3, s9;
	[dreg:$0xc] =	wrdreg s14  }
0x16: {  	s17 =	sadd.s32 s1, s8;
	s19 =	sadd.s32 s3, s13;
	[dreg:$0xd] =	wrdreg s16  }
0x17: {  	s21 =	sadd.s32 s1, s20;
	s23 =	sadd.s32 s3, s8;
	[dreg:$0xe] =	wrdreg s17  }
0x18: {  	s25 =	sshrl.u32 s22, $0x3;
	s31 =	sadd.s32 $0x38, s5;
	[dreg:$0xf] =	wrdreg s19  }
0x19: {  	[dreg:$0x11] =	wrdreg s23;
	s30 =	sadd.s32 s1, s25;
	s11 =	sadd.s32 s3, s20  }
0x1a: {  	s12 =	sshrl.u32 s31, $0x3;
	s14 =	sadd.s32 $0x40, s5;
	s23 =	sadd.s32 s3, s25  }
0x1b: {  	s16 =	sadd.s32 $0x48, s5;
	s25 =	sadd.s32 $0x50, s5;
	s5 =	sadd.s32 $0x58, s5  }
0x1c: {  	s31 =	smax.u32 s7, $0x1;
	[dreg:$0x12] =	wrdreg s30;
	s13 =	sadd.s32 s1, s12  }
0x1d: {  	s15 =	sshrl.u32 s14, $0x3;
	s17 =	sshrl.u32 s16, $0x3;
	s8 =	sshrl.u32 s25, $0x3  }
0x1e: {  	s30 =	sshrl.u32 s5, $0x3;
	s22 =	sadd.s32 s1, s15;
	s20 =	sadd.s32 s1, s17  }
0x1f: {  	s18 =	sadd.s32 s1, s8;
	s14 =	sadd.s32 s1, s30;
	s1 =	sadd.s32 $0xFFFFFFFF, s31  }
0x20: {  	s9 =	simm.s32 $0x14B50;
	[dreg:$0x10] =	wrdreg s21;
	p2 =	sne.s32 s1, $0x0  }
.Ltmp0:
0x21: {  	s7 =	simm.s32 $0xC0;
	[dreg:$0x13] =	wrdreg s11;
	(pc) =	sbr.rel @!p2 .LBB2_5-.Ltmp0, $4  }
0x22: {  	s21 =	sadd.s32 s3, s12;
	s11 =	simm.s32 $0x10B50;
	s5 =	simm.s32 $0x8  }
0x23: {  	[dreg:$0x14] =	wrdreg s13;
	s19 =	sadd.s32 s3, s15;
	s16 =	sadd.s32 s3, s17  }
0x24: {  	s12 =	sadd.s32 s3, s8;
	s3 =	sadd.s32 s3, s30;
	s13 =	simm.s32 $0x18B50  }
0x25: {  	s17 =	simm.s32 $0xCB50;
	s15 =	simm.s32 $0x1;
	s8 =	simm.s32 $0x2  }
0x26: {  	[tilespmem:s6], [sflag:$0x3] =	stream.linear.gather [hbm4b:s29+s24], $0x800, $0x38;
	[tilespmem:$0x1CB50] =	vst v63  }
0x27: {  	_ =	swait.ge [sflag:s4], $0x800  }
0x28: {  	[sflag:s4] =	ssyncset.done $0x0  }
0x29: {  	s0 =	rddreg [dreg:$0x4];
	[sflag:s4] =	ssyncadd.s32 $0xFFFFF800  }
0x2a: {  	[tilespmem:s13], [sflag:$0x3] =	stream.linear.gather [hbm4b:s0+s24], $0x4000, $0x38;
	[tilespmem:$0x1CB50] =	vst v63  }
0x2b: {  	_ =	swait.ge [sflag:s4], $0x4000  }
0x2c: {  	[sflag:s4] =	ssyncset.done $0x0  }
0x2d: {  	s25 =	rddreg [dreg:$0x3];
	[sflag:s4] =	ssyncadd.s32 $0xFFFFC000  }
0x2e: {  	[tilespmem:s11], [sflag:$0x3] =	stream.linear.gather [hbm4b:s25+s24], $0x4000, $0x38;
	[tilespmem:$0x1CB50] =	vst v63  }
0x2f: {  	_ =	swait.ge [sflag:s4], $0x4000  }
0x30: {  	[sflag:s4] =	ssyncset.done $0x0  }
0x31: {  	s28 =	simm.s32 @!p0 $0xC350;
	s26 =	rddreg [dreg:$0x6];
	[sflag:s4] =	ssyncadd.s32 $0xFFFFC000  }
0x32: {  	[tilespmem:s17], [sflag:$0x1] =	stream.strided.gather [hbm4b:s26+s5], $0x4000, s7, s5, $0x38;
	[tilespmem:$0x1CB50] =	vst v63  }
0x33: {  	s0 =	simm.s32 @!p0 $0x18B50;
	s25 =	simm.s32 @!p0 $0x3;
	s26 =	simm.s32 @!p0 $0x800  }
0x34: {  	[spmem:s2] =	stream.indirect.scatter @!p0 [tilespmem:s0], [sflag:$0x3], $0x8, s28, s26, $0xb8;
	[tilespmem:$0x1CB50] =	vst v63  }
0x35: {  	_ =	swait.ge @!p0 [sflag:s25], $0x4000  }
0x36: {  	[sflag:s25] =	ssyncset.done @!p0 $0x0  }
0x37: {  	[sflag:s25] =	ssyncadd.s32 @!p0 $0xFFFFC000  }
0x38: {  	s30 =	simm.s32 @!p0 $0x10B50;
	[bflag:$0x0] =	sbarrier.arrive @!p0 $0xFFFF  }
0x39: {  	[spmem:s2] =	stream.indirect.scatter.add.f32 @!p0 [tilespmem:s30], [sflag:$0x3], $0x8, s28, s26, $0xb8;
	[tilespmem:$0x1CB50] =	vst v63  }
0x3a: {  	_ =	swait.ge @!p0 [sflag:s25], $0x4000  }
0x3b: {  	[sflag:s25] =	ssyncset.done @!p0 $0x0  }
0x3c: {  	[sflag:s25] =	ssyncadd.s32 @!p0 $0xFFFFC000  }
0x3d: {  	s31 =	simm.s32 @!p0 $0x14B50;
	[bflag:$0x0] =	sbarrier.arrive @!p0 $0xFFFF  }
0x3e: {  	[tilespmem:s31], [sflag:$0x3] =	stream.indirect.gather @!p0 [spmem:s2], $0x8, s28, s26, $0xb8;
	[tilespmem:$0x1CB50] =	vst v63  }
0x3f: {  	_ =	swait.ge @!p0 [sflag:s25], $0x4000  }
0x40: {  	[sflag:s25] =	ssyncset.done @!p0 $0x0  }
0x41: {  	s0 =	simm.s32 @!p0 $0x0;
	s29 =	rddreg [dreg:$0x7];
	[sflag:s25] =	ssyncadd.s32 @!p0 $0xFFFFC000  }
0x42: {  	[hbm4b:s29+s0] =	stream.linear.scatter @!p0 [tilespmem:s31], [sflag:$0x3], $0x4000, $0x38;
	[tilespmem:$0x1CB50] =	vst v63  }
0x43: {  	_ =	swait.ge @!p0 [sflag:s25], $0x4000  }
0x44: {  	[sflag:s25] =	ssyncset.done @!p0 $0x0  }
0x45: {  	[sflag:s25] =	ssyncadd.s32 @!p0 $0xFFFFC000  }
0x46: {  	[bflag:$0x0] =	sbarrier.arrive @!p0 $0xFFFF  }
0x47: {  	[spmem:s2] =	stream.indirect.scatter [tilespmem:s13], [sflag:$0x3], $0x8, s6, s10, $0xb8;
	[tilespmem:$0x1CB50] =	vst v63  }
0x48: {  	_ =	swait.ge [sflag:s4], $0x4000  }
0x49: {  	[sflag:s4] =	ssyncset.done $0x0  }
0x4a: {  	[sflag:s4] =	ssyncadd.s32 $0xFFFFC000  }
0x4b: {  	_ =	swait.ge [sflag:s15], $0x4000  }
0x4c: {  	[sflag:s15] =	ssyncset.done $0x0  }
0x4d: {  	[sflag:s15] =	ssyncadd.s32 $0xFFFFC000  }
0x4e: {  	[bflag:$0x0] =	sbarrier.arrive $0xFFFF  }
0x4f: {  	[spmem:s2] =	stream.indirect.scatter.add.f32 [tilespmem:s17], [sflag:$0x3], $0x8, s6, s10, $0xb8;
	[tilespmem:$0x1CB50] =	vst v63  }
0x50: {  	_ =	swait.ge [sflag:s4], $0x4000  }
0x51: {  	[sflag:s4] =	ssyncset.done $0x0  }
0x52: {  	s29 =	rddreg [dreg:$0x8];
	[sflag:s4] =	ssyncadd.s32 $0xFFFFC000  }
0x53: {  	[tilespmem:s11], [sflag:$0x1] =	stream.strided.gather [hbm4b:s29+s5], $0x4000, s7, s5, $0x38;
	[tilespmem:$0x1CB50] =	vst v63  }
0x54: {  	[bflag:$0x0] =	sbarrier.arrive $0xFFFF  }
0x55: {  	[tilespmem:s9], [sflag:$0x3] =	stream.indirect.gather [spmem:s2], $0x8, s6, s10, $0xb8;
	[tilespmem:$0x1CB50] =	vst v63  }
0x56: {  	_ =	swait.ge [sflag:s4], $0x4000  }
0x57: {  	[sflag:s4] =	ssyncset.done $0x0  }
0x58: {  	[sflag:s4] =	ssyncadd.s32 $0xFFFFC000  }
0x59: {  	[bflag:$0x0] =	sbarrier.arrive $0xFFFF  }
0x5a: {  	s29 =	rddreg [dreg:$0x9]  }
0x5b: {  	[hbm4b:s29+s5] =	stream.strided.scatter [tilespmem:s9], [sflag:$0x2], $0x4000, s7, s5, $0x38;
	[tilespmem:$0x1CB50] =	vst v63  }
0x5c: {  	_ = 	snop  }
0x5d: {  	[spmem:s2] =	stream.indirect.scatter [tilespmem:s13], [sflag:$0x3], $0x8, s6, s10, $0xb8;
	[tilespmem:$0x1CB50] =	vst v63  }
0x5e: {  	_ =	swait.ge [sflag:s4], $0x4000  }
0x5f: {  	[sflag:s4] =	ssyncset.done $0x0  }
0x60: {  	[sflag:s4] =	ssyncadd.s32 $0xFFFFC000  }
0x61: {  	_ =	swait.ge [sflag:s15], $0x4000  }
0x62: {  	[sflag:s15] =	ssyncset.done $0x0  }
0x63: {  	[sflag:s15] =	ssyncadd.s32 $0xFFFFC000  }
0x64: {  	_ =	swait.ge [sflag:s8], $0x4000  }
0x65: {  	[sflag:s8] =	ssyncset.done $0x0  }
0x66: {  	[sflag:s8] =	ssyncadd.s32 $0xFFFFC000  }
0x67: {  	[bflag:$0x0] =	sbarrier.arrive $0xFFFF  }
0x68: {  	[spmem:s2] =	stream.indirect.scatter.add.f32 [tilespmem:s11], [sflag:$0x3], $0x8, s6, s10, $0xb8;
	[tilespmem:$0x1CB50] =	vst v63  }
0x69: {  	_ =	swait.ge [sflag:s4], $0x4000  }
0x6a: {  	[sflag:s4] =	ssyncset.done $0x0  }
0x6b: {  	s29 =	rddreg [dreg:$0xa];
	[sflag:s4] =	ssyncadd.s32 $0xFFFFC000  }
0x6c: {  	[tilespmem:s17], [sflag:$0x1] =	stream.strided.gather [hbm4b:s29+s5], $0x4000, s7, s5, $0x38;
	[tilespmem:$0x1CB50] =	vst v63  }
0x6d: {  	[bflag:$0x0] =	sbarrier.arrive $0xFFFF  }
0x6e: {  	[tilespmem:s9], [sflag:$0x3] =	stream.indirect.gather [spmem:s2], $0x8, s6, s10, $0xb8;
	[tilespmem:$0x1CB50] =	vst v63  }
0x6f: {  	_ =	swait.ge [sflag:s4], $0x4000  }
0x70: {  	[sflag:s4] =	ssyncset.done $0x0  }
0x71: {  	[sflag:s4] =	ssyncadd.s32 $0xFFFFC000  }
0x72: {  	[bflag:$0x0] =	sbarrier.arrive $0xFFFF  }
0x73: {  	s29 =	rddreg [dreg:$0xb]  }
0x74: {  	[hbm4b:s29+s5] =	stream.strided.scatter [tilespmem:s9], [sflag:$0x2], $0x4000, s7, s5, $0x38;
	[tilespmem:$0x1CB50] =	vst v63  }
0x75: {  	_ = 	snop  }
0x76: {  	[spmem:s2] =	stream.indirect.scatter [tilespmem:s13], [sflag:$0x3], $0x8, s6, s10, $0xb8;
	[tilespmem:$0x1CB50] =	vst v63  }
0x77: {  	_ =	swait.ge [sflag:s4], $0x4000  }
0x78: {  	[sflag:s4] =	ssyncset.done $0x0  }
0x79: {  	[sflag:s4] =	ssyncadd.s32 $0xFFFFC000  }
0x7a: {  	_ =	swait.ge [sflag:s15], $0x4000  }
0x7b: {  	[sflag:s15] =	ssyncset.done $0x0  }
0x7c: {  	[sflag:s15] =	ssyncadd.s32 $0xFFFFC000  }
0x7d: {  	_ =	swait.ge [sflag:s8], $0x4000  }
0x7e: {  	[sflag:s8] =	ssyncset.done $0x0  }
0x7f: {  	[sflag:s8] =	ssyncadd.s32 $0xFFFFC000  }
0x80: {  	[bflag:$0x0] =	sbarrier.arrive $0xFFFF  }
0x81: {  	[spmem:s2] =	stream.indirect.scatter.add.f32 [tilespmem:s17], [sflag:$0x3], $0x8, s6, s10, $0xb8;
	[tilespmem:$0x1CB50] =	vst v63  }
0x82: {  	_ =	swait.ge [sflag:s4], $0x4000  }
0x83: {  	[sflag:s4] =	ssyncset.done $0x0  }
0x84: {  	s29 =	rddreg [dreg:$0xc];
	[sflag:s4] =	ssyncadd.s32 $0xFFFFC000  }
0x85: {  	[tilespmem:s11], [sflag:$0x1] =	stream.strided.gather [hbm4b:s29+s5], $0x4000, s7, s5, $0x38;
	[tilespmem:$0x1CB50] =	vst v63  }
0x86: {  	[bflag:$0x0] =	sbarrier.arrive $0xFFFF  }
0x87: {  	[tilespmem:s9], [sflag:$0x3] =	stream.indirect.gather [spmem:s2], $0x8, s6, s10, $0xb8;
	[tilespmem:$0x1CB50] =	vst v63  }
0x88: {  	_ =	swait.ge [sflag:s4], $0x4000  }
0x89: {  	[sflag:s4] =	ssyncset.done $0x0  }
0x8a: {  	[sflag:s4] =	ssyncadd.s32 $0xFFFFC000  }
0x8b: {  	[bflag:$0x0] =	sbarrier.arrive $0xFFFF  }
0x8c: {  	s29 =	rddreg [dreg:$0xd]  }
0x8d: {  	[hbm4b:s29+s5] =	stream.strided.scatter [tilespmem:s9], [sflag:$0x2], $0x4000, s7, s5, $0x38;
	[tilespmem:$0x1CB50] =	vst v63  }
0x8e: {  	_ = 	snop  }
0x8f: {  	[spmem:s2] =	stream.indirect.scatter [tilespmem:s13], [sflag:$0x3], $0x8, s6, s10, $0xb8;
	[tilespmem:$0x1CB50] =	vst v63  }
0x90: {  	_ =	swait.ge [sflag:s4], $0x4000  }
0x91: {  	[sflag:s4] =	ssyncset.done $0x0  }
0x92: {  	[sflag:s4] =	ssyncadd.s32 $0xFFFFC000  }
0x93: {  	_ =	swait.ge [sflag:s15], $0x4000  }
0x94: {  	[sflag:s15] =	ssyncset.done $0x0  }
0x95: {  	[sflag:s15] =	ssyncadd.s32 $0xFFFFC000  }
0x96: {  	_ =	swait.ge [sflag:s8], $0x4000  }
0x97: {  	[sflag:s8] =	ssyncset.done $0x0  }
0x98: {  	[sflag:s8] =	ssyncadd.s32 $0xFFFFC000  }
0x99: {  	[bflag:$0x0] =	sbarrier.arrive $0xFFFF  }
0x9a: {  	[spmem:s2] =	stream.indirect.scatter.add.f32 [tilespmem:s11], [sflag:$0x3], $0x8, s6, s10, $0xb8;
	[tilespmem:$0x1CB50] =	vst v63  }
0x9b: {  	_ =	swait.ge [sflag:s4], $0x4000  }
0x9c: {  	[sflag:s4] =	ssyncset.done $0x0  }
0x9d: {  	s29 =	rddreg [dreg:$0xe];
	[sflag:s4] =	ssyncadd.s32 $0xFFFFC000  }
0x9e: {  	[tilespmem:s17], [sflag:$0x1] =	stream.strided.gather [hbm4b:s29+s5], $0x4000, s7, s5, $0x38;
	[tilespmem:$0x1CB50] =	vst v63  }
0x9f: {  	[bflag:$0x0] =	sbarrier.arrive $0xFFFF  }
0xa0: {  	[tilespmem:s9], [sflag:$0x3] =	stream.indirect.gather [spmem:s2], $0x8, s6, s10, $0xb8;
	[tilespmem:$0x1CB50] =	vst v63  }
0xa1: {  	_ =	swait.ge [sflag:s4], $0x4000  }
0xa2: {  	[sflag:s4] =	ssyncset.done $0x0  }
0xa3: {  	[sflag:s4] =	ssyncadd.s32 $0xFFFFC000  }
0xa4: {  	[bflag:$0x0] =	sbarrier.arrive $0xFFFF  }
0xa5: {  	s29 =	rddreg [dreg:$0xf]  }
0xa6: {  	[hbm4b:s29+s5] =	stream.strided.scatter [tilespmem:s9], [sflag:$0x2], $0x4000, s7, s5, $0x38;
	[tilespmem:$0x1CB50] =	vst v63  }
0xa7: {  	_ = 	snop  }
0xa8: {  	[spmem:s2] =	stream.indirect.scatter [tilespmem:s13], [sflag:$0x3], $0x8, s6, s10, $0xb8;
	[tilespmem:$0x1CB50] =	vst v63  }
0xa9: {  	_ =	swait.ge [sflag:s4], $0x4000  }
0xaa: {  	[sflag:s4] =	ssyncset.done $0x0  }
0xab: {  	[sflag:s4] =	ssyncadd.s32 $0xFFFFC000  }
0xac: {  	_ =	swait.ge [sflag:s15], $0x4000  }
0xad: {  	[sflag:s15] =	ssyncset.done $0x0  }
0xae: {  	[sflag:s15] =	ssyncadd.s32 $0xFFFFC000  }
0xaf: {  	_ =	swait.ge [sflag:s8], $0x4000  }
0xb0: {  	[sflag:s8] =	ssyncset.done $0x0  }
0xb1: {  	[sflag:s8] =	ssyncadd.s32 $0xFFFFC000  }
0xb2: {  	[bflag:$0x0] =	sbarrier.arrive $0xFFFF  }
0xb3: {  	[spmem:s2] =	stream.indirect.scatter.add.f32 [tilespmem:s17], [sflag:$0x3], $0x8, s6, s10, $0xb8;
	[tilespmem:$0x1CB50] =	vst v63  }
0xb4: {  	_ =	swait.ge [sflag:s4], $0x4000  }
0xb5: {  	[sflag:s4] =	ssyncset.done $0x0  }
0xb6: {  	s29 =	rddreg [dreg:$0x10];
	[sflag:s4] =	ssyncadd.s32 $0xFFFFC000  }
0xb7: {  	[tilespmem:s11], [sflag:$0x1] =	stream.strided.gather [hbm4b:s29+s5], $0x4000, s7, s5, $0x38;
	[tilespmem:$0x1CB50] =	vst v63  }
0xb8: {  	[bflag:$0x0] =	sbarrier.arrive $0xFFFF  }
0xb9: {  	[tilespmem:s9], [sflag:$0x3] =	stream.indirect.gather [spmem:s2], $0x8, s6, s10, $0xb8;
	[tilespmem:$0x1CB50] =	vst v63  }
0xba: {  	_ =	swait.ge [sflag:s4], $0x4000  }
0xbb: {  	[sflag:s4] =	ssyncset.done $0x0  }
0xbc: {  	[sflag:s4] =	ssyncadd.s32 $0xFFFFC000  }
0xbd: {  	[bflag:$0x0] =	sbarrier.arrive $0xFFFF  }
0xbe: {  	s29 =	rddreg [dreg:$0x11]  }
0xbf: {  	[hbm4b:s29+s5] =	stream.strided.scatter [tilespmem:s9], [sflag:$0x2], $0x4000, s7, s5, $0x38;
	[tilespmem:$0x1CB50] =	vst v63  }
0xc0: {  	_ = 	snop  }
0xc1: {  	[spmem:s2] =	stream.indirect.scatter [tilespmem:s13], [sflag:$0x3], $0x8, s6, s10, $0xb8;
	[tilespmem:$0x1CB50] =	vst v63  }
0xc2: {  	_ =	swait.ge [sflag:s4], $0x4000  }
0xc3: {  	[sflag:s4] =	ssyncset.done $0x0  }
0xc4: {  	[sflag:s4] =	ssyncadd.s32 $0xFFFFC000  }
0xc5: {  	_ =	swait.ge [sflag:s15], $0x4000  }
0xc6: {  	[sflag:s15] =	ssyncset.done $0x0  }
0xc7: {  	[sflag:s15] =	ssyncadd.s32 $0xFFFFC000  }
0xc8: {  	_ =	swait.ge [sflag:s8], $0x4000  }
0xc9: {  	[sflag:s8] =	ssyncset.done $0x0  }
0xca: {  	[sflag:s8] =	ssyncadd.s32 $0xFFFFC000  }
0xcb: {  	[bflag:$0x0] =	sbarrier.arrive $0xFFFF  }
0xcc: {  	[spmem:s2] =	stream.indirect.scatter.add.f32 [tilespmem:s11], [sflag:$0x3], $0x8, s6, s10, $0xb8;
	[tilespmem:$0x1CB50] =	vst v63  }
0xcd: {  	_ =	swait.ge [sflag:s4], $0x4000  }
0xce: {  	[sflag:s4] =	ssyncset.done $0x0  }
0xcf: {  	s29 =	rddreg [dreg:$0x12];
	[sflag:s4] =	ssyncadd.s32 $0xFFFFC000  }
0xd0: {  	[tilespmem:s17], [sflag:$0x1] =	stream.strided.gather [hbm4b:s29+s5], $0x4000, s7, s5, $0x38;
	[tilespmem:$0x1CB50] =	vst v63  }
0xd1: {  	[bflag:$0x0] =	sbarrier.arrive $0xFFFF  }
0xd2: {  	[tilespmem:s9], [sflag:$0x3] =	stream.indirect.gather [spmem:s2], $0x8, s6, s10, $0xb8;
	[tilespmem:$0x1CB50] =	vst v63  }
0xd3: {  	_ =	swait.ge [sflag:s4], $0x4000  }
0xd4: {  	[sflag:s4] =	ssyncset.done $0x0  }
0xd5: {  	[sflag:s4] =	ssyncadd.s32 $0xFFFFC000  }
0xd6: {  	[bflag:$0x0] =	sbarrier.arrive $0xFFFF  }
0xd7: {  	s29 =	rddreg [dreg:$0x13]  }
0xd8: {  	[hbm4b:s29+s5] =	stream.strided.scatter [tilespmem:s9], [sflag:$0x2], $0x4000, s7, s5, $0x38;
	[tilespmem:$0x1CB50] =	vst v63  }
0xd9: {  	_ = 	snop  }
0xda: {  	[spmem:s2] =	stream.indirect.scatter [tilespmem:s13], [sflag:$0x3], $0x8, s6, s10, $0xb8;
	[tilespmem:$0x1CB50] =	vst v63  }
0xdb: {  	_ =	swait.ge [sflag:s4], $0x4000  }
0xdc: {  	[sflag:s4] =	ssyncset.done $0x0  }
0xdd: {  	[sflag:s4] =	ssyncadd.s32 $0xFFFFC000  }
0xde: {  	_ =	swait.ge [sflag:s15], $0x4000  }
0xdf: {  	[sflag:s15] =	ssyncset.done $0x0  }
0xe0: {  	[sflag:s15] =	ssyncadd.s32 $0xFFFFC000  }
0xe1: {  	_ =	swait.ge [sflag:s8], $0x4000  }
0xe2: {  	[sflag:s8] =	ssyncset.done $0x0  }
0xe3: {  	[sflag:s8] =	ssyncadd.s32 $0xFFFFC000  }
0xe4: {  	[bflag:$0x0] =	sbarrier.arrive $0xFFFF  }
0xe5: {  	[spmem:s2] =	stream.indirect.scatter.add.f32 [tilespmem:s17], [sflag:$0x3], $0x8, s6, s10, $0xb8;
	[tilespmem:$0x1CB50] =	vst v63  }
0xe6: {  	_ =	swait.ge [sflag:s4], $0x4000  }
0xe7: {  	[sflag:s4] =	ssyncset.done $0x0  }
0xe8: {  	s29 =	rddreg [dreg:$0x14];
	[sflag:s4] =	ssyncadd.s32 $0xFFFFC000  }
0xe9: {  	[tilespmem:s11], [sflag:$0x1] =	stream.strided.gather [hbm4b:s29+s5], $0x4000, s7, s5, $0x38;
	[tilespmem:$0x1CB50] =	vst v63  }
0xea: {  	[bflag:$0x0] =	sbarrier.arrive $0xFFFF  }
0xeb: {  	[tilespmem:s9], [sflag:$0x3] =	stream.indirect.gather [spmem:s2], $0x8, s6, s10, $0xb8;
	[tilespmem:$0x1CB50] =	vst v63  }
0xec: {  	_ =	swait.ge [sflag:s4], $0x4000  }
0xed: {  	[sflag:s4] =	ssyncset.done $0x0  }
0xee: {  	[sflag:s4] =	ssyncadd.s32 $0xFFFFC000  }
0xef: {  	[bflag:$0x0] =	sbarrier.arrive $0xFFFF  }
0xf0: {  	[hbm4b:s23+s5] =	stream.strided.scatter [tilespmem:s9], [sflag:$0x2], $0x4000, s7, s5, $0x38;
	[tilespmem:$0x1CB50] =	vst v63  }
0xf1: {  	_ = 	snop  }
0xf2: {  	[spmem:s2] =	stream.indirect.scatter [tilespmem:s13], [sflag:$0x3], $0x8, s6, s10, $0xb8;
	[tilespmem:$0x1CB50] =	vst v63  }
0xf3: {  	_ =	swait.ge [sflag:s4], $0x4000  }
0xf4: {  	[sflag:s4] =	ssyncset.done $0x0  }
0xf5: {  	[sflag:s4] =	ssyncadd.s32 $0xFFFFC000  }
0xf6: {  	_ =	swait.ge [sflag:s15], $0x4000  }
0xf7: {  	[sflag:s15] =	ssyncset.done $0x0  }
0xf8: {  	[sflag:s15] =	ssyncadd.s32 $0xFFFFC000  }
0xf9: {  	_ =	swait.ge [sflag:s8], $0x4000  }
0xfa: {  	[sflag:s8] =	ssyncset.done $0x0  }
0xfb: {  	[sflag:s8] =	ssyncadd.s32 $0xFFFFC000  }
0xfc: {  	[bflag:$0x0] =	sbarrier.arrive $0xFFFF  }
0xfd: {  	[spmem:s2] =	stream.indirect.scatter.add.f32 [tilespmem:s11], [sflag:$0x3], $0x8, s6, s10, $0xb8;
	[tilespmem:$0x1CB50] =	vst v63  }
0xfe: {  	_ =	swait.ge [sflag:s4], $0x4000  }
0xff: {  	[sflag:s4] =	ssyncset.done $0x0  }
0x100: {  	[sflag:s4] =	ssyncadd.s32 $0xFFFFC000  }
0x101: {  	[tilespmem:s17], [sflag:$0x1] =	stream.strided.gather [hbm4b:s22+s5], $0x4000, s7, s5, $0x38;
	[tilespmem:$0x1CB50] =	vst v63  }
0x102: {  	[bflag:$0x0] =	sbarrier.arrive $0xFFFF  }
0x103: {  	[tilespmem:s9], [sflag:$0x3] =	stream.indirect.gather [spmem:s2], $0x8, s6, s10, $0xb8;
	[tilespmem:$0x1CB50] =	vst v63  }
0x104: {  	_ =	swait.ge [sflag:s4], $0x4000  }
0x105: {  	[sflag:s4] =	ssyncset.done $0x0  }
0x106: {  	[sflag:s4] =	ssyncadd.s32 $0xFFFFC000  }
0x107: {  	[bflag:$0x0] =	sbarrier.arrive $0xFFFF  }
0x108: {  	[hbm4b:s21+s5] =	stream.strided.scatter [tilespmem:s9], [sflag:$0x2], $0x4000, s7, s5, $0x38;
	[tilespmem:$0x1CB50] =	vst v63  }
0x109: {  	_ = 	snop  }
0x10a: {  	[spmem:s2] =	stream.indirect.scatter [tilespmem:s13], [sflag:$0x3], $0x8, s6, s10, $0xb8;
	[tilespmem:$0x1CB50] =	vst v63  }
0x10b: {  	_ =	swait.ge [sflag:s4], $0x4000  }
0x10c: {  	[sflag:s4] =	ssyncset.done $0x0  }
0x10d: {  	[sflag:s4] =	ssyncadd.s32 $0xFFFFC000  }
0x10e: {  	_ =	swait.ge [sflag:s15], $0x4000  }
0x10f: {  	[sflag:s15] =	ssyncset.done $0x0  }
0x110: {  	[sflag:s15] =	ssyncadd.s32 $0xFFFFC000  }
0x111: {  	_ =	swait.ge [sflag:s8], $0x4000  }
0x112: {  	[sflag:s8] =	ssyncset.done $0x0  }
0x113: {  	[sflag:s8] =	ssyncadd.s32 $0xFFFFC000  }
0x114: {  	[bflag:$0x0] =	sbarrier.arrive $0xFFFF  }
0x115: {  	[spmem:s2] =	stream.indirect.scatter.add.f32 [tilespmem:s17], [sflag:$0x3], $0x8, s6, s10, $0xb8;
	[tilespmem:$0x1CB50] =	vst v63  }
0x116: {  	_ =	swait.ge [sflag:s4], $0x4000  }
0x117: {  	[sflag:s4] =	ssyncset.done $0x0  }
0x118: {  	[sflag:s4] =	ssyncadd.s32 $0xFFFFC000  }
0x119: {  	[tilespmem:s11], [sflag:$0x1] =	stream.strided.gather [hbm4b:s20+s5], $0x4000, s7, s5, $0x38;
	[tilespmem:$0x1CB50] =	vst v63  }
0x11a: {  	[bflag:$0x0] =	sbarrier.arrive $0xFFFF  }
0x11b: {  	[tilespmem:s9], [sflag:$0x3] =	stream.indirect.gather [spmem:s2], $0x8, s6, s10, $0xb8;
	[tilespmem:$0x1CB50] =	vst v63  }
0x11c: {  	_ =	swait.ge [sflag:s4], $0x4000  }
0x11d: {  	[sflag:s4] =	ssyncset.done $0x0  }
0x11e: {  	[sflag:s4] =	ssyncadd.s32 $0xFFFFC000  }
0x11f: {  	[bflag:$0x0] =	sbarrier.arrive $0xFFFF  }
0x120: {  	[hbm4b:s19+s5] =	stream.strided.scatter [tilespmem:s9], [sflag:$0x2], $0x4000, s7, s5, $0x38;
	[tilespmem:$0x1CB50] =	vst v63  }
0x121: {  	_ = 	snop  }
0x122: {  	[spmem:s2] =	stream.indirect.scatter [tilespmem:s13], [sflag:$0x3], $0x8, s6, s10, $0xb8;
	[tilespmem:$0x1CB50] =	vst v63  }
0x123: {  	_ =	swait.ge [sflag:s4], $0x4000  }
0x124: {  	[sflag:s4] =	ssyncset.done $0x0  }
0x125: {  	[sflag:s4] =	ssyncadd.s32 $0xFFFFC000  }
0x126: {  	_ =	swait.ge [sflag:s15], $0x4000  }
0x127: {  	[sflag:s15] =	ssyncset.done $0x0  }
0x128: {  	[sflag:s15] =	ssyncadd.s32 $0xFFFFC000  }
0x129: {  	_ =	swait.ge [sflag:s8], $0x4000  }
0x12a: {  	[sflag:s8] =	ssyncset.done $0x0  }
0x12b: {  	[sflag:s8] =	ssyncadd.s32 $0xFFFFC000  }
0x12c: {  	[bflag:$0x0] =	sbarrier.arrive $0xFFFF  }
0x12d: {  	[spmem:s2] =	stream.indirect.scatter.add.f32 [tilespmem:s11], [sflag:$0x3], $0x8, s6, s10, $0xb8;
	[tilespmem:$0x1CB50] =	vst v63  }
0x12e: {  	_ =	swait.ge [sflag:s4], $0x4000  }
0x12f: {  	[sflag:s4] =	ssyncset.done $0x0  }
0x130: {  	[sflag:s4] =	ssyncadd.s32 $0xFFFFC000  }
0x131: {  	[tilespmem:s17], [sflag:$0x1] =	stream.strided.gather [hbm4b:s18+s5], $0x4000, s7, s5, $0x38;
	[tilespmem:$0x1CB50] =	vst v63  }
0x132: {  	[bflag:$0x0] =	sbarrier.arrive $0xFFFF  }
0x133: {  	[tilespmem:s9], [sflag:$0x3] =	stream.indirect.gather [spmem:s2], $0x8, s6, s10, $0xb8;
	[tilespmem:$0x1CB50] =	vst v63  }
0x134: {  	_ =	swait.ge [sflag:s4], $0x4000  }
0x135: {  	[sflag:s4] =	ssyncset.done $0x0  }
0x136: {  	[sflag:s4] =	ssyncadd.s32 $0xFFFFC000  }
0x137: {  	[bflag:$0x0] =	sbarrier.arrive $0xFFFF  }
0x138: {  	[hbm4b:s16+s5] =	stream.strided.scatter [tilespmem:s9], [sflag:$0x2], $0x4000, s7, s5, $0x38;
	[tilespmem:$0x1CB50] =	vst v63  }
0x139: {  	_ = 	snop  }
0x13a: {  	[spmem:s2] =	stream.indirect.scatter [tilespmem:s13], [sflag:$0x3], $0x8, s6, s10, $0xb8;
	[tilespmem:$0x1CB50] =	vst v63  }
0x13b: {  	_ =	swait.ge [sflag:s4], $0x4000  }
0x13c: {  	[sflag:s4] =	ssyncset.done $0x0  }
0x13d: {  	[sflag:s4] =	ssyncadd.s32 $0xFFFFC000  }
0x13e: {  	_ =	swait.ge [sflag:s15], $0x4000  }
0x13f: {  	[sflag:s15] =	ssyncset.done $0x0  }
0x140: {  	[sflag:s15] =	ssyncadd.s32 $0xFFFFC000  }
0x141: {  	_ =	swait.ge [sflag:s8], $0x4000  }
0x142: {  	[sflag:s8] =	ssyncset.done $0x0  }
0x143: {  	[sflag:s8] =	ssyncadd.s32 $0xFFFFC000  }
0x144: {  	[bflag:$0x0] =	sbarrier.arrive $0xFFFF  }
0x145: {  	[spmem:s2] =	stream.indirect.scatter.add.f32 [tilespmem:s17], [sflag:$0x3], $0x8, s6, s10, $0xb8;
	[tilespmem:$0x1CB50] =	vst v63  }
0x146: {  	_ =	swait.ge [sflag:s4], $0x4000  }
0x147: {  	[sflag:s4] =	ssyncset.done $0x0  }
0x148: {  	[sflag:s4] =	ssyncadd.s32 $0xFFFFC000  }
0x149: {  	[tilespmem:s11], [sflag:$0x1] =	stream.strided.gather [hbm4b:s14+s5], $0x4000, s7, s5, $0x38;
	[tilespmem:$0x1CB50] =	vst v63  }
0x14a: {  	[bflag:$0x0] =	sbarrier.arrive $0xFFFF  }
0x14b: {  	[tilespmem:s9], [sflag:$0x3] =	stream.indirect.gather [spmem:s2], $0x8, s6, s10, $0xb8;
	[tilespmem:$0x1CB50] =	vst v63  }
0x14c: {  	_ =	swait.ge [sflag:s4], $0x4000  }
0x14d: {  	[sflag:s4] =	ssyncset.done $0x0  }
0x14e: {  	[sflag:s4] =	ssyncadd.s32 $0xFFFFC000  }
0x14f: {  	[bflag:$0x0] =	sbarrier.arrive $0xFFFF  }
0x150: {  	[hbm4b:s12+s5] =	stream.strided.scatter [tilespmem:s9], [sflag:$0x2], $0x4000, s7, s5, $0x38;
	[tilespmem:$0x1CB50] =	vst v63  }
0x151: {  	_ = 	snop  }
0x152: {  	[spmem:s2] =	stream.indirect.scatter [tilespmem:s13], [sflag:$0x3], $0x8, s6, s10, $0xb8;
	[tilespmem:$0x1CB50] =	vst v63  }
0x153: {  	_ =	swait.ge [sflag:s4], $0x4000  }
0x154: {  	[sflag:s4] =	ssyncset.done $0x0  }
0x155: {  	[sflag:s4] =	ssyncadd.s32 $0xFFFFC000  }
0x156: {  	_ =	swait.ge [sflag:s15], $0x4000  }
0x157: {  	[sflag:s15] =	ssyncset.done $0x0  }
0x158: {  	[sflag:s15] =	ssyncadd.s32 $0xFFFFC000  }
0x159: {  	_ =	swait.ge [sflag:s8], $0x4000  }
0x15a: {  	[sflag:s8] =	ssyncset.done $0x0  }
0x15b: {  	[sflag:s8] =	ssyncadd.s32 $0xFFFFC000  }
0x15c: {  	[bflag:$0x0] =	sbarrier.arrive $0xFFFF  }
0x15d: {  	[spmem:s2] =	stream.indirect.scatter.add.f32 [tilespmem:s11], [sflag:$0x3], $0x8, s6, s10, $0xb8;
	[tilespmem:$0x1CB50] =	vst v63  }
0x15e: {  	_ =	swait.ge [sflag:s4], $0x4000  }
0x15f: {  	[sflag:s4] =	ssyncset.done $0x0  }
0x160: {  	[sflag:s4] =	ssyncadd.s32 $0xFFFFC000  }
0x161: {  	[bflag:$0x0] =	sbarrier.arrive $0xFFFF  }
0x162: {  	[tilespmem:s9], [sflag:$0x3] =	stream.indirect.gather [spmem:s2], $0x8, s6, s10, $0xb8;
	[tilespmem:$0x1CB50] =	vst v63  }
0x163: {  	s1 =	sadd.s32 $0xFFFFFFFF, s1;
	_ =	swait.ge [sflag:s4], $0x4000  }
0x164: {  	p2 =	sne.s32 s1, $0x0;
	[sflag:s4] =	ssyncset.done $0x0  }
.Ltmp1:
0x165: {  	[sflag:s4] =	ssyncadd.s32 $0xFFFFC000;
	(pc) =	sbr.rel @!p2 .LBB2_2-.Ltmp1, $4  }
0x166: {  	[bflag:$0x0] =	sbarrier.arrive $0xFFFF  }
0x167: {  	[hbm4b:s3+s5] =	stream.strided.scatter [tilespmem:s9], [sflag:$0x2], $0x4000, s7, s5, $0x38;
	[tilespmem:$0x1CB50] =	vst v63  }
0x168: {  	_ =	swait.ge [sflag:s8], $0x4000  }
0x169: {  	p1 =	por $0x1, $0x1;
	s29 =	rddreg [dreg:$0x5];
	[sflag:s8] =	ssyncset.done $0x0  }
.LBB2_3:
0x16a: {  	[sflag:s8] =	ssyncadd.s32 $0xFFFFC000  }
0x16b: {  	[tilespmem:s6], [sflag:$0x3] =	stream.linear.gather [hbm4b:s29+s24], $0x800, $0x38;
	[tilespmem:$0x1CB50] =	vst v63  }
0x16c: {  	_ =	swait.ge [sflag:s4], $0x800  }
0x16d: {  	[sflag:s4] =	ssyncset.done $0x0  }
0x16e: {  	s29 =	rddreg [dreg:$0x4];
	[sflag:s4] =	ssyncadd.s32 $0xFFFFF800  }
0x16f: {  	[tilespmem:s13], [sflag:$0x3] =	stream.linear.gather [hbm4b:s29+s24], $0x4000, $0x38;
	[tilespmem:$0x1CB50] =	vst v63  }
0x170: {  	_ =	swait.ge [sflag:s4], $0x4000  }
0x171: {  	[sflag:s4] =	ssyncset.done $0x0  }
0x172: {  	s29 =	rddreg [dreg:$0x3];
	[sflag:s4] =	ssyncadd.s32 $0xFFFFC000  }
0x173: {  	[tilespmem:s11], [sflag:$0x3] =	stream.linear.gather [hbm4b:s29+s24], $0x4000, $0x38;
	[tilespmem:$0x1CB50] =	vst v63  }
0x174: {  	_ =	swait.ge [sflag:s4], $0x4000  }
0x175: {  	[sflag:s4] =	ssyncset.done $0x0  }
0x176: {  	s29 =	rddreg [dreg:$0x6];
	[sflag:s4] =	ssyncadd.s32 $0xFFFFC000  }
0x177: {  	[tilespmem:s17], [sflag:$0x1] =	stream.strided.gather [hbm4b:s29+s5], $0x4000, s7, s5, $0x38;
	[tilespmem:$0x1CB50] =	vst v63  }
0x178: {  	s29 =	simm.s32 @!p0 $0x18B50  }
0x179: {  	[spmem:s2] =	stream.indirect.scatter @!p0 [tilespmem:s29], [sflag:$0x3], $0x8, s28, s26, $0xb8;
	[tilespmem:$0x1CB50] =	vst v63  }
0x17a: {  	_ =	swait.ge @!p0 [sflag:s25], $0x4000  }
0x17b: {  	[sflag:s25] =	ssyncset.done @!p0 $0x0  }
0x17c: {  	[sflag:s25] =	ssyncadd.s32 @!p0 $0xFFFFC000  }
0x17d: {  	[bflag:$0x0] =	sbarrier.arrive @!p0 $0xFFFF  }
0x17e: {  	[spmem:s2] =	stream.indirect.scatter.add.f32 @!p0 [tilespmem:s30], [sflag:$0x3], $0x8, s28, s26, $0xb8;
	[tilespmem:$0x1CB50] =	vst v63  }
0x17f: {  	_ =	swait.ge @!p0 [sflag:s25], $0x4000  }
0x180: {  	[sflag:s25] =	ssyncset.done @!p0 $0x0  }
0x181: {  	[sflag:s25] =	ssyncadd.s32 @!p0 $0xFFFFC000  }
0x182: {  	[bflag:$0x0] =	sbarrier.arrive @!p0 $0xFFFF  }
0x183: {  	[tilespmem:s31], [sflag:$0x3] =	stream.indirect.gather @!p0 [spmem:s2], $0x8, s28, s26, $0xb8;
	[tilespmem:$0x1CB50] =	vst v63  }
0x184: {  	_ =	swait.ge @!p0 [sflag:s25], $0x4000  }
0x185: {  	[sflag:s25] =	ssyncset.done @!p0 $0x0  }
0x186: {  	s29 =	rddreg [dreg:$0x7];
	[sflag:s25] =	ssyncadd.s32 @!p0 $0xFFFFC000  }
0x187: {  	[hbm4b:s29+s0] =	stream.linear.scatter @!p0 [tilespmem:s31], [sflag:$0x3], $0x4000, $0x38;
	[tilespmem:$0x1CB50] =	vst v63  }
0x188: {  	_ =	swait.ge @!p0 [sflag:s25], $0x4000  }
0x189: {  	[sflag:s25] =	ssyncset.done @!p0 $0x0  }
0x18a: {  	[sflag:s25] =	ssyncadd.s32 @!p0 $0xFFFFC000  }
0x18b: {  	[bflag:$0x0] =	sbarrier.arrive @!p0 $0xFFFF  }
0x18c: {  	[spmem:s2] =	stream.indirect.scatter [tilespmem:s13], [sflag:$0x3], $0x8, s6, s10, $0xb8;
	[tilespmem:$0x1CB50] =	vst v63  }
0x18d: {  	_ =	swait.ge [sflag:s4], $0x4000  }
0x18e: {  	[sflag:s4] =	ssyncset.done $0x0  }
0x18f: {  	[sflag:s4] =	ssyncadd.s32 $0xFFFFC000  }
0x190: {  	_ =	swait.ge [sflag:s15], $0x4000  }
0x191: {  	[sflag:s15] =	ssyncset.done $0x0  }
0x192: {  	[sflag:s15] =	ssyncadd.s32 $0xFFFFC000  }
0x193: {  	[bflag:$0x0] =	sbarrier.arrive $0xFFFF  }
0x194: {  	[spmem:s2] =	stream.indirect.scatter.add.f32 [tilespmem:s17], [sflag:$0x3], $0x8, s6, s10, $0xb8;
	[tilespmem:$0x1CB50] =	vst v63  }
0x195: {  	_ =	swait.ge [sflag:s4], $0x4000  }
0x196: {  	[sflag:s4] =	ssyncset.done $0x0  }
0x197: {  	s29 =	rddreg [dreg:$0x8];
	[sflag:s4] =	ssyncadd.s32 $0xFFFFC000  }
0x198: {  	[tilespmem:s11], [sflag:$0x1] =	stream.strided.gather [hbm4b:s29+s5], $0x4000, s7, s5, $0x38;
	[tilespmem:$0x1CB50] =	vst v63  }
0x199: {  	[bflag:$0x0] =	sbarrier.arrive $0xFFFF  }
0x19a: {  	[tilespmem:s9], [sflag:$0x3] =	stream.indirect.gather [spmem:s2], $0x8, s6, s10, $0xb8;
	[tilespmem:$0x1CB50] =	vst v63  }
0x19b: {  	_ =	swait.ge [sflag:s4], $0x4000  }
0x19c: {  	[sflag:s4] =	ssyncset.done $0x0  }
0x19d: {  	[sflag:s4] =	ssyncadd.s32 $0xFFFFC000  }
0x19e: {  	[bflag:$0x0] =	sbarrier.arrive $0xFFFF  }
0x19f: {  	s29 =	rddreg [dreg:$0x9]  }
0x1a0: {  	[hbm4b:s29+s5] =	stream.strided.scatter [tilespmem:s9], [sflag:$0x2], $0x4000, s7, s5, $0x38;
	[tilespmem:$0x1CB50] =	vst v63  }
0x1a1: {  	_ = 	snop  }
0x1a2: {  	[spmem:s2] =	stream.indirect.scatter [tilespmem:s13], [sflag:$0x3], $0x8, s6, s10, $0xb8;
	[tilespmem:$0x1CB50] =	vst v63  }
0x1a3: {  	_ =	swait.ge [sflag:s4], $0x4000  }
0x1a4: {  	[sflag:s4] =	ssyncset.done $0x0  }
0x1a5: {  	[sflag:s4] =	ssyncadd.s32 $0xFFFFC000  }
0x1a6: {  	_ =	swait.ge [sflag:s15], $0x4000  }
0x1a7: {  	[sflag:s15] =	ssyncset.done $0x0  }
0x1a8: {  	[sflag:s15] =	ssyncadd.s32 $0xFFFFC000  }
0x1a9: {  	_ =	swait.ge [sflag:s8], $0x4000  }
0x1aa: {  	[sflag:s8] =	ssyncset.done $0x0  }
0x1ab: {  	[sflag:s8] =	ssyncadd.s32 $0xFFFFC000  }
0x1ac: {  	[bflag:$0x0] =	sbarrier.arrive $0xFFFF  }
0x1ad: {  	[spmem:s2] =	stream.indirect.scatter.add.f32 [tilespmem:s11], [sflag:$0x3], $0x8, s6, s10, $0xb8;
	[tilespmem:$0x1CB50] =	vst v63  }
0x1ae: {  	_ =	swait.ge [sflag:s4], $0x4000  }
0x1af: {  	[sflag:s4] =	ssyncset.done $0x0  }
0x1b0: {  	s29 =	rddreg [dreg:$0xa];
	[sflag:s4] =	ssyncadd.s32 $0xFFFFC000  }
0x1b1: {  	[tilespmem:s17], [sflag:$0x1] =	stream.strided.gather [hbm4b:s29+s5], $0x4000, s7, s5, $0x38;
	[tilespmem:$0x1CB50] =	vst v63  }
0x1b2: {  	[bflag:$0x0] =	sbarrier.arrive $0xFFFF  }
0x1b3: {  	[tilespmem:s9], [sflag:$0x3] =	stream.indirect.gather [spmem:s2], $0x8, s6, s10, $0xb8;
	[tilespmem:$0x1CB50] =	vst v63  }
0x1b4: {  	_ =	swait.ge [sflag:s4], $0x4000  }
0x1b5: {  	[sflag:s4] =	ssyncset.done $0x0  }
0x1b6: {  	[sflag:s4] =	ssyncadd.s32 $0xFFFFC000  }
0x1b7: {  	[bflag:$0x0] =	sbarrier.arrive $0xFFFF  }
0x1b8: {  	s29 =	rddreg [dreg:$0xb]  }
0x1b9: {  	[hbm4b:s29+s5] =	stream.strided.scatter [tilespmem:s9], [sflag:$0x2], $0x4000, s7, s5, $0x38;
	[tilespmem:$0x1CB50] =	vst v63  }
0x1ba: {  	_ = 	snop  }
0x1bb: {  	[spmem:s2] =	stream.indirect.scatter [tilespmem:s13], [sflag:$0x3], $0x8, s6, s10, $0xb8;
	[tilespmem:$0x1CB50] =	vst v63  }
0x1bc: {  	_ =	swait.ge [sflag:s4], $0x4000  }
0x1bd: {  	[sflag:s4] =	ssyncset.done $0x0  }
0x1be: {  	[sflag:s4] =	ssyncadd.s32 $0xFFFFC000  }
0x1bf: {  	_ =	swait.ge [sflag:s15], $0x4000  }
0x1c0: {  	[sflag:s15] =	ssyncset.done $0x0  }
0x1c1: {  	[sflag:s15] =	ssyncadd.s32 $0xFFFFC000  }
0x1c2: {  	_ =	swait.ge [sflag:s8], $0x4000  }
0x1c3: {  	[sflag:s8] =	ssyncset.done $0x0  }
0x1c4: {  	[sflag:s8] =	ssyncadd.s32 $0xFFFFC000  }
0x1c5: {  	[bflag:$0x0] =	sbarrier.arrive $0xFFFF  }
0x1c6: {  	[spmem:s2] =	stream.indirect.scatter.add.f32 [tilespmem:s17], [sflag:$0x3], $0x8, s6, s10, $0xb8;
	[tilespmem:$0x1CB50] =	vst v63  }
0x1c7: {  	_ =	swait.ge [sflag:s4], $0x4000  }
0x1c8: {  	[sflag:s4] =	ssyncset.done $0x0  }
0x1c9: {  	s29 =	rddreg [dreg:$0xc];
	[sflag:s4] =	ssyncadd.s32 $0xFFFFC000  }
0x1ca: {  	[tilespmem:s11], [sflag:$0x1] =	stream.strided.gather [hbm4b:s29+s5], $0x4000, s7, s5, $0x38;
	[tilespmem:$0x1CB50] =	vst v63  }
0x1cb: {  	[bflag:$0x0] =	sbarrier.arrive $0xFFFF  }
0x1cc: {  	[tilespmem:s9], [sflag:$0x3] =	stream.indirect.gather [spmem:s2], $0x8, s6, s10, $0xb8;
	[tilespmem:$0x1CB50] =	vst v63  }
0x1cd: {  	_ =	swait.ge [sflag:s4], $0x4000  }
0x1ce: {  	[sflag:s4] =	ssyncset.done $0x0  }
0x1cf: {  	[sflag:s4] =	ssyncadd.s32 $0xFFFFC000  }
0x1d0: {  	[bflag:$0x0] =	sbarrier.arrive $0xFFFF  }
0x1d1: {  	s29 =	rddreg [dreg:$0xd]  }
0x1d2: {  	[hbm4b:s29+s5] =	stream.strided.scatter [tilespmem:s9], [sflag:$0x2], $0x4000, s7, s5, $0x38;
	[tilespmem:$0x1CB50] =	vst v63  }
0x1d3: {  	_ = 	snop  }
0x1d4: {  	[spmem:s2] =	stream.indirect.scatter [tilespmem:s13], [sflag:$0x3], $0x8, s6, s10, $0xb8;
	[tilespmem:$0x1CB50] =	vst v63  }
0x1d5: {  	_ =	swait.ge [sflag:s4], $0x4000  }
0x1d6: {  	[sflag:s4] =	ssyncset.done $0x0  }
0x1d7: {  	[sflag:s4] =	ssyncadd.s32 $0xFFFFC000  }
0x1d8: {  	_ =	swait.ge [sflag:s15], $0x4000  }
0x1d9: {  	[sflag:s15] =	ssyncset.done $0x0  }
0x1da: {  	[sflag:s15] =	ssyncadd.s32 $0xFFFFC000  }
0x1db: {  	_ =	swait.ge [sflag:s8], $0x4000  }
0x1dc: {  	[sflag:s8] =	ssyncset.done $0x0  }
0x1dd: {  	[sflag:s8] =	ssyncadd.s32 $0xFFFFC000  }
0x1de: {  	[bflag:$0x0] =	sbarrier.arrive $0xFFFF  }
0x1df: {  	[spmem:s2] =	stream.indirect.scatter.add.f32 [tilespmem:s11], [sflag:$0x3], $0x8, s6, s10, $0xb8;
	[tilespmem:$0x1CB50] =	vst v63  }
0x1e0: {  	_ =	swait.ge [sflag:s4], $0x4000  }
0x1e1: {  	[sflag:s4] =	ssyncset.done $0x0  }
0x1e2: {  	s29 =	rddreg [dreg:$0xe];
	[sflag:s4] =	ssyncadd.s32 $0xFFFFC000  }
0x1e3: {  	[tilespmem:s17], [sflag:$0x1] =	stream.strided.gather [hbm4b:s29+s5], $0x4000, s7, s5, $0x38;
	[tilespmem:$0x1CB50] =	vst v63  }
0x1e4: {  	[bflag:$0x0] =	sbarrier.arrive $0xFFFF  }
0x1e5: {  	[tilespmem:s9], [sflag:$0x3] =	stream.indirect.gather [spmem:s2], $0x8, s6, s10, $0xb8;
	[tilespmem:$0x1CB50] =	vst v63  }
0x1e6: {  	_ =	swait.ge [sflag:s4], $0x4000  }
0x1e7: {  	[sflag:s4] =	ssyncset.done $0x0  }
0x1e8: {  	[sflag:s4] =	ssyncadd.s32 $0xFFFFC000  }
0x1e9: {  	[bflag:$0x0] =	sbarrier.arrive $0xFFFF  }
0x1ea: {  	s29 =	rddreg [dreg:$0xf]  }
0x1eb: {  	[hbm4b:s29+s5] =	stream.strided.scatter [tilespmem:s9], [sflag:$0x2], $0x4000, s7, s5, $0x38;
	[tilespmem:$0x1CB50] =	vst v63  }
0x1ec: {  	_ = 	snop  }
0x1ed: {  	[spmem:s2] =	stream.indirect.scatter [tilespmem:s13], [sflag:$0x3], $0x8, s6, s10, $0xb8;
	[tilespmem:$0x1CB50] =	vst v63  }
0x1ee: {  	_ =	swait.ge [sflag:s4], $0x4000  }
0x1ef: {  	[sflag:s4] =	ssyncset.done $0x0  }
0x1f0: {  	[sflag:s4] =	ssyncadd.s32 $0xFFFFC000  }
0x1f1: {  	_ =	swait.ge [sflag:s15], $0x4000  }
0x1f2: {  	[sflag:s15] =	ssyncset.done $0x0  }
0x1f3: {  	[sflag:s15] =	ssyncadd.s32 $0xFFFFC000  }
0x1f4: {  	_ =	swait.ge [sflag:s8], $0x4000  }
0x1f5: {  	[sflag:s8] =	ssyncset.done $0x0  }
0x1f6: {  	[sflag:s8] =	ssyncadd.s32 $0xFFFFC000  }
0x1f7: {  	[bflag:$0x0] =	sbarrier.arrive $0xFFFF  }
0x1f8: {  	[spmem:s2] =	stream.indirect.scatter.add.f32 [tilespmem:s17], [sflag:$0x3], $0x8, s6, s10, $0xb8;
	[tilespmem:$0x1CB50] =	vst v63  }
0x1f9: {  	_ =	swait.ge [sflag:s4], $0x4000  }
0x1fa: {  	[sflag:s4] =	ssyncset.done $0x0  }
0x1fb: {  	s29 =	rddreg [dreg:$0x10];
	[sflag:s4] =	ssyncadd.s32 $0xFFFFC000  }
0x1fc: {  	[tilespmem:s11], [sflag:$0x1] =	stream.strided.gather [hbm4b:s29+s5], $0x4000, s7, s5, $0x38;
	[tilespmem:$0x1CB50] =	vst v63  }
0x1fd: {  	[bflag:$0x0] =	sbarrier.arrive $0xFFFF  }
0x1fe: {  	[tilespmem:s9], [sflag:$0x3] =	stream.indirect.gather [spmem:s2], $0x8, s6, s10, $0xb8;
	[tilespmem:$0x1CB50] =	vst v63  }
0x1ff: {  	_ =	swait.ge [sflag:s4], $0x4000  }
0x200: {  	[sflag:s4] =	ssyncset.done $0x0  }
0x201: {  	[sflag:s4] =	ssyncadd.s32 $0xFFFFC000  }
0x202: {  	[bflag:$0x0] =	sbarrier.arrive $0xFFFF  }
0x203: {  	s29 =	rddreg [dreg:$0x11]  }
0x204: {  	[hbm4b:s29+s5] =	stream.strided.scatter [tilespmem:s9], [sflag:$0x2], $0x4000, s7, s5, $0x38;
	[tilespmem:$0x1CB50] =	vst v63  }
0x205: {  	_ = 	snop  }
0x206: {  	[spmem:s2] =	stream.indirect.scatter [tilespmem:s13], [sflag:$0x3], $0x8, s6, s10, $0xb8;
	[tilespmem:$0x1CB50] =	vst v63  }
0x207: {  	_ =	swait.ge [sflag:s4], $0x4000  }
0x208: {  	[sflag:s4] =	ssyncset.done $0x0  }
0x209: {  	[sflag:s4] =	ssyncadd.s32 $0xFFFFC000  }
0x20a: {  	_ =	swait.ge [sflag:s15], $0x4000  }
0x20b: {  	[sflag:s15] =	ssyncset.done $0x0  }
0x20c: {  	[sflag:s15] =	ssyncadd.s32 $0xFFFFC000  }
0x20d: {  	_ =	swait.ge [sflag:s8], $0x4000  }
0x20e: {  	[sflag:s8] =	ssyncset.done $0x0  }
0x20f: {  	[sflag:s8] =	ssyncadd.s32 $0xFFFFC000  }
0x210: {  	[bflag:$0x0] =	sbarrier.arrive $0xFFFF  }
0x211: {  	[spmem:s2] =	stream.indirect.scatter.add.f32 [tilespmem:s11], [sflag:$0x3], $0x8, s6, s10, $0xb8;
	[tilespmem:$0x1CB50] =	vst v63  }
0x212: {  	_ =	swait.ge [sflag:s4], $0x4000  }
0x213: {  	[sflag:s4] =	ssyncset.done $0x0  }
0x214: {  	s29 =	rddreg [dreg:$0x12];
	[sflag:s4] =	ssyncadd.s32 $0xFFFFC000  }
0x215: {  	[tilespmem:s17], [sflag:$0x1] =	stream.strided.gather [hbm4b:s29+s5], $0x4000, s7, s5, $0x38;
	[tilespmem:$0x1CB50] =	vst v63  }
0x216: {  	[bflag:$0x0] =	sbarrier.arrive $0xFFFF  }
0x217: {  	[tilespmem:s9], [sflag:$0x3] =	stream.indirect.gather [spmem:s2], $0x8, s6, s10, $0xb8;
	[tilespmem:$0x1CB50] =	vst v63  }
0x218: {  	_ =	swait.ge [sflag:s4], $0x4000  }
0x219: {  	[sflag:s4] =	ssyncset.done $0x0  }
0x21a: {  	[sflag:s4] =	ssyncadd.s32 $0xFFFFC000  }
0x21b: {  	[bflag:$0x0] =	sbarrier.arrive $0xFFFF  }
0x21c: {  	s29 =	rddreg [dreg:$0x13]  }
0x21d: {  	[hbm4b:s29+s5] =	stream.strided.scatter [tilespmem:s9], [sflag:$0x2], $0x4000, s7, s5, $0x38;
	[tilespmem:$0x1CB50] =	vst v63  }
0x21e: {  	_ = 	snop  }
0x21f: {  	[spmem:s2] =	stream.indirect.scatter [tilespmem:s13], [sflag:$0x3], $0x8, s6, s10, $0xb8;
	[tilespmem:$0x1CB50] =	vst v63  }
0x220: {  	_ =	swait.ge [sflag:s4], $0x4000  }
0x221: {  	[sflag:s4] =	ssyncset.done $0x0  }
0x222: {  	[sflag:s4] =	ssyncadd.s32 $0xFFFFC000  }
0x223: {  	_ =	swait.ge [sflag:s15], $0x4000  }
0x224: {  	[sflag:s15] =	ssyncset.done $0x0  }
0x225: {  	[sflag:s15] =	ssyncadd.s32 $0xFFFFC000  }
0x226: {  	_ =	swait.ge [sflag:s8], $0x4000  }
0x227: {  	[sflag:s8] =	ssyncset.done $0x0  }
0x228: {  	[sflag:s8] =	ssyncadd.s32 $0xFFFFC000  }
0x229: {  	[bflag:$0x0] =	sbarrier.arrive $0xFFFF  }
0x22a: {  	[spmem:s2] =	stream.indirect.scatter.add.f32 [tilespmem:s17], [sflag:$0x3], $0x8, s6, s10, $0xb8;
	[tilespmem:$0x1CB50] =	vst v63  }
0x22b: {  	_ =	swait.ge [sflag:s4], $0x4000  }
0x22c: {  	[sflag:s4] =	ssyncset.done $0x0  }
0x22d: {  	s29 =	rddreg [dreg:$0x14];
	[sflag:s4] =	ssyncadd.s32 $0xFFFFC000  }
0x22e: {  	[tilespmem:s11], [sflag:$0x1] =	stream.strided.gather [hbm4b:s29+s5], $0x4000, s7, s5, $0x38;
	[tilespmem:$0x1CB50] =	vst v63  }
0x22f: {  	[bflag:$0x0] =	sbarrier.arrive $0xFFFF  }
0x230: {  	[tilespmem:s9], [sflag:$0x3] =	stream.indirect.gather [spmem:s2], $0x8, s6, s10, $0xb8;
	[tilespmem:$0x1CB50] =	vst v63  }
0x231: {  	_ =	swait.ge [sflag:s4], $0x4000  }
0x232: {  	[sflag:s4] =	ssyncset.done $0x0  }
0x233: {  	[sflag:s4] =	ssyncadd.s32 $0xFFFFC000  }
0x234: {  	[bflag:$0x0] =	sbarrier.arrive $0xFFFF  }
0x235: {  	[hbm4b:s23+s5] =	stream.strided.scatter [tilespmem:s9], [sflag:$0x2], $0x4000, s7, s5, $0x38;
	[tilespmem:$0x1CB50] =	vst v63  }
0x236: {  	_ = 	snop  }
0x237: {  	[spmem:s2] =	stream.indirect.scatter [tilespmem:s13], [sflag:$0x3], $0x8, s6, s10, $0xb8;
	[tilespmem:$0x1CB50] =	vst v63  }
0x238: {  	_ =	swait.ge [sflag:s4], $0x4000  }
0x239: {  	[sflag:s4] =	ssyncset.done $0x0  }
0x23a: {  	[sflag:s4] =	ssyncadd.s32 $0xFFFFC000  }
0x23b: {  	_ =	swait.ge [sflag:s15], $0x4000  }
0x23c: {  	[sflag:s15] =	ssyncset.done $0x0  }
0x23d: {  	[sflag:s15] =	ssyncadd.s32 $0xFFFFC000  }
0x23e: {  	_ =	swait.ge [sflag:s8], $0x4000  }
0x23f: {  	[sflag:s8] =	ssyncset.done $0x0  }
0x240: {  	[sflag:s8] =	ssyncadd.s32 $0xFFFFC000  }
0x241: {  	[bflag:$0x0] =	sbarrier.arrive $0xFFFF  }
0x242: {  	[spmem:s2] =	stream.indirect.scatter.add.f32 [tilespmem:s11], [sflag:$0x3], $0x8, s6, s10, $0xb8;
	[tilespmem:$0x1CB50] =	vst v63  }
0x243: {  	_ =	swait.ge [sflag:s4], $0x4000  }
0x244: {  	[sflag:s4] =	ssyncset.done $0x0  }
0x245: {  	[sflag:s4] =	ssyncadd.s32 $0xFFFFC000  }
0x246: {  	[tilespmem:s17], [sflag:$0x1] =	stream.strided.gather [hbm4b:s22+s5], $0x4000, s7, s5, $0x38;
	[tilespmem:$0x1CB50] =	vst v63  }
0x247: {  	[bflag:$0x0] =	sbarrier.arrive $0xFFFF  }
0x248: {  	[tilespmem:s9], [sflag:$0x3] =	stream.indirect.gather [spmem:s2], $0x8, s6, s10, $0xb8;
	[tilespmem:$0x1CB50] =	vst v63  }
0x249: {  	_ =	swait.ge [sflag:s4], $0x4000  }
0x24a: {  	[sflag:s4] =	ssyncset.done $0x0  }
0x24b: {  	[sflag:s4] =	ssyncadd.s32 $0xFFFFC000  }
0x24c: {  	[bflag:$0x0] =	sbarrier.arrive $0xFFFF  }
0x24d: {  	[hbm4b:s21+s5] =	stream.strided.scatter [tilespmem:s9], [sflag:$0x2], $0x4000, s7, s5, $0x38;
	[tilespmem:$0x1CB50] =	vst v63  }
0x24e: {  	_ = 	snop  }
0x24f: {  	[spmem:s2] =	stream.indirect.scatter [tilespmem:s13], [sflag:$0x3], $0x8, s6, s10, $0xb8;
	[tilespmem:$0x1CB50] =	vst v63  }
0x250: {  	_ =	swait.ge [sflag:s4], $0x4000  }
0x251: {  	[sflag:s4] =	ssyncset.done $0x0  }
0x252: {  	[sflag:s4] =	ssyncadd.s32 $0xFFFFC000  }
0x253: {  	_ =	swait.ge [sflag:s15], $0x4000  }
0x254: {  	[sflag:s15] =	ssyncset.done $0x0  }
0x255: {  	[sflag:s15] =	ssyncadd.s32 $0xFFFFC000  }
0x256: {  	_ =	swait.ge [sflag:s8], $0x4000  }
0x257: {  	[sflag:s8] =	ssyncset.done $0x0  }
0x258: {  	[sflag:s8] =	ssyncadd.s32 $0xFFFFC000  }
0x259: {  	[bflag:$0x0] =	sbarrier.arrive $0xFFFF  }
0x25a: {  	[spmem:s2] =	stream.indirect.scatter.add.f32 [tilespmem:s17], [sflag:$0x3], $0x8, s6, s10, $0xb8;
	[tilespmem:$0x1CB50] =	vst v63  }
0x25b: {  	_ =	swait.ge [sflag:s4], $0x4000  }
0x25c: {  	[sflag:s4] =	ssyncset.done $0x0  }
0x25d: {  	[sflag:s4] =	ssyncadd.s32 $0xFFFFC000  }
0x25e: {  	[tilespmem:s11], [sflag:$0x1] =	stream.strided.gather [hbm4b:s20+s5], $0x4000, s7, s5, $0x38;
	[tilespmem:$0x1CB50] =	vst v63  }
0x25f: {  	[bflag:$0x0] =	sbarrier.arrive $0xFFFF  }
0x260: {  	[tilespmem:s9], [sflag:$0x3] =	stream.indirect.gather [spmem:s2], $0x8, s6, s10, $0xb8;
	[tilespmem:$0x1CB50] =	vst v63  }
0x261: {  	_ =	swait.ge [sflag:s4], $0x4000  }
0x262: {  	[sflag:s4] =	ssyncset.done $0x0  }
0x263: {  	[sflag:s4] =	ssyncadd.s32 $0xFFFFC000  }
0x264: {  	[bflag:$0x0] =	sbarrier.arrive $0xFFFF  }
0x265: {  	[hbm4b:s19+s5] =	stream.strided.scatter [tilespmem:s9], [sflag:$0x2], $0x4000, s7, s5, $0x38;
	[tilespmem:$0x1CB50] =	vst v63  }
0x266: {  	_ = 	snop  }
0x267: {  	[spmem:s2] =	stream.indirect.scatter [tilespmem:s13], [sflag:$0x3], $0x8, s6, s10, $0xb8;
	[tilespmem:$0x1CB50] =	vst v63  }
0x268: {  	_ =	swait.ge [sflag:s4], $0x4000  }
0x269: {  	[sflag:s4] =	ssyncset.done $0x0  }
0x26a: {  	[sflag:s4] =	ssyncadd.s32 $0xFFFFC000  }
0x26b: {  	_ =	swait.ge [sflag:s15], $0x4000  }
0x26c: {  	[sflag:s15] =	ssyncset.done $0x0  }
0x26d: {  	[sflag:s15] =	ssyncadd.s32 $0xFFFFC000  }
0x26e: {  	_ =	swait.ge [sflag:s8], $0x4000  }
0x26f: {  	[sflag:s8] =	ssyncset.done $0x0  }
0x270: {  	[sflag:s8] =	ssyncadd.s32 $0xFFFFC000  }
0x271: {  	[bflag:$0x0] =	sbarrier.arrive $0xFFFF  }
0x272: {  	[spmem:s2] =	stream.indirect.scatter.add.f32 [tilespmem:s11], [sflag:$0x3], $0x8, s6, s10, $0xb8;
	[tilespmem:$0x1CB50] =	vst v63  }
0x273: {  	_ =	swait.ge [sflag:s4], $0x4000  }
0x274: {  	[sflag:s4] =	ssyncset.done $0x0  }
0x275: {  	[sflag:s4] =	ssyncadd.s32 $0xFFFFC000  }
0x276: {  	[tilespmem:s17], [sflag:$0x1] =	stream.strided.gather [hbm4b:s18+s5], $0x4000, s7, s5, $0x38;
	[tilespmem:$0x1CB50] =	vst v63  }
0x277: {  	[bflag:$0x0] =	sbarrier.arrive $0xFFFF  }
0x278: {  	[tilespmem:s9], [sflag:$0x3] =	stream.indirect.gather [spmem:s2], $0x8, s6, s10, $0xb8;
	[tilespmem:$0x1CB50] =	vst v63  }
0x279: {  	_ =	swait.ge [sflag:s4], $0x4000  }
0x27a: {  	[sflag:s4] =	ssyncset.done $0x0  }
0x27b: {  	[sflag:s4] =	ssyncadd.s32 $0xFFFFC000  }
0x27c: {  	[bflag:$0x0] =	sbarrier.arrive $0xFFFF  }
0x27d: {  	[hbm4b:s16+s5] =	stream.strided.scatter [tilespmem:s9], [sflag:$0x2], $0x4000, s7, s5, $0x38;
	[tilespmem:$0x1CB50] =	vst v63  }
0x27e: {  	_ = 	snop  }
0x27f: {  	[spmem:s2] =	stream.indirect.scatter [tilespmem:s13], [sflag:$0x3], $0x8, s6, s10, $0xb8;
	[tilespmem:$0x1CB50] =	vst v63  }
0x280: {  	_ =	swait.ge [sflag:s4], $0x4000  }
0x281: {  	[sflag:s4] =	ssyncset.done $0x0  }
0x282: {  	[sflag:s4] =	ssyncadd.s32 $0xFFFFC000  }
0x283: {  	_ =	swait.ge [sflag:s15], $0x4000  }
0x284: {  	[sflag:s15] =	ssyncset.done $0x0  }
0x285: {  	[sflag:s15] =	ssyncadd.s32 $0xFFFFC000  }
0x286: {  	_ =	swait.ge [sflag:s8], $0x4000  }
0x287: {  	[sflag:s8] =	ssyncset.done $0x0  }
0x288: {  	[sflag:s8] =	ssyncadd.s32 $0xFFFFC000  }
0x289: {  	[bflag:$0x0] =	sbarrier.arrive $0xFFFF  }
0x28a: {  	[spmem:s2] =	stream.indirect.scatter.add.f32 [tilespmem:s17], [sflag:$0x3], $0x8, s6, s10, $0xb8;
	[tilespmem:$0x1CB50] =	vst v63  }
0x28b: {  	_ =	swait.ge [sflag:s4], $0x4000  }
0x28c: {  	[sflag:s4] =	ssyncset.done $0x0  }
0x28d: {  	[sflag:s4] =	ssyncadd.s32 $0xFFFFC000  }
0x28e: {  	[tilespmem:s11], [sflag:$0x1] =	stream.strided.gather [hbm4b:s14+s5], $0x4000, s7, s5, $0x38;
	[tilespmem:$0x1CB50] =	vst v63  }
0x28f: {  	[bflag:$0x0] =	sbarrier.arrive $0xFFFF  }
0x290: {  	[tilespmem:s9], [sflag:$0x3] =	stream.indirect.gather [spmem:s2], $0x8, s6, s10, $0xb8;
	[tilespmem:$0x1CB50] =	vst v63  }
0x291: {  	_ =	swait.ge [sflag:s4], $0x4000  }
0x292: {  	[sflag:s4] =	ssyncset.done $0x0  }
0x293: {  	[sflag:s4] =	ssyncadd.s32 $0xFFFFC000  }
0x294: {  	[bflag:$0x0] =	sbarrier.arrive $0xFFFF  }
0x295: {  	[hbm4b:s12+s5] =	stream.strided.scatter [tilespmem:s9], [sflag:$0x2], $0x4000, s7, s5, $0x38;
	[tilespmem:$0x1CB50] =	vst v63  }
0x296: {  	_ = 	snop  }
0x297: {  	[spmem:s2] =	stream.indirect.scatter [tilespmem:s13], [sflag:$0x3], $0x8, s6, s10, $0xb8;
	[tilespmem:$0x1CB50] =	vst v63  }
0x298: {  	_ =	swait.ge [sflag:s4], $0x4000  }
0x299: {  	[sflag:s4] =	ssyncset.done $0x0  }
0x29a: {  	[sflag:s4] =	ssyncadd.s32 $0xFFFFC000  }
0x29b: {  	_ =	swait.ge [sflag:s15], $0x4000  }
0x29c: {  	[sflag:s15] =	ssyncset.done $0x0  }
0x29d: {  	[sflag:s15] =	ssyncadd.s32 $0xFFFFC000  }
0x29e: {  	_ =	swait.ge [sflag:s8], $0x4000  }
0x29f: {  	[sflag:s8] =	ssyncset.done $0x0  }
0x2a0: {  	[sflag:s8] =	ssyncadd.s32 $0xFFFFC000  }
0x2a1: {  	[bflag:$0x0] =	sbarrier.arrive $0xFFFF  }
0x2a2: {  	[spmem:s2] =	stream.indirect.scatter.add.f32 [tilespmem:s11], [sflag:$0x3], $0x8, s6, s10, $0xb8;
	[tilespmem:$0x1CB50] =	vst v63  }
0x2a3: {  	_ =	swait.ge [sflag:s4], $0x4000  }
0x2a4: {  	[sflag:s4] =	ssyncset.done $0x0  }
0x2a5: {  	[sflag:s4] =	ssyncadd.s32 $0xFFFFC000  }
0x2a6: {  	[bflag:$0x0] =	sbarrier.arrive $0xFFFF  }
0x2a7: {  	[tilespmem:s9], [sflag:$0x3] =	stream.indirect.gather [spmem:s2], $0x8, s6, s10, $0xb8;
	[tilespmem:$0x1CB50] =	vst v63  }
0x2a8: {  	s1 =	sadd.s32 $0xFFFFFFFF, s1;
	_ =	swait.ge [sflag:s4], $0x4000  }
0x2a9: {  	p2 =	sne.s32 s1, $0x0;
	[sflag:s4] =	ssyncset.done $0x0  }
.Ltmp2:
0x2aa: {  	[sflag:s4] =	ssyncadd.s32 $0xFFFFC000;
	(pc) =	sbr.rel @p2 .LBB2_3-.Ltmp2, $4  }
0x2ab: {  	[bflag:$0x0] =	sbarrier.arrive $0xFFFF  }
0x2ac: {  	[hbm4b:s3+s5] =	stream.strided.scatter [tilespmem:s9], [sflag:$0x2], $0x4000, s7, s5, $0x38;
	[tilespmem:$0x1CB50] =	vst v63  }
0x2ad: {  	_ =	swait.ge [sflag:s8], $0x4000  }
0x2ae: {  	s29 =	rddreg [dreg:$0x5];
	[sflag:s8] =	ssyncset.done $0x0  }
0x2af: {  	s26 =	rddreg [dreg:$0x2];
	s28 =	stileid.u32  }
.LBB2_5:
0x2b0: {  	[sflag:s8] =	ssyncadd.s32 @p1 $0xFFFFC000  }
0x2b1: {  	[tilespmem:s6], [sflag:$0x3] =	stream.linear.gather [hbm4b:s29+s24], $0x800, $0x38;
	[tilespmem:$0x1CB50] =	vst v63  }
0x2b2: {  	_ =	swait.ge [sflag:s4], $0x800  }
0x2b3: {  	[sflag:s4] =	ssyncset.done $0x0  }
0x2b4: {  	s0 =	rddreg [dreg:$0x4];
	[sflag:s4] =	ssyncadd.s32 $0xFFFFF800  }
0x2b5: {  	[tilespmem:s13], [sflag:$0x3] =	stream.linear.gather [hbm4b:s0+s24], $0x4000, $0x38;
	[tilespmem:$0x1CB50] =	vst v63  }
0x2b6: {  	_ =	swait.ge [sflag:s4], $0x4000  }
0x2b7: {  	[sflag:s4] =	ssyncset.done $0x0  }
0x2b8: {  	s29 =	rddreg [dreg:$0x3];
	[sflag:s4] =	ssyncadd.s32 $0xFFFFC000  }
0x2b9: {  	[tilespmem:s11], [sflag:$0x3] =	stream.linear.gather [hbm4b:s29+s24], $0x4000, $0x38;
	[tilespmem:$0x1CB50] =	vst v63  }
0x2ba: {  	_ =	swait.ge [sflag:s4], $0x4000  }
0x2bb: {  	[sflag:s4] =	ssyncset.done $0x0  }
0x2bc: {  	s30 =	rddreg [dreg:$0x6];
	[sflag:s4] =	ssyncadd.s32 $0xFFFFC000  }
0x2bd: {  	[tilespmem:s17], [sflag:$0x1] =	stream.strided.gather [hbm4b:s30+s5], $0x4000, s7, s5, $0x38;
	[tilespmem:$0x1CB50] =	vst v63  }
0x2be: {  	s1 =	simm.s32 @!p0 $0xC350;
	s0 =	simm.s32 @!p0 $0x800;
	s24 =	simm.s32 @!p0 $0x18B50  }
0x2bf: {  	[spmem:s2] =	stream.indirect.scatter @!p0 [tilespmem:s24], [sflag:$0x3], $0x8, s1, s0, $0xb8;
	[tilespmem:$0x1CB50] =	vst v63  }
0x2c0: {  	s24 =	simm.s32 @!p0 $0x3  }
0x2c1: {  	_ =	swait.ge @!p0 [sflag:s24], $0x4000  }
0x2c2: {  	[sflag:s24] =	ssyncset.done @!p0 $0x0  }
0x2c3: {  	[sflag:s24] =	ssyncadd.s32 @!p0 $0xFFFFC000  }
0x2c4: {  	s25 =	simm.s32 @!p0 $0x10B50;
	[bflag:$0x0] =	sbarrier.arrive @!p0 $0xFFFF  }
0x2c5: {  	[spmem:s2] =	stream.indirect.scatter.add.f32 @!p0 [tilespmem:s25], [sflag:$0x3], $0x8, s1, s0, $0xb8;
	[tilespmem:$0x1CB50] =	vst v63  }
0x2c6: {  	_ =	swait.ge @!p0 [sflag:s24], $0x4000  }
0x2c7: {  	[sflag:s24] =	ssyncset.done @!p0 $0x0  }
0x2c8: {  	[sflag:s24] =	ssyncadd.s32 @!p0 $0xFFFFC000  }
0x2c9: {  	s25 =	simm.s32 @!p0 $0x14B50;
	[bflag:$0x0] =	sbarrier.arrive @!p0 $0xFFFF  }
0x2ca: {  	[tilespmem:s25], [sflag:$0x3] =	stream.indirect.gather @!p0 [spmem:s2], $0x8, s1, s0, $0xb8;
	[tilespmem:$0x1CB50] =	vst v63  }
0x2cb: {  	_ =	swait.ge @!p0 [sflag:s24], $0x4000  }
0x2cc: {  	[sflag:s24] =	ssyncset.done @!p0 $0x0  }
0x2cd: {  	s1 =	simm.s32 @!p0 $0x0;
	s0 =	rddreg [dreg:$0x7];
	[sflag:s24] =	ssyncadd.s32 @!p0 $0xFFFFC000  }
0x2ce: {  	[hbm4b:s0+s1] =	stream.linear.scatter @!p0 [tilespmem:s25], [sflag:$0x3], $0x4000, $0x38;
	[tilespmem:$0x1CB50] =	vst v63  }
0x2cf: {  	_ =	swait.ge @!p0 [sflag:s24], $0x4000  }
0x2d0: {  	[sflag:s24] =	ssyncset.done @!p0 $0x0  }
0x2d1: {  	[sflag:s24] =	ssyncadd.s32 @!p0 $0xFFFFC000  }
0x2d2: {  	[bflag:$0x0] =	sbarrier.arrive @!p0 $0xFFFF  }
0x2d3: {  	[spmem:s2] =	stream.indirect.scatter [tilespmem:s13], [sflag:$0x3], $0x8, s6, s10, $0xb8;
	[tilespmem:$0x1CB50] =	vst v63  }
0x2d4: {  	_ =	swait.ge [sflag:s4], $0x4000  }
0x2d5: {  	[sflag:s4] =	ssyncset.done $0x0  }
0x2d6: {  	[sflag:s4] =	ssyncadd.s32 $0xFFFFC000  }
0x2d7: {  	_ =	swait.ge [sflag:s15], $0x4000  }
0x2d8: {  	[sflag:s15] =	ssyncset.done $0x0  }
0x2d9: {  	[sflag:s15] =	ssyncadd.s32 $0xFFFFC000  }
0x2da: {  	[bflag:$0x0] =	sbarrier.arrive $0xFFFF  }
0x2db: {  	[spmem:s2] =	stream.indirect.scatter.add.f32 [tilespmem:s17], [sflag:$0x3], $0x8, s6, s10, $0xb8;
	[tilespmem:$0x1CB50] =	vst v63  }
0x2dc: {  	_ =	swait.ge [sflag:s4], $0x4000  }
0x2dd: {  	[sflag:s4] =	ssyncset.done $0x0  }
0x2de: {  	s31 =	rddreg [dreg:$0x8];
	[sflag:s4] =	ssyncadd.s32 $0xFFFFC000  }
0x2df: {  	[tilespmem:s11], [sflag:$0x1] =	stream.strided.gather [hbm4b:s31+s5], $0x4000, s7, s5, $0x38;
	[tilespmem:$0x1CB50] =	vst v63  }
0x2e0: {  	[bflag:$0x0] =	sbarrier.arrive $0xFFFF  }
0x2e1: {  	[tilespmem:s9], [sflag:$0x3] =	stream.indirect.gather [spmem:s2], $0x8, s6, s10, $0xb8;
	[tilespmem:$0x1CB50] =	vst v63  }
0x2e2: {  	_ =	swait.ge [sflag:s4], $0x4000  }
0x2e3: {  	[sflag:s4] =	ssyncset.done $0x0  }
0x2e4: {  	[sflag:s4] =	ssyncadd.s32 $0xFFFFC000  }
0x2e5: {  	[bflag:$0x0] =	sbarrier.arrive $0xFFFF  }
0x2e6: {  	s1 =	rddreg [dreg:$0x9]  }
0x2e7: {  	[hbm4b:s1+s5] =	stream.strided.scatter [tilespmem:s9], [sflag:$0x2], $0x4000, s7, s5, $0x38;
	[tilespmem:$0x1CB50] =	vst v63  }
0x2e8: {  	_ = 	snop  }
0x2e9: {  	[spmem:s2] =	stream.indirect.scatter [tilespmem:s13], [sflag:$0x3], $0x8, s6, s10, $0xb8;
	[tilespmem:$0x1CB50] =	vst v63  }
0x2ea: {  	_ =	swait.ge [sflag:s4], $0x4000  }
0x2eb: {  	[sflag:s4] =	ssyncset.done $0x0  }
0x2ec: {  	[sflag:s4] =	ssyncadd.s32 $0xFFFFC000  }
0x2ed: {  	_ =	swait.ge [sflag:s15], $0x4000  }
0x2ee: {  	[sflag:s15] =	ssyncset.done $0x0  }
0x2ef: {  	[sflag:s15] =	ssyncadd.s32 $0xFFFFC000  }
0x2f0: {  	_ =	swait.ge [sflag:s8], $0x4000  }
0x2f1: {  	[sflag:s8] =	ssyncset.done $0x0  }
0x2f2: {  	[sflag:s8] =	ssyncadd.s32 $0xFFFFC000  }
0x2f3: {  	[bflag:$0x0] =	sbarrier.arrive $0xFFFF  }
0x2f4: {  	[spmem:s2] =	stream.indirect.scatter.add.f32 [tilespmem:s11], [sflag:$0x3], $0x8, s6, s10, $0xb8;
	[tilespmem:$0x1CB50] =	vst v63  }
0x2f5: {  	_ =	swait.ge [sflag:s4], $0x4000  }
0x2f6: {  	[sflag:s4] =	ssyncset.done $0x0  }
0x2f7: {  	s24 =	rddreg [dreg:$0xa];
	[sflag:s4] =	ssyncadd.s32 $0xFFFFC000  }
0x2f8: {  	[tilespmem:s17], [sflag:$0x1] =	stream.strided.gather [hbm4b:s24+s5], $0x4000, s7, s5, $0x38;
	[tilespmem:$0x1CB50] =	vst v63  }
0x2f9: {  	[bflag:$0x0] =	sbarrier.arrive $0xFFFF  }
0x2fa: {  	[tilespmem:s9], [sflag:$0x3] =	stream.indirect.gather [spmem:s2], $0x8, s6, s10, $0xb8;
	[tilespmem:$0x1CB50] =	vst v63  }
0x2fb: {  	_ =	swait.ge [sflag:s4], $0x4000  }
0x2fc: {  	[sflag:s4] =	ssyncset.done $0x0  }
0x2fd: {  	[sflag:s4] =	ssyncadd.s32 $0xFFFFC000  }
0x2fe: {  	[bflag:$0x0] =	sbarrier.arrive $0xFFFF  }
0x2ff: {  	s25 =	rddreg [dreg:$0xb]  }
0x300: {  	[hbm4b:s25+s5] =	stream.strided.scatter [tilespmem:s9], [sflag:$0x2], $0x4000, s7, s5, $0x38;
	[tilespmem:$0x1CB50] =	vst v63  }
0x301: {  	_ = 	snop  }
0x302: {  	[spmem:s2] =	stream.indirect.scatter [tilespmem:s13], [sflag:$0x3], $0x8, s6, s10, $0xb8;
	[tilespmem:$0x1CB50] =	vst v63  }
0x303: {  	_ =	swait.ge [sflag:s4], $0x4000  }
0x304: {  	[sflag:s4] =	ssyncset.done $0x0  }
0x305: {  	[sflag:s4] =	ssyncadd.s32 $0xFFFFC000  }
0x306: {  	_ =	swait.ge [sflag:s15], $0x4000  }
0x307: {  	[sflag:s15] =	ssyncset.done $0x0  }
0x308: {  	[sflag:s15] =	ssyncadd.s32 $0xFFFFC000  }
0x309: {  	_ =	swait.ge [sflag:s8], $0x4000  }
0x30a: {  	[sflag:s8] =	ssyncset.done $0x0  }
0x30b: {  	[sflag:s8] =	ssyncadd.s32 $0xFFFFC000  }
0x30c: {  	[bflag:$0x0] =	sbarrier.arrive $0xFFFF  }
0x30d: {  	[spmem:s2] =	stream.indirect.scatter.add.f32 [tilespmem:s17], [sflag:$0x3], $0x8, s6, s10, $0xb8;
	[tilespmem:$0x1CB50] =	vst v63  }
0x30e: {  	_ =	swait.ge [sflag:s4], $0x4000  }
0x30f: {  	[sflag:s4] =	ssyncset.done $0x0  }
0x310: {  	s29 =	rddreg [dreg:$0xc];
	[sflag:s4] =	ssyncadd.s32 $0xFFFFC000  }
0x311: {  	[tilespmem:s11], [sflag:$0x1] =	stream.strided.gather [hbm4b:s29+s5], $0x4000, s7, s5, $0x38;
	[tilespmem:$0x1CB50] =	vst v63  }
0x312: {  	[bflag:$0x0] =	sbarrier.arrive $0xFFFF  }
0x313: {  	[tilespmem:s9], [sflag:$0x3] =	stream.indirect.gather [spmem:s2], $0x8, s6, s10, $0xb8;
	[tilespmem:$0x1CB50] =	vst v63  }
0x314: {  	_ =	swait.ge [sflag:s4], $0x4000  }
0x315: {  	[sflag:s4] =	ssyncset.done $0x0  }
0x316: {  	[sflag:s4] =	ssyncadd.s32 $0xFFFFC000  }
0x317: {  	[bflag:$0x0] =	sbarrier.arrive $0xFFFF  }
0x318: {  	s30 =	rddreg [dreg:$0xd]  }
0x319: {  	[hbm4b:s30+s5] =	stream.strided.scatter [tilespmem:s9], [sflag:$0x2], $0x4000, s7, s5, $0x38;
	[tilespmem:$0x1CB50] =	vst v63  }
0x31a: {  	_ = 	snop  }
0x31b: {  	[spmem:s2] =	stream.indirect.scatter [tilespmem:s13], [sflag:$0x3], $0x8, s6, s10, $0xb8;
	[tilespmem:$0x1CB50] =	vst v63  }
0x31c: {  	_ =	swait.ge [sflag:s4], $0x4000  }
0x31d: {  	[sflag:s4] =	ssyncset.done $0x0  }
0x31e: {  	[sflag:s4] =	ssyncadd.s32 $0xFFFFC000  }
0x31f: {  	_ =	swait.ge [sflag:s15], $0x4000  }
0x320: {  	[sflag:s15] =	ssyncset.done $0x0  }
0x321: {  	[sflag:s15] =	ssyncadd.s32 $0xFFFFC000  }
0x322: {  	_ =	swait.ge [sflag:s8], $0x4000  }
0x323: {  	[sflag:s8] =	ssyncset.done $0x0  }
0x324: {  	[sflag:s8] =	ssyncadd.s32 $0xFFFFC000  }
0x325: {  	[bflag:$0x0] =	sbarrier.arrive $0xFFFF  }
0x326: {  	[spmem:s2] =	stream.indirect.scatter.add.f32 [tilespmem:s11], [sflag:$0x3], $0x8, s6, s10, $0xb8;
	[tilespmem:$0x1CB50] =	vst v63  }
0x327: {  	_ =	swait.ge [sflag:s4], $0x4000  }
0x328: {  	[sflag:s4] =	ssyncset.done $0x0  }
0x329: {  	s31 =	rddreg [dreg:$0xe];
	[sflag:s4] =	ssyncadd.s32 $0xFFFFC000  }
0x32a: {  	[tilespmem:s17], [sflag:$0x1] =	stream.strided.gather [hbm4b:s31+s5], $0x4000, s7, s5, $0x38;
	[tilespmem:$0x1CB50] =	vst v63  }
0x32b: {  	[bflag:$0x0] =	sbarrier.arrive $0xFFFF  }
0x32c: {  	[tilespmem:s9], [sflag:$0x3] =	stream.indirect.gather [spmem:s2], $0x8, s6, s10, $0xb8;
	[tilespmem:$0x1CB50] =	vst v63  }
0x32d: {  	_ =	swait.ge [sflag:s4], $0x4000  }
0x32e: {  	[sflag:s4] =	ssyncset.done $0x0  }
0x32f: {  	[sflag:s4] =	ssyncadd.s32 $0xFFFFC000  }
0x330: {  	[bflag:$0x0] =	sbarrier.arrive $0xFFFF  }
0x331: {  	s1 =	rddreg [dreg:$0xf]  }
0x332: {  	[hbm4b:s1+s5] =	stream.strided.scatter [tilespmem:s9], [sflag:$0x2], $0x4000, s7, s5, $0x38;
	[tilespmem:$0x1CB50] =	vst v63  }
0x333: {  	_ = 	snop  }
0x334: {  	[spmem:s2] =	stream.indirect.scatter [tilespmem:s13], [sflag:$0x3], $0x8, s6, s10, $0xb8;
	[tilespmem:$0x1CB50] =	vst v63  }
0x335: {  	_ =	swait.ge [sflag:s4], $0x4000  }
0x336: {  	[sflag:s4] =	ssyncset.done $0x0  }
0x337: {  	[sflag:s4] =	ssyncadd.s32 $0xFFFFC000  }
0x338: {  	_ =	swait.ge [sflag:s15], $0x4000  }
0x339: {  	[sflag:s15] =	ssyncset.done $0x0  }
0x33a: {  	[sflag:s15] =	ssyncadd.s32 $0xFFFFC000  }
0x33b: {  	_ =	swait.ge [sflag:s8], $0x4000  }
0x33c: {  	[sflag:s8] =	ssyncset.done $0x0  }
0x33d: {  	[sflag:s8] =	ssyncadd.s32 $0xFFFFC000  }
0x33e: {  	[bflag:$0x0] =	sbarrier.arrive $0xFFFF  }
0x33f: {  	[spmem:s2] =	stream.indirect.scatter.add.f32 [tilespmem:s17], [sflag:$0x3], $0x8, s6, s10, $0xb8;
	[tilespmem:$0x1CB50] =	vst v63  }
0x340: {  	_ =	swait.ge [sflag:s4], $0x4000  }
0x341: {  	[sflag:s4] =	ssyncset.done $0x0  }
0x342: {  	s24 =	rddreg [dreg:$0x10];
	[sflag:s4] =	ssyncadd.s32 $0xFFFFC000  }
0x343: {  	[tilespmem:s11], [sflag:$0x1] =	stream.strided.gather [hbm4b:s24+s5], $0x4000, s7, s5, $0x38;
	[tilespmem:$0x1CB50] =	vst v63  }
0x344: {  	[bflag:$0x0] =	sbarrier.arrive $0xFFFF  }
0x345: {  	[tilespmem:s9], [sflag:$0x3] =	stream.indirect.gather [spmem:s2], $0x8, s6, s10, $0xb8;
	[tilespmem:$0x1CB50] =	vst v63  }
0x346: {  	_ =	swait.ge [sflag:s4], $0x4000  }
0x347: {  	[sflag:s4] =	ssyncset.done $0x0  }
0x348: {  	[sflag:s4] =	ssyncadd.s32 $0xFFFFC000  }
0x349: {  	[bflag:$0x0] =	sbarrier.arrive $0xFFFF  }
0x34a: {  	s25 =	rddreg [dreg:$0x11]  }
0x34b: {  	[hbm4b:s25+s5] =	stream.strided.scatter [tilespmem:s9], [sflag:$0x2], $0x4000, s7, s5, $0x38;
	[tilespmem:$0x1CB50] =	vst v63  }
0x34c: {  	_ = 	snop  }
0x34d: {  	[spmem:s2] =	stream.indirect.scatter [tilespmem:s13], [sflag:$0x3], $0x8, s6, s10, $0xb8;
	[tilespmem:$0x1CB50] =	vst v63  }
0x34e: {  	_ =	swait.ge [sflag:s4], $0x4000  }
0x34f: {  	[sflag:s4] =	ssyncset.done $0x0  }
0x350: {  	[sflag:s4] =	ssyncadd.s32 $0xFFFFC000  }
0x351: {  	_ =	swait.ge [sflag:s15], $0x4000  }
0x352: {  	[sflag:s15] =	ssyncset.done $0x0  }
0x353: {  	[sflag:s15] =	ssyncadd.s32 $0xFFFFC000  }
0x354: {  	_ =	swait.ge [sflag:s8], $0x4000  }
0x355: {  	[sflag:s8] =	ssyncset.done $0x0  }
0x356: {  	[sflag:s8] =	ssyncadd.s32 $0xFFFFC000  }
0x357: {  	[bflag:$0x0] =	sbarrier.arrive $0xFFFF  }
0x358: {  	[spmem:s2] =	stream.indirect.scatter.add.f32 [tilespmem:s11], [sflag:$0x3], $0x8, s6, s10, $0xb8;
	[tilespmem:$0x1CB50] =	vst v63  }
0x359: {  	_ =	swait.ge [sflag:s4], $0x4000  }
0x35a: {  	[sflag:s4] =	ssyncset.done $0x0  }
0x35b: {  	s29 =	rddreg [dreg:$0x12];
	[sflag:s4] =	ssyncadd.s32 $0xFFFFC000  }
0x35c: {  	[tilespmem:s17], [sflag:$0x1] =	stream.strided.gather [hbm4b:s29+s5], $0x4000, s7, s5, $0x38;
	[tilespmem:$0x1CB50] =	vst v63  }
0x35d: {  	[bflag:$0x0] =	sbarrier.arrive $0xFFFF  }
0x35e: {  	[tilespmem:s9], [sflag:$0x3] =	stream.indirect.gather [spmem:s2], $0x8, s6, s10, $0xb8;
	[tilespmem:$0x1CB50] =	vst v63  }
0x35f: {  	_ =	swait.ge [sflag:s4], $0x4000  }
0x360: {  	[sflag:s4] =	ssyncset.done $0x0  }
0x361: {  	[sflag:s4] =	ssyncadd.s32 $0xFFFFC000  }
0x362: {  	[bflag:$0x0] =	sbarrier.arrive $0xFFFF  }
0x363: {  	s30 =	rddreg [dreg:$0x13]  }
0x364: {  	[hbm4b:s30+s5] =	stream.strided.scatter [tilespmem:s9], [sflag:$0x2], $0x4000, s7, s5, $0x38;
	[tilespmem:$0x1CB50] =	vst v63  }
0x365: {  	_ = 	snop  }
0x366: {  	[spmem:s2] =	stream.indirect.scatter [tilespmem:s13], [sflag:$0x3], $0x8, s6, s10, $0xb8;
	[tilespmem:$0x1CB50] =	vst v63  }
0x367: {  	_ =	swait.ge [sflag:s4], $0x4000  }
0x368: {  	[sflag:s4] =	ssyncset.done $0x0  }
0x369: {  	[sflag:s4] =	ssyncadd.s32 $0xFFFFC000  }
0x36a: {  	_ =	swait.ge [sflag:s15], $0x4000  }
0x36b: {  	[sflag:s15] =	ssyncset.done $0x0  }
0x36c: {  	[sflag:s15] =	ssyncadd.s32 $0xFFFFC000  }
0x36d: {  	_ =	swait.ge [sflag:s8], $0x4000  }
0x36e: {  	[sflag:s8] =	ssyncset.done $0x0  }
0x36f: {  	[sflag:s8] =	ssyncadd.s32 $0xFFFFC000  }
0x370: {  	[bflag:$0x0] =	sbarrier.arrive $0xFFFF  }
0x371: {  	[spmem:s2] =	stream.indirect.scatter.add.f32 [tilespmem:s17], [sflag:$0x3], $0x8, s6, s10, $0xb8;
	[tilespmem:$0x1CB50] =	vst v63  }
0x372: {  	_ =	swait.ge [sflag:s4], $0x4000  }
0x373: {  	[sflag:s4] =	ssyncset.done $0x0  }
0x374: {  	s31 =	rddreg [dreg:$0x14];
	[sflag:s4] =	ssyncadd.s32 $0xFFFFC000  }
0x375: {  	[tilespmem:s11], [sflag:$0x1] =	stream.strided.gather [hbm4b:s31+s5], $0x4000, s7, s5, $0x38;
	[tilespmem:$0x1CB50] =	vst v63  }
0x376: {  	[bflag:$0x0] =	sbarrier.arrive $0xFFFF  }
0x377: {  	[tilespmem:s9], [sflag:$0x3] =	stream.indirect.gather [spmem:s2], $0x8, s6, s10, $0xb8;
	[tilespmem:$0x1CB50] =	vst v63  }
0x378: {  	_ =	swait.ge [sflag:s4], $0x4000  }
0x379: {  	[sflag:s4] =	ssyncset.done $0x0  }
0x37a: {  	[sflag:s4] =	ssyncadd.s32 $0xFFFFC000  }
0x37b: {  	[bflag:$0x0] =	sbarrier.arrive $0xFFFF  }
0x37c: {  	[hbm4b:s23+s5] =	stream.strided.scatter [tilespmem:s9], [sflag:$0x2], $0x4000, s7, s5, $0x38;
	[tilespmem:$0x1CB50] =	vst v63  }
0x37d: {  	_ = 	snop  }
0x37e: {  	[spmem:s2] =	stream.indirect.scatter [tilespmem:s13], [sflag:$0x3], $0x8, s6, s10, $0xb8;
	[tilespmem:$0x1CB50] =	vst v63  }
0x37f: {  	_ =	swait.ge [sflag:s4], $0x4000  }
0x380: {  	[sflag:s4] =	ssyncset.done $0x0  }
0x381: {  	[sflag:s4] =	ssyncadd.s32 $0xFFFFC000  }
0x382: {  	_ =	swait.ge [sflag:s15], $0x4000  }
0x383: {  	[sflag:s15] =	ssyncset.done $0x0  }
0x384: {  	[sflag:s15] =	ssyncadd.s32 $0xFFFFC000  }
0x385: {  	_ =	swait.ge [sflag:s8], $0x4000  }
0x386: {  	[sflag:s8] =	ssyncset.done $0x0  }
0x387: {  	[sflag:s8] =	ssyncadd.s32 $0xFFFFC000  }
0x388: {  	[bflag:$0x0] =	sbarrier.arrive $0xFFFF  }
0x389: {  	[spmem:s2] =	stream.indirect.scatter.add.f32 [tilespmem:s11], [sflag:$0x3], $0x8, s6, s10, $0xb8;
	[tilespmem:$0x1CB50] =	vst v63  }
0x38a: {  	_ =	swait.ge [sflag:s4], $0x4000  }
0x38b: {  	[sflag:s4] =	ssyncset.done $0x0  }
0x38c: {  	[sflag:s4] =	ssyncadd.s32 $0xFFFFC000  }
0x38d: {  	[tilespmem:s17], [sflag:$0x1] =	stream.strided.gather [hbm4b:s22+s5], $0x4000, s7, s5, $0x38;
	[tilespmem:$0x1CB50] =	vst v63  }
0x38e: {  	[bflag:$0x0] =	sbarrier.arrive $0xFFFF  }
0x38f: {  	[tilespmem:s9], [sflag:$0x3] =	stream.indirect.gather [spmem:s2], $0x8, s6, s10, $0xb8;
	[tilespmem:$0x1CB50] =	vst v63  }
0x390: {  	_ =	swait.ge [sflag:s4], $0x4000  }
0x391: {  	[sflag:s4] =	ssyncset.done $0x0  }
0x392: {  	[sflag:s4] =	ssyncadd.s32 $0xFFFFC000  }
0x393: {  	[bflag:$0x0] =	sbarrier.arrive $0xFFFF  }
0x394: {  	[hbm4b:s21+s5] =	stream.strided.scatter [tilespmem:s9], [sflag:$0x2], $0x4000, s7, s5, $0x38;
	[tilespmem:$0x1CB50] =	vst v63  }
0x395: {  	_ = 	snop  }
0x396: {  	[spmem:s2] =	stream.indirect.scatter [tilespmem:s13], [sflag:$0x3], $0x8, s6, s10, $0xb8;
	[tilespmem:$0x1CB50] =	vst v63  }
0x397: {  	_ =	swait.ge [sflag:s4], $0x4000  }
0x398: {  	[sflag:s4] =	ssyncset.done $0x0  }
0x399: {  	[sflag:s4] =	ssyncadd.s32 $0xFFFFC000  }
0x39a: {  	_ =	swait.ge [sflag:s15], $0x4000  }
0x39b: {  	[sflag:s15] =	ssyncset.done $0x0  }
0x39c: {  	[sflag:s15] =	ssyncadd.s32 $0xFFFFC000  }
0x39d: {  	_ =	swait.ge [sflag:s8], $0x4000  }
0x39e: {  	[sflag:s8] =	ssyncset.done $0x0  }
0x39f: {  	[sflag:s8] =	ssyncadd.s32 $0xFFFFC000  }
0x3a0: {  	[bflag:$0x0] =	sbarrier.arrive $0xFFFF  }
0x3a1: {  	[spmem:s2] =	stream.indirect.scatter.add.f32 [tilespmem:s17], [sflag:$0x3], $0x8, s6, s10, $0xb8;
	[tilespmem:$0x1CB50] =	vst v63  }
0x3a2: {  	_ =	swait.ge [sflag:s4], $0x4000  }
0x3a3: {  	[sflag:s4] =	ssyncset.done $0x0  }
0x3a4: {  	[sflag:s4] =	ssyncadd.s32 $0xFFFFC000  }
0x3a5: {  	[tilespmem:s11], [sflag:$0x1] =	stream.strided.gather [hbm4b:s20+s5], $0x4000, s7, s5, $0x38;
	[tilespmem:$0x1CB50] =	vst v63  }
0x3a6: {  	[bflag:$0x0] =	sbarrier.arrive $0xFFFF  }
0x3a7: {  	[tilespmem:s9], [sflag:$0x3] =	stream.indirect.gather [spmem:s2], $0x8, s6, s10, $0xb8;
	[tilespmem:$0x1CB50] =	vst v63  }
0x3a8: {  	_ =	swait.ge [sflag:s4], $0x4000  }
0x3a9: {  	[sflag:s4] =	ssyncset.done $0x0  }
0x3aa: {  	[sflag:s4] =	ssyncadd.s32 $0xFFFFC000  }
0x3ab: {  	[bflag:$0x0] =	sbarrier.arrive $0xFFFF  }
0x3ac: {  	[hbm4b:s19+s5] =	stream.strided.scatter [tilespmem:s9], [sflag:$0x2], $0x4000, s7, s5, $0x38;
	[tilespmem:$0x1CB50] =	vst v63  }
0x3ad: {  	_ = 	snop  }
0x3ae: {  	[spmem:s2] =	stream.indirect.scatter [tilespmem:s13], [sflag:$0x3], $0x8, s6, s10, $0xb8;
	[tilespmem:$0x1CB50] =	vst v63  }
0x3af: {  	_ =	swait.ge [sflag:s4], $0x4000  }
0x3b0: {  	[sflag:s4] =	ssyncset.done $0x0  }
0x3b1: {  	[sflag:s4] =	ssyncadd.s32 $0xFFFFC000  }
0x3b2: {  	_ =	swait.ge [sflag:s15], $0x4000  }
0x3b3: {  	[sflag:s15] =	ssyncset.done $0x0  }
0x3b4: {  	[sflag:s15] =	ssyncadd.s32 $0xFFFFC000  }
0x3b5: {  	_ =	swait.ge [sflag:s8], $0x4000  }
0x3b6: {  	[sflag:s8] =	ssyncset.done $0x0  }
0x3b7: {  	[sflag:s8] =	ssyncadd.s32 $0xFFFFC000  }
0x3b8: {  	[bflag:$0x0] =	sbarrier.arrive $0xFFFF  }
0x3b9: {  	[spmem:s2] =	stream.indirect.scatter.add.f32 [tilespmem:s11], [sflag:$0x3], $0x8, s6, s10, $0xb8;
	[tilespmem:$0x1CB50] =	vst v63  }
0x3ba: {  	_ =	swait.ge [sflag:s4], $0x4000  }
0x3bb: {  	[sflag:s4] =	ssyncset.done $0x0  }
0x3bc: {  	[sflag:s4] =	ssyncadd.s32 $0xFFFFC000  }
0x3bd: {  	[tilespmem:s17], [sflag:$0x1] =	stream.strided.gather [hbm4b:s18+s5], $0x4000, s7, s5, $0x38;
	[tilespmem:$0x1CB50] =	vst v63  }
0x3be: {  	[bflag:$0x0] =	sbarrier.arrive $0xFFFF  }
0x3bf: {  	[tilespmem:s9], [sflag:$0x3] =	stream.indirect.gather [spmem:s2], $0x8, s6, s10, $0xb8;
	[tilespmem:$0x1CB50] =	vst v63  }
0x3c0: {  	_ =	swait.ge [sflag:s4], $0x4000  }
0x3c1: {  	[sflag:s4] =	ssyncset.done $0x0  }
0x3c2: {  	[sflag:s4] =	ssyncadd.s32 $0xFFFFC000  }
0x3c3: {  	[bflag:$0x0] =	sbarrier.arrive $0xFFFF  }
0x3c4: {  	[hbm4b:s16+s5] =	stream.strided.scatter [tilespmem:s9], [sflag:$0x2], $0x4000, s7, s5, $0x38;
	[tilespmem:$0x1CB50] =	vst v63  }
0x3c5: {  	_ = 	snop  }
0x3c6: {  	[spmem:s2] =	stream.indirect.scatter [tilespmem:s13], [sflag:$0x3], $0x8, s6, s10, $0xb8;
	[tilespmem:$0x1CB50] =	vst v63  }
0x3c7: {  	_ =	swait.ge [sflag:s4], $0x4000  }
0x3c8: {  	[sflag:s4] =	ssyncset.done $0x0  }
0x3c9: {  	[sflag:s4] =	ssyncadd.s32 $0xFFFFC000  }
0x3ca: {  	_ =	swait.ge [sflag:s15], $0x4000  }
0x3cb: {  	[sflag:s15] =	ssyncset.done $0x0  }
0x3cc: {  	[sflag:s15] =	ssyncadd.s32 $0xFFFFC000  }
0x3cd: {  	_ =	swait.ge [sflag:s8], $0x4000  }
0x3ce: {  	[sflag:s8] =	ssyncset.done $0x0  }
0x3cf: {  	[sflag:s8] =	ssyncadd.s32 $0xFFFFC000  }
0x3d0: {  	[bflag:$0x0] =	sbarrier.arrive $0xFFFF  }
0x3d1: {  	[spmem:s2] =	stream.indirect.scatter.add.f32 [tilespmem:s17], [sflag:$0x3], $0x8, s6, s10, $0xb8;
	[tilespmem:$0x1CB50] =	vst v63  }
0x3d2: {  	_ =	swait.ge [sflag:s4], $0x4000  }
0x3d3: {  	[sflag:s4] =	ssyncset.done $0x0  }
0x3d4: {  	[sflag:s4] =	ssyncadd.s32 $0xFFFFC000  }
0x3d5: {  	[tilespmem:s11], [sflag:$0x1] =	stream.strided.gather [hbm4b:s14+s5], $0x4000, s7, s5, $0x38;
	[tilespmem:$0x1CB50] =	vst v63  }
0x3d6: {  	[bflag:$0x0] =	sbarrier.arrive $0xFFFF  }
0x3d7: {  	[tilespmem:s9], [sflag:$0x3] =	stream.indirect.gather [spmem:s2], $0x8, s6, s10, $0xb8;
	[tilespmem:$0x1CB50] =	vst v63  }
0x3d8: {  	_ =	swait.ge [sflag:s4], $0x4000  }
0x3d9: {  	[sflag:s4] =	ssyncset.done $0x0  }
0x3da: {  	[sflag:s4] =	ssyncadd.s32 $0xFFFFC000  }
0x3db: {  	[bflag:$0x0] =	sbarrier.arrive $0xFFFF  }
0x3dc: {  	[hbm4b:s12+s5] =	stream.strided.scatter [tilespmem:s9], [sflag:$0x2], $0x4000, s7, s5, $0x38;
	[tilespmem:$0x1CB50] =	vst v63  }
0x3dd: {  	_ = 	snop  }
0x3de: {  	[spmem:s2] =	stream.indirect.scatter [tilespmem:s13], [sflag:$0x3], $0x8, s6, s10, $0xb8;
	[tilespmem:$0x1CB50] =	vst v63  }
0x3df: {  	_ =	swait.ge [sflag:s4], $0x4000  }
0x3e0: {  	[sflag:s4] =	ssyncset.done $0x0  }
0x3e1: {  	[sflag:s4] =	ssyncadd.s32 $0xFFFFC000  }
0x3e2: {  	_ =	swait.ge [sflag:s15], $0x4000  }
0x3e3: {  	[sflag:s15] =	ssyncset.done $0x0  }
0x3e4: {  	[sflag:s15] =	ssyncadd.s32 $0xFFFFC000  }
0x3e5: {  	_ =	swait.ge [sflag:s8], $0x4000  }
0x3e6: {  	[sflag:s8] =	ssyncset.done $0x0  }
0x3e7: {  	[sflag:s8] =	ssyncadd.s32 $0xFFFFC000  }
0x3e8: {  	[bflag:$0x0] =	sbarrier.arrive $0xFFFF  }
0x3e9: {  	[spmem:s2] =	stream.indirect.scatter.add.f32 [tilespmem:s11], [sflag:$0x3], $0x8, s6, s10, $0xb8;
	[tilespmem:$0x1CB50] =	vst v63  }
0x3ea: {  	_ =	swait.ge [sflag:s4], $0x4000  }
0x3eb: {  	[sflag:s4] =	ssyncset.done $0x0  }
0x3ec: {  	[sflag:s4] =	ssyncadd.s32 $0xFFFFC000  }
0x3ed: {  	[bflag:$0x0] =	sbarrier.arrive $0xFFFF  }
0x3ee: {  	[tilespmem:s9], [sflag:$0x3] =	stream.indirect.gather [spmem:s2], $0x8, s6, s10, $0xb8;
	[tilespmem:$0x1CB50] =	vst v63  }
0x3ef: {  	_ =	swait.ge [sflag:s4], $0x4000  }
0x3f0: {  	[sflag:s4] =	ssyncset.done $0x0  }
0x3f1: {  	[sflag:s4] =	ssyncadd.s32 $0xFFFFC000  }
0x3f2: {  	[bflag:$0x0] =	sbarrier.arrive $0xFFFF  }
0x3f3: {  	[hbm4b:s3+s5] =	stream.strided.scatter [tilespmem:s9], [sflag:$0x2], $0x4000, s7, s5, $0x38;
	[tilespmem:$0x1CB50] =	vst v63  }
0x3f4: {  	_ =	swait.ge [sflag:s8], $0x4000  }
0x3f5: {  	[sflag:s8] =	ssyncset.done $0x0  }
0x3f6: {  	[sflag:s8] =	ssyncadd.s32 $0xFFFFC000  }
0x3f7: {  	_ =	sfence.sel $0x180000  }
0x3f8: {  	[bflag:$0x0] =	sbarrier.arrive $0xFFFF  }
0x3f9: {  	p0 =	sne.s32 s28, $0x0;
	_ =	strace $0x9000004A  }
0x3fa: {  	s0 =	sadd.s32 @!p0 $0x100000, s26;
	[bflag:$0x2] =	sbarrier.arrive $0xFFFF  }
0x3fb: {  	[sflag:s0] =	ssyncadd.tile.s32 @!p0 $0x1;
	_ =	shalt  }
.LBB2_2:
.Ltmp3:
0x3fc: {  	(pc) =	sbr.rel .LBB2_5-.Ltmp3, $2  }
0x3fd: {  	_ =	sdelay $0x2  }
0x3fe: {  	s26 =	rddreg [dreg:$0x2];
	s28 =	stileid.u32  }
.Lfunc_end2:
_tile_overlayer_lowered:
.L_overlay_start_2:
0x3ff: {  	(tag) =	ssettag $0x2  }
0x400: {  	s0 =	rddreg [dreg:$0x0];
	s2 =	stileid.u32  }
0x401: {  	s1 =	rddreg [dreg:$0x1];
	p0 =	sne.s32 s2, $0x0  }
0x402: {  	s3 =	rddreg [dreg:$0x2];
	[bflag:$0x3] =	sbarrier.arrive $0xFFFF;
	s2 =	simm.s32 @!p0 $0x1C03  }
0x403: {  	[timem:s3], [sflag:s2] =	dma.local @!p0 [hbm:s0], s1  }
0x404: {  	s0 =	simm.s32 @!p0 $0x3  }
0x405: {  	_ =	swait.ge @!p0 [sflag:s0], s1  }
0x406: {  	s1 =	ssub.s32 @!p0 $0x0, s1;
	[sflag:s0] =	ssyncset.done @!p0 $0x0  }
0x407: {  	[sflag:s0] =	ssyncadd.s32 @!p0 s1  }
0x408: {  	[bflag:$0x3] =	sbarrier.arrive $0xFFFF  }
0x409: {  	_ =	shalt  }

// kernel: kernel.13.cloned.1.call-start
scs
__scs_entry_jumppad:
0x0: {  	(pc) =	sbr.rel $0x88, $3  }
0x1: {  	(tag) =	ssettag $0x0;
	lr =	simm.s32 $0x1  }
0x2: {  	[smem:$0x3F95] =	sst lr;
	_ =	strace $0xD0000000  }
0x3: {  	_ = 	snop  }
0x4: {  	_ = 	snop  }
0x5: {  	_ = 	snop  }
0x6: {  	_ = 	snop  }
0x7: {  	_ = 	snop  }
__scs_overlays_trampoline_lowered:
0x8: {  	[smem:$0x3FA4] =	sst s0  }
0x9: {  	[smem:$0x3FA5] =	sst s1  }
0xa: {  	[smem:$0x3FA6] =	sst s2  }
0xb: {  	[smem:$0x3FA7] =	sst s3  }
0xc: {  	[smem:$0x3FA8] =	sst s4  }
0xd: {  	[smem:$0x3FA9] =	sst s5  }
0xe: {  	[smem:$0x3FAA] =	sst s6  }
0xf: {  	[smem:$0x3FAB] =	sst s7  }
0x10: {  	[smem:$0x3FAC] =	sst s8  }
0x11: {  	[smem:$0x3FAD] =	sst s9;
	s0 =	simm.s32 @!p0 $0x0  }
0x12: {  	s1 =	sld [smem:$0x3F93];
	s0 =	simm.s32 @p0 $0x1  }
0x13: {  	[smem:$0x3FAE] =	sst s0;
	s0 =	simm.s32 @!p1 $0x0  }
0x14: {  	s2 =	sld [smem:$0x3F92];
	s0 =	simm.s32 @p1 $0x1  }
0x15: {  	[smem:$0x3FAF] =	sst s0;
	s0 =	simm.s32 @!p2 $0x0  }
0x16: {  	s3 =	sld [smem:$0x3FDB];
	s0 =	simm.s32 @p2 $0x1  }
0x17: {  	s4 =	simm.s32 $0x1BF5;
	[smem:$0x3FB1] =	sst s0  }
0x18: {  	s0 =	sld [smem:$0x3F94];
	_ =	swait.ge [sflag:s4], $0x0  }
0x19: {  	s7 =	sld [smem:$0x3F95]  }
0x1a: {  	s8 =	sadd.s32 $0xFFFFE003, lr  }
0x1b: {  	s9 =	sadd.s32 $0xFFFFFEF7, lr;
	s5 =	simm.s32 $0xFFFFFFFF;
	p2 =	slt.u32 s8, $0xFFFFF086  }
0x1c: {  	p1 =	slt.u32 s9, $0xF7A;
	s5 =	simm.s32 @!p2 $0x0  }
0x1d: {  	s5 =	simm.s32 @p1 $0x1;
	p0 =	seq.s32 s7, s2  }
0x1e: {  	s7 =	smul.u32 @!p0 $0xF7A, s2;
	p2 =	seq.s32 @!p0 s5, $0x0  }
0x1f: {  	s9 =	smul.u32 $0xF7A, s1;
	s8 =	simm.s32 @!p0 $0x1BF5;
	p2 =	por !p2, p0  }
0x20: {  	[sflag:s8] =	ssyncset.s32 @!p0 $0xFFFFF086;
	s6 =	sadd.s32 @!p0 s3, s7;
	s7 =	simm.s32 @!p0 $0x108  }
0x21: {  	s3 =	sadd.s32 s3, s9;
	s6 =	sadd.s32 @!p0 $0x88, s6;
	s7 =	simm.s32 @p2 $0x1082  }
0x22: {  	[simem:s7], [sflag:s8] =	dma.local @!p0 [hbm:s6], $0xF7A  }
0x23: {  	s9 =	sor.u32 $0xD0000000, s2;
	s6 =	simm.s32 $0x108;
	_ =	swait.ge @!p0 [sflag:s8], $0x0  }
0x24: {  	s3 =	sadd.s32 $0x88, s3;
	s6 =	simm.s32 @!p1 $0x1082;
	[sflag:s4] =	ssyncset.s32 $0xFFFFF086  }
0x25: {  	[simem:s6], [sflag:s4] =	dma.local [hbm:s3], $0xF7A  }
0x26: {  	[smem:$0x3F95] =	sst s1;
	(tag) =	ssettag s2;
	_ =	strace s9  }
0x27: {  	s1 =	sld [smem:$0x3FA5]  }
0x28: {  	s2 =	sld [smem:$0x3FA6]  }
0x29: {  	s4 =	sld [smem:$0x3FA8]  }
0x2a: {  	p0 =	seq.s32 s5, $0x0;
	s5 =	sld [smem:$0x3FA9]  }
0x2b: {  	s6 =	sld [smem:$0x3FAA]  }
0x2c: {  	s7 =	sld [smem:$0x3FAB]  }
0x2d: {  	s3 =	simm.s32 $0x108;
	s8 =	sld [smem:$0x3FAC]  }
0x2e: {  	s3 =	simm.s32 @!p0 $0x1082;
	s9 =	sld [smem:$0x3FAD]  }
0x2f: {  	lr =	sadd.s32 s0, s3;
	s0 =	sld [smem:$0x3FA4]  }
0x30: {  	s3 =	sld [smem:$0x3FA7]  }
0x31: {  	[smem:$0x3FB0] =	sst s10  }
0x32: {  	s10 =	sld [smem:$0x3FAE];
	_ =	sdelay $0x3  }
0x33: {  	p0 =	seq.s32 s10, $0x1;
	s10 =	sld [smem:$0x3FB0];
	_ =	sdelay $0x3  }
0x34: {  	[smem:$0x3FB0] =	sst s10  }
0x35: {  	s10 =	sld [smem:$0x3FAF];
	_ =	sdelay $0x3  }
0x36: {  	p1 =	seq.s32 s10, $0x1;
	s10 =	sld [smem:$0x3FB0];
	_ =	sdelay $0x3  }
0x37: {  	[smem:$0x3FB0] =	sst s10  }
0x38: {  	s10 =	sld [smem:$0x3FB1]  }
0x39: {  	_ = 	snop;
	(pc) =	sbr.ind lr, $3  }
0x3a: {  	_ = 	snop  }
0x3b: {  	_ = 	snop  }
0x3c: {  	p2 =	seq.s32 s10, $0x1;
	s10 =	sld [smem:$0x3FB0]  }
0x3d: {  	_ =	shalt  }
0x3e: {  	_ =	shalt  }
0x3f: {  	_ =	shalt  }
0x40: {  	_ =	shalt  }
0x41: {  	_ =	shalt  }
0x42: {  	_ =	shalt  }
0x43: {  	_ =	shalt  }
0x44: {  	_ =	shalt  }
0x45: {  	_ =	shalt  }
0x46: {  	_ =	shalt  }
0x47: {  	_ =	shalt  }
0x48: {  	_ =	shalt  }
0x49: {  	_ =	shalt  }
0x4a: {  	_ =	shalt  }
0x4b: {  	_ =	shalt  }
0x4c: {  	_ =	shalt  }
0x4d: {  	_ =	shalt  }
0x4e: {  	_ =	shalt  }
0x4f: {  	_ =	shalt  }
0x50: {  	_ =	shalt  }
0x51: {  	_ =	shalt  }
0x52: {  	_ =	shalt  }
0x53: {  	_ =	shalt  }
0x54: {  	_ =	shalt  }
0x55: {  	_ =	shalt  }
0x56: {  	_ =	shalt  }
0x57: {  	_ =	shalt  }
0x58: {  	_ =	shalt  }
0x59: {  	_ =	shalt  }
0x5a: {  	_ =	shalt  }
0x5b: {  	_ =	shalt  }
0x5c: {  	_ =	shalt  }
0x5d: {  	_ =	shalt  }
0x5e: {  	_ =	shalt  }
0x5f: {  	_ =	shalt  }
0x60: {  	_ =	shalt  }
0x61: {  	_ =	shalt  }
0x62: {  	_ =	shalt  }
0x63: {  	_ =	shalt  }
0x64: {  	_ =	shalt  }
0x65: {  	_ =	shalt  }
0x66: {  	_ =	shalt  }
0x67: {  	_ =	shalt  }
0x68: {  	_ =	shalt  }
0x69: {  	_ =	shalt  }
0x6a: {  	_ =	shalt  }
0x6b: {  	_ =	shalt  }
0x6c: {  	_ =	shalt  }
0x6d: {  	_ =	shalt  }
0x6e: {  	_ =	shalt  }
0x6f: {  	_ =	shalt  }
0x70: {  	_ =	shalt  }
0x71: {  	_ =	shalt  }
0x72: {  	_ =	shalt  }
0x73: {  	_ =	shalt  }
0x74: {  	_ =	shalt  }
0x75: {  	_ =	shalt  }
0x76: {  	_ =	shalt  }
0x77: {  	_ =	shalt  }
0x78: {  	_ =	shalt  }
0x79: {  	_ =	shalt  }
0x7a: {  	_ =	shalt  }
0x7b: {  	_ =	shalt  }
0x7c: {  	_ =	shalt  }
0x7d: {  	_ =	shalt  }
0x7e: {  	_ =	shalt  }
0x7f: {  	_ =	shalt  }
0x80: {  	_ =	shalt  }
0x81: {  	_ =	shalt  }
0x82: {  	_ =	shalt  }
0x83: {  	_ =	shalt  }
0x84: {  	_ =	shalt  }
0x85: {  	_ =	shalt  }
0x86: {  	_ =	shalt  }
0x87: {  	_ =	shalt  }
.Lfunc_end0:
.L_simem_size_0:
called_computation.2_lowered:
.L_overlay_start_0:
0x88: {  	s2 =	sld [smem:$0x3FD9]  }
0x89: {  	s3 =	sld [smem:$0x3FFE];
	_ =	sdelay $0x1  }
0x8a: {  	s1 =	srdreg.scid  }
0x8b: {  	s0 =	sand.u32 $0x1, s1  }
0x8c: {  	s17 =	sshll.u32 s0, $0xA;
	s2 =	sadd.s32 s3, s2  }
0x8d: {  	s2 =	sadd.s32 s2, s17  }
0x8e: {  	[smem:$0x3FBC] =	sst s2  }
0x8f: {  	_ = 	snop  }
0x90: {  	s2 =	sld [smem:$0x3FD0];
	(tm) =	ssettm $0x1  }
0x91: {  	s18 =	sld [smem:$0x3FFB];
	_ =	sdelay $0x3  }
0x92: {  	_ =	strace s18  }
0x93: {  	s3 =	sld [smem:$0x3FFC];
	_ =	sdelay $0x3  }
0x94: {  	_ =	strace s3  }
0x95: {  	s3 =	sld [smem:$0x3FFD];
	_ =	sdelay $0x3  }
0x96: {  	_ =	strace s3  }
0x97: {  	_ =	strace $0x8FFFFFFF  }
0x98: {  	s19 =	sld [smem:$0x3FDB];
	_ =	sdelay $0x1  }
0x99: {  	s4 =	simm.s32 $_scs_section_size  }
0x9a: {  	s5 =	simm.s32 $_size__tile_overlayer_lowered;
	s6 =	simm.s32 $_tile_overlayer_lowered  }
0x9b: {  	s22 =	simm.s32 $0x1BFF;
	s21 =	sshll.u32 s6, $0x1;
	s3 =	sadd.s32 s4, s19  }
0x9c: {  	s7 =	simm.s32 $0x0;
	s20 =	sshll.u32 s5, $0x1;
	s5 =	sadd.s32 s21, s3  }
0x9d: {  	[timem:s7], [sflag:s22] =	dma.local [hbm:s5], s20  }
0x9e: {  	_ =	swait.ge [sflag:s22], s20  }
0x9f: {  	s4 =	ssub.s32 $0x0, s20;
	[sflag:s22] =	ssyncset.done $0x0  }
0xa0: {  	[sflag:s22] =	ssyncadd.s32 s4;
	_ =	sdelay $0x1  }
0xa1: {  	s23 =	simm.s32 $0x1B8B  }
0xa2: {  	_ =	swait.ge [sflag:s23], $0x1  }
0xa3: {  	[sflag:s23] =	ssyncset.done $0x0  }
0xa4: {  	s25 =	simm.s32 $0x1B8E;
	s24 =	sld [smem:$0x3FFE];
	[sflag:s23] =	ssyncadd.s32 $0xFFFFFFFF  }
0xa5: {  	s26 =	simm.s32 $execute0_lowered;
	[smem:$0x3FD2] =	sst s25  }
0xa6: {  	s5 =	sshll.u32 s26, $0x1;
	_ =	strace $0x8000004C;
	[dreg:$0x1] =	wrdreg $0xFFFFFFFF  }
0xa7: {  	s28 =	simm.s32 $_size_execute0_lowered;
	s3 =	sadd.s32 s3, s5;
	[dreg:$0x0] =	wrdreg $0x0  }
0xa8: {  	s5 =	sshll.u32 s28, $0x1;
	[dreg:$0x2] =	wrdreg s3  }
0xa9: {  	[dreg:$0x3] =	wrdreg s5  }
0xaa: {  	[dreg:$0x4] =	wrdreg $0xC0  }
0xab: {  	_ =	task [dreg:s7], $0x5FFFF  }
0xac: {  	[dreg:$0x1] =	wrdreg $0xFFFFFFFF  }
0xad: {  	[dreg:$0x0] =	wrdreg $0x60  }
0xae: {  	[dreg:$0x2] =	wrdreg s24  }
0xaf: {  	[dreg:$0x3] =	wrdreg s2  }
0xb0: {  	[dreg:$0x4] =	wrdreg $0x9  }
0xb1: {  	_ =	task.clear_ibuf [dreg:s7], $0x5FFFF;
	_ =	strace $0x9000004C  }
0xb2: {  	s29 =	simm.s32 $0x9;
	_ =	strace $0x8000004E  }
0xb3: {  	_ =	swait.ge [sflag:s29], $0x1  }
0xb4: {  	[sflag:s29] =	ssyncadd.s32 $0xFFFFFFFF  }
0xb5: {  	_ =	strace $0x9000004E  }
0xb6: {  	_ =	sfence  }
0xb7: {  	s30 =	sld [smem:$0x0];
	_ =	sdelay $0x2  }
0xb8: {  	s31 =	sshll.u32 s1, $0xD;
	s1 =	sshrl.u32 s1, $0x2  }
0xb9: {  	s3 =	sand.u32 $0x4000, s31;
	s1 =	sadd.s32 s1, s30  }
0xba: {  	s0 =	sor.u32 s3, s0;
	s1 =	sshll.u32 s1, $0x11  }
0xbb: {  	s0 =	sor.u32 s1, s0  }
0xbc: {  	s0 =	sadd.s32 $0x8F2B, s0  }
0xbd: {  	[sflag:s0] =	ssyncadd.remote.s32 $0x1  }
0xbe: {  	_ =	sfence.sel $0xFFFF  }
0xbf: {  	[dreg:$0x0] =	wrdreg $0xFFFFFFFF;
	(pc) =	sbr.abs _section_cstart, $3  }
0xc0: {  	[dreg:$0x1] =	wrdreg $0xFFFFFFFF  }
0xc1: {  	_ =	task.clear_ibuf [dreg:s7], $0x2FFFF;
	_ =	strace $0x9FFFFFFF  }
0xc2: {  	(tm) =	ssettm $0x7FFFFFFF  }
0xc3: {  	_ =	shalt  }
tec
execute0_lowered:
.L_overlay_start_1:
0x0: {  	(tag) =	ssettag $0x1  }
0x1: {  	s1 =	srdreg.scid  }
0x2: {  	s0 =	stileid.u32;
	s6 =	sand.u32 $0x1, s1  }
0x3: {  	s7 =	rddreg [dreg:$0x0];
	s3 =	sshll.u32 s0, $0xA;
	s1 =	sshll.u32 s6, $0xE  }
0x4: {  	s2 =	rddreg [dreg:$0x1];
	s31 =	ssub.s32 $0x2, s6;
	s8 =	sor.u32 s3, s1  }
0x5: {  	s1 =	rddreg [dreg:$0x2];
	s3 =	simm.s32 $0x0;
	s4 =	sshrl.u32 s8, $0x3  }
0x6: {  	[smem:$0x7FF] =	sst s3;
	s8 =	sshll.u32 s8, $0x3;
	s4 =	sadd.s32 s4, s7  }
0x7: {  	_ =	strace $0x8000004D;
	s5 =	sadd.s32 $0x2C00, s4;
	s4 =	simm.s32 $0x1  }
0x8: {  	[tilespmem:s3], [sflag:$0x1] =	stream.linear.gather [hbm4b:s5+s3], $0x400, $0x38;
	[tilespmem:$0x10400] =	vst v63  }
0x9: {  	s9 =	sshrl.u32 s31, $0x1;
	s7 =	sadd.s32 s8, s7;
	_ =	swait.ge [sflag:s4], $0x400  }
0xa: {  	s8 =	ssub.s32 s31, s9;
	s6 =	sadd.s32 $0x3C00, s7;
	[sflag:s4] =	ssyncset.done $0x0  }
0xb: {  	s7 =	simm.s32 $0x400;
	s8 =	smax.u32 s8, $0x1;
	[sflag:s4] =	ssyncadd.s32 $0xFFFFFC00  }
0xc: {  	[tilespmem:s7], [sflag:$0x1] =	stream.linear.gather [hbm4b:s6+s3], $0x10000, $0x38;
	[tilespmem:$0x10400] =	vst v63  }
0xd: {  	p0 =	sne.s32 s8, $0x1;
	_ =	swait.ge [sflag:s4], $0x10000  }
.Ltmp0:
0xe: {  	[sflag:s4] =	ssyncset.done $0x0;
	(pc) =	sbr.rel @!p0 .LBB2_2-.Ltmp0, $4  }
0xf: {  	[sflag:s4] =	ssyncadd.s32 $0xFFFF0000  }
0x10: {  	[hbm4b:s2+s7] =	stream.indirect.scatter [tilespmem:s7], [sflag:$0x1], $0x40, s3, s7, $0xb8;
	[tilespmem:$0x10400] =	vst v63  }
0x11: {  	_ =	swait.ge [sflag:s4], $0x10000  }
0x12: {  	s8 =	sadd.s32 $0xFFFFFFFF, s8;
	[sflag:s4] =	ssyncset.done $0x0  }
.LBB2_1:
0x13: {  	p0 =	sne.s32 s8, $0x1;
	s8 =	sadd.s32 $0xFFFFFFFF, s8;
	[sflag:s4] =	ssyncadd.s32 $0xFFFF0000  }
0x14: {  	[tilespmem:s3], [sflag:$0x1] =	stream.linear.gather [hbm4b:s5+s3], $0x400, $0x38;
	[tilespmem:$0x10400] =	vst v63  }
0x15: {  	_ =	swait.ge [sflag:s4], $0x400  }
0x16: {  	[sflag:s4] =	ssyncset.done $0x0  }
0x17: {  	[sflag:s4] =	ssyncadd.s32 $0xFFFFFC00  }
0x18: {  	[tilespmem:s7], [sflag:$0x1] =	stream.linear.gather [hbm4b:s6+s3], $0x10000, $0x38;
	[tilespmem:$0x10400] =	vst v63  }
0x19: {  	_ =	swait.ge [sflag:s4], $0x10000  }
.Ltmp1:
0x1a: {  	[sflag:s4] =	ssyncset.done $0x0;
	(pc) =	sbr.rel @p0 .LBB2_1-.Ltmp1, $4  }
0x1b: {  	[sflag:s4] =	ssyncadd.s32 $0xFFFF0000  }
0x1c: {  	[hbm4b:s2+s7] =	stream.indirect.scatter [tilespmem:s7], [sflag:$0x1], $0x40, s3, s7, $0xb8;
	[tilespmem:$0x10400] =	vst v63  }
0x1d: {  	_ =	swait.ge [sflag:s4], $0x10000  }
0x1e: {  	[sflag:s4] =	ssyncset.done $0x0  }
.LBB2_2:
0x1f: {  	[sflag:s4] =	ssyncadd.s32 $0xFFFF0000  }
0x20: {  	_ =	sfence.sel $0x180000  }
0x21: {  	[bflag:$0x0] =	sbarrier.arrive $0xFFFF  }
0x22: {  	p0 =	sne.s32 s0, $0x0;
	_ =	strace $0x9000004D  }
0x23: {  	s0 =	sadd.s32 @!p0 $0x100000, s1;
	[bflag:$0x2] =	sbarrier.arrive $0xFFFF  }
0x24: {  	[sflag:s0] =	ssyncadd.tile.s32 @!p0 $0x1;
	_ =	shalt  }
.Lfunc_end2:
_tile_overlayer_lowered:
.L_overlay_start_2:
0x25: {  	(tag) =	ssettag $0x2  }
0x26: {  	s0 =	rddreg [dreg:$0x0];
	s2 =	stileid.u32  }
0x27: {  	s1 =	rddreg [dreg:$0x1];
	p0 =	sne.s32 s2, $0x0  }
0x28: {  	s3 =	rddreg [dreg:$0x2];
	[bflag:$0x3] =	sbarrier.arrive $0xFFFF;
	s2 =	simm.s32 @!p0 $0x1C01  }
0x29: {  	[timem:s3], [sflag:s2] =	dma.local @!p0 [hbm:s0], s1  }
0x2a: {  	s0 =	simm.s32 @!p0 $0x1  }
0x2b: {  	_ =	swait.ge @!p0 [sflag:s0], s1  }
0x2c: {  	s1 =	ssub.s32 @!p0 $0x0, s1;
	[sflag:s0] =	ssyncset.done @!p0 $0x0  }
0x2d: {  	[sflag:s0] =	ssyncadd.s32 @!p0 s1  }
0x2e: {  	[bflag:$0x3] =	sbarrier.arrive $0xFFFF  }
0x2f: {  	_ =	shalt  }

// kernel: kernel.7.cloned.1.call-start
scs
__scs_entry_jumppad:
0x0: {  	(pc) =	sbr.rel $0x88, $3  }
0x1: {  	(tag) =	ssettag $0x0;
	lr =	simm.s32 $0x1  }
0x2: {  	[smem:$0x3F95] =	sst lr;
	_ =	strace $0xD0000000  }
0x3: {  	_ = 	snop  }
0x4: {  	_ = 	snop  }
0x5: {  	_ = 	snop  }
0x6: {  	_ = 	snop  }
0x7: {  	_ = 	snop  }
__scs_overlays_trampoline_lowered:
0x8: {  	[smem:$0x3FA4] =	sst s0  }
0x9: {  	[smem:$0x3FA5] =	sst s1  }
0xa: {  	[smem:$0x3FA6] =	sst s2  }
0xb: {  	[smem:$0x3FA7] =	sst s3  }
0xc: {  	[smem:$0x3FA8] =	sst s4  }
0xd: {  	[smem:$0x3FA9] =	sst s5  }
0xe: {  	[smem:$0x3FAA] =	sst s6  }
0xf: {  	[smem:$0x3FAB] =	sst s7  }
0x10: {  	[smem:$0x3FAC] =	sst s8  }
0x11: {  	[smem:$0x3FAD] =	sst s9;
	s0 =	simm.s32 @!p0 $0x0  }
0x12: {  	s1 =	sld [smem:$0x3F93];
	s0 =	simm.s32 @p0 $0x1  }
0x13: {  	[smem:$0x3FAE] =	sst s0;
	s0 =	simm.s32 @!p1 $0x0  }
0x14: {  	s2 =	sld [smem:$0x3F92];
	s0 =	simm.s32 @p1 $0x1  }
0x15: {  	[smem:$0x3FAF] =	sst s0;
	s0 =	simm.s32 @!p2 $0x0  }
0x16: {  	s3 =	sld [smem:$0x3FDB];
	s0 =	simm.s32 @p2 $0x1  }
0x17: {  	s4 =	simm.s32 $0x1BF5;
	[smem:$0x3FB1] =	sst s0  }
0x18: {  	s0 =	sld [smem:$0x3F94];
	_ =	swait.ge [sflag:s4], $0x0  }
0x19: {  	s7 =	sld [smem:$0x3F95]  }
0x1a: {  	s8 =	sadd.s32 $0xFFFFE003, lr  }
0x1b: {  	s9 =	sadd.s32 $0xFFFFFEF7, lr;
	s5 =	simm.s32 $0xFFFFFFFF;
	p2 =	slt.u32 s8, $0xFFFFF086  }
0x1c: {  	p1 =	slt.u32 s9, $0xF7A;
	s5 =	simm.s32 @!p2 $0x0  }
0x1d: {  	s5 =	simm.s32 @p1 $0x1;
	p0 =	seq.s32 s7, s2  }
0x1e: {  	s7 =	smul.u32 @!p0 $0xF7A, s2;
	p2 =	seq.s32 @!p0 s5, $0x0  }
0x1f: {  	s9 =	smul.u32 $0xF7A, s1;
	s8 =	simm.s32 @!p0 $0x1BF5;
	p2 =	por !p2, p0  }
0x20: {  	[sflag:s8] =	ssyncset.s32 @!p0 $0xFFFFF086;
	s6 =	sadd.s32 @!p0 s3, s7;
	s7 =	simm.s32 @!p0 $0x108  }
0x21: {  	s3 =	sadd.s32 s3, s9;
	s6 =	sadd.s32 @!p0 $0x88, s6;
	s7 =	simm.s32 @p2 $0x1082  }
0x22: {  	[simem:s7], [sflag:s8] =	dma.local @!p0 [hbm:s6], $0xF7A  }
0x23: {  	s9 =	sor.u32 $0xD0000000, s2;
	s6 =	simm.s32 $0x108;
	_ =	swait.ge @!p0 [sflag:s8], $0x0  }
0x24: {  	s3 =	sadd.s32 $0x88, s3;
	s6 =	simm.s32 @!p1 $0x1082;
	[sflag:s4] =	ssyncset.s32 $0xFFFFF086  }
0x25: {  	[simem:s6], [sflag:s4] =	dma.local [hbm:s3], $0xF7A  }
0x26: {  	[smem:$0x3F95] =	sst s1;
	(tag) =	ssettag s2;
	_ =	strace s9  }
0x27: {  	s1 =	sld [smem:$0x3FA5]  }
0x28: {  	s2 =	sld [smem:$0x3FA6]  }
0x29: {  	s4 =	sld [smem:$0x3FA8]  }
0x2a: {  	p0 =	seq.s32 s5, $0x0;
	s5 =	sld [smem:$0x3FA9]  }
0x2b: {  	s6 =	sld [smem:$0x3FAA]  }
0x2c: {  	s7 =	sld [smem:$0x3FAB]  }
0x2d: {  	s3 =	simm.s32 $0x108;
	s8 =	sld [smem:$0x3FAC]  }
0x2e: {  	s3 =	simm.s32 @!p0 $0x1082;
	s9 =	sld [smem:$0x3FAD]  }
0x2f: {  	lr =	sadd.s32 s0, s3;
	s0 =	sld [smem:$0x3FA4]  }
0x30: {  	s3 =	sld [smem:$0x3FA7]  }
0x31: {  	[smem:$0x3FB0] =	sst s10  }
0x32: {  	s10 =	sld [smem:$0x3FAE];
	_ =	sdelay $0x3  }
0x33: {  	p0 =	seq.s32 s10, $0x1;
	s10 =	sld [smem:$0x3FB0];
	_ =	sdelay $0x3  }
0x34: {  	[smem:$0x3FB0] =	sst s10  }
0x35: {  	s10 =	sld [smem:$0x3FAF];
	_ =	sdelay $0x3  }
0x36: {  	p1 =	seq.s32 s10, $0x1;
	s10 =	sld [smem:$0x3FB0];
	_ =	sdelay $0x3  }
0x37: {  	[smem:$0x3FB0] =	sst s10  }
0x38: {  	s10 =	sld [smem:$0x3FB1]  }
0x39: {  	_ = 	snop;
	(pc) =	sbr.ind lr, $3  }
0x3a: {  	_ = 	snop  }
0x3b: {  	_ = 	snop  }
0x3c: {  	p2 =	seq.s32 s10, $0x1;
	s10 =	sld [smem:$0x3FB0]  }
0x3d: {  	_ =	shalt  }
0x3e: {  	_ =	shalt  }
0x3f: {  	_ =	shalt  }
0x40: {  	_ =	shalt  }
0x41: {  	_ =	shalt  }
0x42: {  	_ =	shalt  }
0x43: {  	_ =	shalt  }
0x44: {  	_ =	shalt  }
0x45: {  	_ =	shalt  }
0x46: {  	_ =	shalt  }
0x47: {  	_ =	shalt  }
0x48: {  	_ =	shalt  }
0x49: {  	_ =	shalt  }
0x4a: {  	_ =	shalt  }
0x4b: {  	_ =	shalt  }
0x4c: {  	_ =	shalt  }
0x4d: {  	_ =	shalt  }
0x4e: {  	_ =	shalt  }
0x4f: {  	_ =	shalt  }
0x50: {  	_ =	shalt  }
0x51: {  	_ =	shalt  }
0x52: {  	_ =	shalt  }
0x53: {  	_ =	shalt  }
0x54: {  	_ =	shalt  }
0x55: {  	_ =	shalt  }
0x56: {  	_ =	shalt  }
0x57: {  	_ =	shalt  }
0x58: {  	_ =	shalt  }
0x59: {  	_ =	shalt  }
0x5a: {  	_ =	shalt  }
0x5b: {  	_ =	shalt  }
0x5c: {  	_ =	shalt  }
0x5d: {  	_ =	shalt  }
0x5e: {  	_ =	shalt  }
0x5f: {  	_ =	shalt  }
0x60: {  	_ =	shalt  }
0x61: {  	_ =	shalt  }
0x62: {  	_ =	shalt  }
0x63: {  	_ =	shalt  }
0x64: {  	_ =	shalt  }
0x65: {  	_ =	shalt  }
0x66: {  	_ =	shalt  }
0x67: {  	_ =	shalt  }
0x68: {  	_ =	shalt  }
0x69: {  	_ =	shalt  }
0x6a: {  	_ =	shalt  }
0x6b: {  	_ =	shalt  }
0x6c: {  	_ =	shalt  }
0x6d: {  	_ =	shalt  }
0x6e: {  	_ =	shalt  }
0x6f: {  	_ =	shalt  }
0x70: {  	_ =	shalt  }
0x71: {  	_ =	shalt  }
0x72: {  	_ =	shalt  }
0x73: {  	_ =	shalt  }
0x74: {  	_ =	shalt  }
0x75: {  	_ =	shalt  }
0x76: {  	_ =	shalt  }
0x77: {  	_ =	shalt  }
0x78: {  	_ =	shalt  }
0x79: {  	_ =	shalt  }
0x7a: {  	_ =	shalt  }
0x7b: {  	_ =	shalt  }
0x7c: {  	_ =	shalt  }
0x7d: {  	_ =	shalt  }
0x7e: {  	_ =	shalt  }
0x7f: {  	_ =	shalt  }
0x80: {  	_ =	shalt  }
0x81: {  	_ =	shalt  }
0x82: {  	_ =	shalt  }
0x83: {  	_ =	shalt  }
0x84: {  	_ =	shalt  }
0x85: {  	_ =	shalt  }
0x86: {  	_ =	shalt  }
0x87: {  	_ =	shalt  }
.Lfunc_end0:
.L_simem_size_0:
called_computation_lowered:
.L_overlay_start_0:
0x88: {  	s2 =	sld [smem:$0x3FD9]  }
0x89: {  	s3 =	sld [smem:$0x3FFE];
	_ =	sdelay $0x1  }
0x8a: {  	s1 =	srdreg.scid  }
0x8b: {  	s0 =	sand.u32 $0x1, s1  }
0x8c: {  	s17 =	sshll.u32 s0, $0xA;
	s2 =	sadd.s32 s3, s2  }
0x8d: {  	s2 =	sadd.s32 s2, s17  }
0x8e: {  	[smem:$0x3FBC] =	sst s2  }
0x8f: {  	_ = 	snop  }
0x90: {  	s2 =	sld [smem:$0x3FC4]  }
0x91: {  	s18 =	sld [smem:$0x3FD0];
	(tm) =	ssettm $0x1  }
0x92: {  	s4 =	sld [smem:$0x3FFB];
	_ =	sdelay $0x3  }
0x93: {  	_ =	strace s4  }
0x94: {  	s4 =	sld [smem:$0x3FFC];
	_ =	sdelay $0x3  }
0x95: {  	_ =	strace s4  }
0x96: {  	s4 =	sld [smem:$0x3FFD];
	_ =	sdelay $0x3  }
0x97: {  	_ =	strace s4  }
0x98: {  	_ =	strace $0x8FFFFFFF  }
0x99: {  	s19 =	sld [smem:$0x3FDB];
	_ =	sdelay $0x1  }
0x9a: {  	s5 =	simm.s32 $_scs_section_size  }
0x9b: {  	s6 =	simm.s32 $_size__tile_overlayer_lowered;
	s7 =	simm.s32 $_tile_overlayer_lowered  }
0x9c: {  	s22 =	simm.s32 $0x1BFF;
	s21 =	sshll.u32 s7, $0x1;
	s4 =	sadd.s32 s5, s19  }
0x9d: {  	s8 =	simm.s32 $0x0;
	s20 =	sshll.u32 s6, $0x1;
	s6 =	sadd.s32 s21, s4  }
0x9e: {  	[timem:s8], [sflag:s22] =	dma.local [hbm:s6], s20  }
0x9f: {  	_ =	swait.ge [sflag:s22], s20  }
0xa0: {  	s5 =	ssub.s32 $0x0, s20;
	[sflag:s22] =	ssyncset.done $0x0  }
0xa1: {  	[sflag:s22] =	ssyncadd.s32 s5;
	_ =	sdelay $0x1  }
0xa2: {  	s23 =	simm.s32 $0x1B8B  }
0xa3: {  	_ =	swait.ge [sflag:s23], $0x1  }
0xa4: {  	[sflag:s23] =	ssyncset.done $0x0  }
0xa5: {  	s25 =	simm.s32 $0x1B8E;
	s24 =	sld [smem:$0x3FFE];
	[sflag:s23] =	ssyncadd.s32 $0xFFFFFFFF  }
0xa6: {  	s26 =	simm.s32 $execute0_lowered;
	[smem:$0x3FD2] =	sst s25  }
0xa7: {  	s6 =	sshll.u32 s26, $0x1;
	_ =	strace $0x80000046;
	[dreg:$0x1] =	wrdreg $0xFFFFFFFF  }
0xa8: {  	s28 =	simm.s32 $_size_execute0_lowered;
	s4 =	sadd.s32 s4, s6;
	[dreg:$0x0] =	wrdreg $0x0  }
0xa9: {  	s6 =	sshll.u32 s28, $0x1;
	[dreg:$0x2] =	wrdreg s4  }
0xaa: {  	[dreg:$0x3] =	wrdreg s6  }
0xab: {  	[dreg:$0x4] =	wrdreg $0xC0  }
0xac: {  	_ =	task [dreg:s8], $0x5FFFF  }
0xad: {  	[dreg:$0x1] =	wrdreg $0xFFFFFFFF  }
0xae: {  	[dreg:$0x0] =	wrdreg $0x60  }
0xaf: {  	[dreg:$0x2] =	wrdreg s24  }
0xb0: {  	[dreg:$0x3] =	wrdreg s18  }
0xb1: {  	[dreg:$0x4] =	wrdreg s2  }
0xb2: {  	[dreg:$0x5] =	wrdreg $0x9  }
0xb3: {  	_ =	task.clear_ibuf [dreg:s8], $0x6FFFF;
	_ =	strace $0x90000046  }
0xb4: {  	s29 =	simm.s32 $0x9;
	_ =	strace $0x80000048  }
0xb5: {  	_ =	swait.ge [sflag:s29], $0x1  }
0xb6: {  	[sflag:s29] =	ssyncadd.s32 $0xFFFFFFFF  }
0xb7: {  	_ =	strace $0x90000048  }
0xb8: {  	_ =	sfence  }
0xb9: {  	s30 =	sld [smem:$0x0];
	_ =	sdelay $0x2  }
0xba: {  	s31 =	sshll.u32 s1, $0xD;
	s1 =	sshrl.u32 s1, $0x2  }
0xbb: {  	s3 =	sand.u32 $0x4000, s31;
	s1 =	sadd.s32 s1, s30  }
0xbc: {  	s0 =	sor.u32 s3, s0;
	s1 =	sshll.u32 s1, $0x11  }
0xbd: {  	s0 =	sor.u32 s1, s0  }
0xbe: {  	s0 =	sadd.s32 $0x8F2B, s0  }
0xbf: {  	[sflag:s0] =	ssyncadd.remote.s32 $0x1  }
0xc0: {  	_ =	sfence.sel $0xFFFF  }
0xc1: {  	[dreg:$0x0] =	wrdreg $0xFFFFFFFF;
	(pc) =	sbr.abs _section_cstart, $3  }
0xc2: {  	[dreg:$0x1] =	wrdreg $0xFFFFFFFF  }
0xc3: {  	_ =	task.clear_ibuf [dreg:s8], $0x2FFFF;
	_ =	strace $0x9FFFFFFF  }
0xc4: {  	(tm) =	ssettm $0x7FFFFFFF  }
0xc5: {  	_ =	shalt  }
tec
execute0_lowered:
.L_overlay_start_1:
0x0: {  	(tag) =	ssettag $0x1  }
0x1: {  	s0 =	srdreg.scid;
	s10 =	rddreg [dreg:$0x0]  }
0x2: {  	s2 =	rddreg [dreg:$0x1];
	s9 =	sand.u32 $0x1, s0  }
0x3: {  	s3 =	rddreg [dreg:$0x2];
	s0 =	stileid.u32;
	s1 =	sshll.u32 s9, $0x4  }
0x4: {  	s4 =	simm.s32 $0x0;
	s7 =	simm.s32 $0x400;
	s8 =	sor.u32 s0, s1  }
0x5: {  	s13 =	simm.s32 $0x1;
	[smem:$0x7FF] =	sst s4;
	s5 =	sshll.u32 s8, $0x7  }
0x6: {  	s12 =	sand.u32 $0x3, s0;
	s1 =	rddreg [dreg:$0x3];
	s6 =	sadd.s32 s5, s10  }
0x7: {  	_ =	strace $0x80000047;
	s5 =	simm.s32 $0x1;
	s6 =	sadd.s32 $0x2C00, s6  }
0x8: {  	[tilespmem:s4], [sflag:$0x1] =	stream.linear.gather [hbm4b:s6+s4], $0x400, $0x38;
	[tilespmem:$0x10800] =	vst v63  }
0x9: {  	s28 =	ssub.s32 $0x2, s9;
	p1 =	sne.s32 s12, $0x0;
	_ =	swait.ge [sflag:s5], $0x400  }
0xa: {  	s12 =	sshll.u32 s12, $0xA;
	p0 =	seq.s32 s8, $0x0;
	[sflag:s5] =	ssyncset.done $0x0  }
0xb: {  	s30 =	sshrl.u32 s28, $0x1;
	p0 =	por !p1, !p0;
	[sflag:s5] =	ssyncadd.s32 $0xFFFFFC00  }
0xc: {  	[tilespmem:s7], [sflag:$0x1] =	stream.indirect.gather [hbm4b:s2+s7], $0x40, s4, s7, $0xb8;
	[tilespmem:$0x10800] =	vst v63  }
0xd: {  	s11 =	sshll.u32 s8, $0xD;
	p0 =	por !p0, !p0;
	_ =	swait.ge [sflag:s5], $0x10000  }
0xe: {  	s8 =	sshrl.u32 s8, $0x2;
	s13 =	simm.s32 @!p0 $0x0;
	[sflag:s5] =	ssyncset.done $0x0  }
0xf: {  	s13 =	ssub.s32 s8, s13;
	s8 =	simm.s32 $0x10400;
	[sflag:s5] =	ssyncadd.s32 $0xFFFF0000  }
0x10: {  	[tilespmem:s8], [sflag:$0x1] =	stream.indirect.gather [hbm4b:s3+s7], $0x1, s4, s7, $0xb8;
	[tilespmem:$0x10800] =	vst v63  }
0x11: {  	s31 =	ssub.s32 s28, s30;
	s11 =	sadd.s32 s11, s10;
	_ =	swait.ge [sflag:s5], $0x400  }
0x12: {  	s9 =	sadd.s32 $0x3C00, s11;
	s13 =	sshll.u32 s13, $0xC;
	[sflag:s5] =	ssyncset.done $0x0  }
0x13: {  	s11 =	smax.u32 s31, $0x1;
	s12 =	sor.u32 s12, s13;
	[sflag:s5] =	ssyncadd.s32 $0xFFFFFC00  }
0x14: {  	[hbm4b:s9+s4] =	stream.linear.scatter [tilespmem:s7], [sflag:$0x1], $0x10000, $0x38;
	[tilespmem:$0x10800] =	vst v63  }
0x15: {  	p0 =	sne.s32 s11, $0x1;
	s29 =	sshrl.u32 s12, $0x3;
	_ =	swait.ge [sflag:s5], $0x10000  }
.Ltmp0:
0x16: {  	s10 =	sadd.s32 s29, s10;
	[sflag:s5] =	ssyncset.done $0x0;
	(pc) =	sbr.rel @!p0 .LBB2_2-.Ltmp0, $4  }
0x17: {  	s10 =	sadd.s32 $0x43C00, s10;
	[sflag:s5] =	ssyncadd.s32 $0xFFFF0000  }
0x18: {  	[hbm4b:s10+s4] =	stream.linear.scatter [tilespmem:s8], [sflag:$0x1], $0x400, $0x38;
	[tilespmem:$0x10800] =	vst v63  }
0x19: {  	_ =	swait.ge [sflag:s5], $0x400  }
0x1a: {  	s11 =	sadd.s32 $0xFFFFFFFF, s11;
	[sflag:s5] =	ssyncset.done $0x0  }
.LBB2_1:
0x1b: {  	p0 =	sne.s32 s11, $0x1;
	s11 =	sadd.s32 $0xFFFFFFFF, s11;
	[sflag:s5] =	ssyncadd.s32 $0xFFFFFC00  }
0x1c: {  	[tilespmem:s4], [sflag:$0x1] =	stream.linear.gather [hbm4b:s6+s4], $0x400, $0x38;
	[tilespmem:$0x10800] =	vst v63  }
0x1d: {  	_ =	swait.ge [sflag:s5], $0x400  }
0x1e: {  	[sflag:s5] =	ssyncset.done $0x0  }
0x1f: {  	[sflag:s5] =	ssyncadd.s32 $0xFFFFFC00  }
0x20: {  	[tilespmem:s7], [sflag:$0x1] =	stream.indirect.gather [hbm4b:s2+s7], $0x40, s4, s7, $0xb8;
	[tilespmem:$0x10800] =	vst v63  }
0x21: {  	_ =	swait.ge [sflag:s5], $0x10000  }
0x22: {  	[sflag:s5] =	ssyncset.done $0x0  }
0x23: {  	[sflag:s5] =	ssyncadd.s32 $0xFFFF0000  }
0x24: {  	[tilespmem:s8], [sflag:$0x1] =	stream.indirect.gather [hbm4b:s3+s7], $0x1, s4, s7, $0xb8;
	[tilespmem:$0x10800] =	vst v63  }
0x25: {  	_ =	swait.ge [sflag:s5], $0x400  }
0x26: {  	[sflag:s5] =	ssyncset.done $0x0  }
0x27: {  	[sflag:s5] =	ssyncadd.s32 $0xFFFFFC00  }
0x28: {  	[hbm4b:s9+s4] =	stream.linear.scatter [tilespmem:s7], [sflag:$0x1], $0x10000, $0x38;
	[tilespmem:$0x10800] =	vst v63  }
0x29: {  	_ =	swait.ge [sflag:s5], $0x10000  }
.Ltmp1:
0x2a: {  	[sflag:s5] =	ssyncset.done $0x0;
	(pc) =	sbr.rel @p0 .LBB2_1-.Ltmp1, $4  }
0x2b: {  	[sflag:s5] =	ssyncadd.s32 $0xFFFF0000  }
0x2c: {  	[hbm4b:s10+s4] =	stream.linear.scatter [tilespmem:s8], [sflag:$0x1], $0x400, $0x38;
	[tilespmem:$0x10800] =	vst v63  }
0x2d: {  	_ =	swait.ge [sflag:s5], $0x400  }
0x2e: {  	[sflag:s5] =	ssyncset.done $0x0  }
.LBB2_2:
0x2f: {  	[sflag:s5] =	ssyncadd.s32 $0xFFFFFC00  }
0x30: {  	_ =	sfence.sel $0x180000  }
0x31: {  	[bflag:$0x0] =	sbarrier.arrive $0xFFFF  }
0x32: {  	p0 =	sne.s32 s0, $0x0;
	_ =	strace $0x90000047  }
0x33: {  	s0 =	sadd.s32 @!p0 $0x100000, s1;
	[bflag:$0x2] =	sbarrier.arrive $0xFFFF  }
0x34: {  	[sflag:s0] =	ssyncadd.tile.s32 @!p0 $0x1;
	_ =	shalt  }
.Lfunc_end2:
_tile_overlayer_lowered:
.L_overlay_start_2:
0x35: {  	(tag) =	ssettag $0x2  }
0x36: {  	s0 =	rddreg [dreg:$0x0];
	s2 =	stileid.u32  }
0x37: {  	s1 =	rddreg [dreg:$0x1];
	p0 =	sne.s32 s2, $0x0  }
0x38: {  	s3 =	rddreg [dreg:$0x2];
	[bflag:$0x3] =	sbarrier.arrive $0xFFFF;
	s2 =	simm.s32 @!p0 $0x1C01  }
0x39: {  	[timem:s3], [sflag:s2] =	dma.local @!p0 [hbm:s0], s1  }
0x3a: {  	s0 =	simm.s32 @!p0 $0x1  }
0x3b: {  	_ =	swait.ge @!p0 [sflag:s0], s1  }
0x3c: {  	s1 =	ssub.s32 @!p0 $0x0, s1;
	[sflag:s0] =	ssyncset.done @!p0 $0x0  }
0x3d: {  	[sflag:s0] =	ssyncadd.s32 @!p0 s1  }
0x3e: {  	[bflag:$0x3] =	sbarrier.arrive $0xFFFF  }
0x3f: {  	_ =	shalt  }

</sc_bundles>
